<compile_context>
chip_gen: v7x
topology: tpu7x:2x2x1
jax: 0.10.2.dev20260603
libtpu: 0.0.44.dev20260713+nightly
codegen_flags: <defaults>
</compile_context>

<pallas_src>
import functools

import jax
import jax.numpy as jnp
import numpy as np
from jax import lax
from jax.experimental import pallas as pl
from jax.experimental.pallas import tpu as pltpu
from jax.experimental.pallas import tpu_sc as plsc

EPS = 1e-06
THETA = 150000.0
ALPHA = 1.702
NEG = -1e30
NC, NS = 2, 16
NW = NC * NS


def _rope_tables(S, HD):
    pos = jnp.arange(S, dtype=jnp.float32)
    inv = 1.0 / (THETA ** (jnp.arange(0, HD, 2, dtype=jnp.float32) / HD))
    fr = pos[:, None] * inv[None, :]
    cos = jnp.concatenate([jnp.cos(fr), jnp.cos(fr)], axis=-1)
    sin = jnp.concatenate([jnp.sin(fr), jnp.sin(fr)], axis=-1)
    return cos, sin


def _rot_half(x, HD):
    half = HD // 2
    lanes = lax.broadcasted_iota(jnp.int32, x.shape, 1) % HD
    lo = pltpu.roll(x, x.shape[1] - half, 1)
    hi = pltpu.roll(x, half, 1)
    return jnp.where(lanes < half, -lo, hi)


def _k1_body(x_ref, ln1_ref, w_ref, b_ref, cq_ref, sq_ref, ck_ref, sk_ref,
             q_out, k_out, v_out, *, DQ, DKV, HD):
    xb = x_ref[...]
    var = jnp.mean(xb * xb, axis=-1, keepdims=True)
    h = xb * lax.rsqrt(var + EPS) * ln1_ref[...]
    qkv = jnp.dot(h, w_ref[...],
                  preferred_element_type=jnp.float32)
    qkv = qkv + b_ref[...]
    q = qkv[:, :DQ]
    k = qkv[:, DQ:DQ + DKV]
    v = qkv[:, DQ + DKV:]
    q_out[...] = (q * cq_ref[...]
                  + _rot_half(q, HD) * sq_ref[...]).astype(jnp.bfloat16)
    k_out[...] = (k * ck_ref[...]
                  + _rot_half(k, HD) * sk_ref[...]).astype(jnp.bfloat16)
    v_out[...] = v.astype(jnp.bfloat16)


def _k2_body(q_ref, k_ref, v_ref, snk_ref, o_ref, *, BQ, L, row0, scale):
    q = q_ref[...].reshape(2 * BQ, q_ref.shape[2])
    k = k_ref[0]
    s = lax.dot_general(q, k, (((1,), (1,)), ((), ())),
                        preferred_element_type=jnp.float32) * scale
    rows = (lax.broadcasted_iota(jnp.int32, (2 * BQ, L), 0) % BQ) + row0
    cols = lax.broadcasted_iota(jnp.int32, (2 * BQ, L), 1)
    s = jnp.where(rows >= cols, s, NEG)
    hsel = lax.broadcasted_iota(jnp.int32, (2 * BQ, 1), 0) < BQ
    snk = jnp.where(hsel, snk_ref[0, 0, 0], snk_ref[1, 0, 0])
    m = jnp.max(s, axis=-1, keepdims=True)
    m2 = jnp.maximum(m, snk)
    p = jnp.exp(s - m2)
    denom = jnp.sum(p, axis=-1, keepdims=True) + jnp.exp(snk - m2)
    probs = (p / denom).astype(jnp.bfloat16)
    o = jnp.dot(probs, v_ref[0],
                preferred_element_type=jnp.float32).astype(jnp.bfloat16)
    o_ref[...] = o.reshape(2, BQ, o_ref.shape[2])


def _k3_body(att_ref, ow_ref, ob_ref, res_ref, ln2_ref, rw_ref, rb_ref,
             hid_out, x2_out, tk_out, *, E):
    a = att_ref[...]
    hid = res_ref[...] + jnp.dot(a, ow_ref[...],
                                 preferred_element_type=jnp.float32)
    hid = hid + ob_ref[...]
    hid_out[...] = hid
    var = jnp.mean(hid * hid, axis=-1, keepdims=True)
    x2 = hid * lax.rsqrt(var + EPS) * ln2_ref[...]
    x2_out[...] = x2
    rl = lax.dot_general(x2, rw_ref[...], (((1,), (0,)), ((), ())),
                         preferred_element_type=jnp.float32)
    rl = rl + rb_ref[...]
    lanes = lax.broadcasted_iota(jnp.int32, rl.shape, 1)
    m1 = jnp.max(rl, axis=-1, keepdims=True)
    a1 = jnp.min(jnp.where(rl == m1, lanes, E), axis=-1, keepdims=True)
    rl2 = jnp.where(lanes == a1, NEG, rl)
    m2 = jnp.max(rl2, axis=-1, keepdims=True)
    a2 = jnp.min(jnp.where(rl2 == m2, lanes, E), axis=-1, keepdims=True)
    e2 = jnp.exp(m2 - m1)
    p1 = 1.0 / (1.0 + e2)
    p2 = e2 * p1
    z = jnp.zeros_like(rl[:, :4])
    tk_out[...] = jnp.concatenate(
        [a1.astype(jnp.float32), a2.astype(jnp.float32), p1, p2, z], axis=1)


def _kr_body(tk_ref, L_ref, U_ref, pos_out, w_out, w0_out, w1_out,
             po_out, pc_out, *, S, E, BM):
    tkb = tk_ref[...]
    lanes = lax.broadcasted_iota(jnp.int32, (S, E), 1).astype(jnp.float32)
    e0 = tkb[:, 0:1]
    e1 = tkb[:, 1:2]
    oh0 = (lanes == e0).astype(jnp.bfloat16)
    oh1 = (lanes == e1).astype(jnp.bfloat16)
    cum0 = jnp.dot(L_ref[...], oh0, preferred_element_type=jnp.float32)
    cum1 = jnp.dot(L_ref[...], oh1, preferred_element_type=jnp.float32)
    tot0 = jnp.sum(oh0.astype(jnp.float32), axis=0, keepdims=True)
    tot1 = jnp.sum(oh1.astype(jnp.float32), axis=0, keepdims=True)
    c = tot0 + tot1
    pc = jnp.floor((c + (BM - 1)) / BM) * BM
    po = lax.dot_general(pc, U_ref[...], (((1,), (0,)), ((), ())),
                         precision=lax.Precision.HIGHEST,
                         preferred_element_type=jnp.float32)
    r0 = jnp.sum(jnp.where(lanes == e0, cum0 + po, 0.0), axis=1, keepdims=True)
    r1 = jnp.sum(jnp.where(lanes == e1, tot0 + cum1 + po, 0.0), axis=1,
                 keepdims=True)
    pos_out[...] = jnp.concatenate([r0, r1], axis=1).astype(jnp.int32)
    w_out[...] = tkb[:, 2:4]
    w0_out[...] = jnp.broadcast_to(tkb[:, 2:3], (S, 128))
    w1_out[...] = jnp.broadcast_to(tkb[:, 3:4], (S, 128))
    po_out[...] = po.astype(jnp.int32)
    pc_out[...] = pc.astype(jnp.int32)


def _ksg_body(x2_hbm, posf_hbm, w16_hbm, xg_hbm, wout_hbm, posv, rowsv,
              wrowv, sem, *, S, PAIRS_W, CH):
    wid = lax.axis_index("s") * NC + lax.axis_index("c")
    half = PAIRS_W * (NW // 2)
    base = wid * PAIRS_W
    tok_base = jnp.where(base >= half, base - half, base)
    for ch in range(PAIRS_W // CH):
        b = base + ch * CH
        tb = tok_base + ch * CH
        pltpu.sync_copy(posf_hbm.at[pl.ds(b, CH)], posv)
        pltpu.sync_copy(x2_hbm.at[pl.ds(tb, CH)], rowsv)
        pltpu.async_copy(rowsv, xg_hbm.at[posv], sem).wait()
        pltpu.sync_copy(w16_hbm.at[pl.ds(b, CH)], wrowv)
        pltpu.async_copy(wrowv, wout_hbm.at[posv], sem).wait()


def _kc_body(pout_hbm, posf_hbm, pout2_hbm, posv, rowsv, sem, *,
             PAIRS_W, CH):
    wid = lax.axis_index("s") * NC + lax.axis_index("c")
    base = wid * PAIRS_W
    for ch in range(PAIRS_W // CH):
        b = base + ch * CH
        pltpu.sync_copy(posf_hbm.at[pl.ds(b, CH)], posv)
        pltpu.async_copy(pout_hbm.at[posv], rowsv, sem).wait()
        pltpu.sync_copy(rowsv, pout2_hbm.at[pl.ds(b, CH)])


def _ka_body(hid_ref, p0_ref, p1_ref, out_ref):
    out_ref[...] = hid_ref[...] + p0_ref[...] + p1_ref[...]


def _kf_body(po_ref, pc_ref, xg_ref, wv_ref, gw_ref, gb_ref, uw_ref, ub_ref,
             dw_ref, db_ref, out_ref, *, BM, E):
    g = pl.program_id(0)
    nb = (po_ref[E - 1] + pc_ref[E - 1]) // BM

    @pl.when(g < nb)
    def _():
        xb = xg_ref[...]
        gg = jnp.dot(xb, gw_ref[0], preferred_element_type=jnp.float32)
        gg = gg + gb_ref[0]
        u = jnp.dot(xb, uw_ref[0], preferred_element_type=jnp.float32)
        u = u + ub_ref[0]
        w0 = jnp.minimum(gg, 7.0)
        w1 = jnp.clip(u, -7.0, 7.0)
        glu = w0 * (1.0 / (1.0 + jnp.exp(-ALPHA * w0)))
        inter = (w1 + 1.0) * glu
        dn = jnp.dot(inter, dw_ref[0], preferred_element_type=jnp.float32)
        dn = dn + db_ref[0]
        out_ref[...] = dn * wv_ref[:, 0:1]


def _run_sc_scatter(x2, posf, w16, S, D, PAD):
    PAIRS_W = (2 * S) // NW
    CH = 64
    while PAIRS_W % CH:
        CH //= 2
    mesh = plsc.VectorSubcoreMesh(core_axis_name="c", subcore_axis_name="s")
    f = functools.partial(
        pl.kernel,
        functools.partial(_ksg_body, S=S, PAIRS_W=PAIRS_W, CH=CH),
        out_type=[jax.ShapeDtypeStruct((PAD, D), jnp.float32),
                  jax.ShapeDtypeStruct((PAD, 128), jnp.float32)],
        mesh=mesh,
        scratch_types=[pltpu.VMEM((CH,), jnp.int32),
                       pltpu.VMEM((CH, D), jnp.float32),
                       pltpu.VMEM((CH, 128), jnp.float32),
                       pltpu.SemaphoreType.DMA],
    )()
    return f(x2, posf, w16)


def _run_sc_combine(hid, pairout, posf, S, D):
    PAIRS_W = (2 * S) // NW
    CH = 64
    while PAIRS_W % CH:
        CH //= 2
    mesh = plsc.VectorSubcoreMesh(core_axis_name="c", subcore_axis_name="s")
    f = functools.partial(
        pl.kernel,
        functools.partial(_kc_body, PAIRS_W=PAIRS_W, CH=CH),
        out_type=jax.ShapeDtypeStruct((2 * S, D), jnp.float32),
        mesh=mesh,
        scratch_types=[pltpu.VMEM((CH,), jnp.int32),
                       pltpu.VMEM((CH, D), jnp.float32),
                       pltpu.SemaphoreType.DMA],
    )()
    pout2 = f(pairout, posf)
    BS = min(512, S)
    NI = S // BS
    return pl.pallas_call(
        _ka_body,
        grid=(NI,),
        in_specs=[
            pl.BlockSpec((BS, D), lambda i: (i, 0)),
            pl.BlockSpec((BS, D), lambda i: (i, 0)),
            pl.BlockSpec((BS, D), lambda i, NI=NI: (i + NI, 0)),
        ],
        out_specs=pl.BlockSpec((BS, D), lambda i: (i, 0)),
        out_shape=jax.ShapeDtypeStruct((S, D), jnp.float32),
    )(hid, pout2, pout2)


def kernel(hidden_states, ln1_w, q_w, q_b, k_w, k_b, v_w, v_b, o_w, o_b,
           sinks, ln2_w, router_w, router_b, gate_w, gate_b, up_w, up_b,
           down_w, down_b):
    B, S, D = hidden_states.shape
    H = sinks.shape[0]
    DQ = q_w.shape[1]
    DKV = k_w.shape[1]
    HD = DQ // H
    KV = DKV // HD
    E, _, F = gate_w.shape
    BM = 256
    PAD = 2 * S + E * BM
    G = PAD // BM

    x = hidden_states.reshape(S, D)
    f32 = jnp.float32
    bf16 = jnp.bfloat16

    BS1 = min(512, S)
    qkv_w = jnp.concatenate([q_w, k_w, v_w], axis=1)
    qkv_b = jnp.concatenate([q_b, k_b, v_b]).reshape(1, -1)
    cos, sin = _rope_tables(S, HD)
    cq = jnp.tile(cos, (1, H))
    sq = jnp.tile(sin, (1, H))
    ck = jnp.tile(cos, (1, KV))
    sk = jnp.tile(sin, (1, KV))

    q, k, v = pl.pallas_call(
        functools.partial(_k1_body, DQ=DQ, DKV=DKV, HD=HD),
        grid=(S // BS1,),
        in_specs=[
            pl.BlockSpec((BS1, D), lambda i: (i, 0)),
            pl.BlockSpec((1, D), lambda i: (0, 0)),
            pl.BlockSpec((D, DQ + 2 * DKV), lambda i: (0, 0)),
            pl.BlockSpec((1, DQ + 2 * DKV), lambda i: (0, 0)),
            pl.BlockSpec((BS1, DQ), lambda i: (i, 0)),
            pl.BlockSpec((BS1, DQ), lambda i: (i, 0)),
            pl.BlockSpec((BS1, DKV), lambda i: (i, 0)),
            pl.BlockSpec((BS1, DKV), lambda i: (i, 0)),
        ],
        out_specs=[
            pl.BlockSpec((BS1, DQ), lambda i: (i, 0)),
            pl.BlockSpec((BS1, DKV), lambda i: (i, 0)),
            pl.BlockSpec((BS1, DKV), lambda i: (i, 0)),
        ],
        out_shape=[
            jax.ShapeDtypeStruct((S, DQ), bf16),
            jax.ShapeDtypeStruct((S, DKV), bf16),
            jax.ShapeDtypeStruct((S, DKV), bf16),
        ],
    )(x, ln1_w.reshape(1, D), qkv_w, qkv_b, cq, sq, ck, sk)

    qh = q.reshape(S, H, HD).transpose(1, 0, 2)
    kh = k.reshape(S, KV, HD).transpose(1, 0, 2)
    vh = v.reshape(S, KV, HD).transpose(1, 0, 2)
    snk3 = sinks.reshape(H, 1, 1)
    BQ = min(512, S)
    rep = H // KV
    scale = 1.0 / float(np.sqrt(HD))
    parts = []
    for blk in range(S // BQ):
        L = (blk + 1) * BQ
        part = pl.pallas_call(
            functools.partial(_k2_body, BQ=BQ, L=L, row0=blk * BQ,
                              scale=scale),
            grid=(KV,),
            in_specs=[
                pl.BlockSpec((2, BQ, HD), lambda g: (g, 0, 0)),
                pl.BlockSpec((1, L, HD), lambda g: (g, 0, 0)),
                pl.BlockSpec((1, L, HD), lambda g: (g, 0, 0)),
                pl.BlockSpec((2, 1, 1), lambda g: (g, 0, 0)),
            ],
            out_specs=pl.BlockSpec((2, BQ, HD), lambda g: (g, 0, 0)),
            out_shape=jax.ShapeDtypeStruct((H, BQ, HD), bf16),
        )(lax.slice_in_dim(qh, blk * BQ, L, axis=1),
          lax.slice_in_dim(kh, 0, L, axis=1),
          lax.slice_in_dim(vh, 0, L, axis=1), snk3)
        parts.append(part)
    attn = jnp.concatenate(parts, axis=1)

    att2 = attn.transpose(1, 0, 2).reshape(S, DQ)

    BS3 = min(512, S)
    hid, x2, tk = pl.pallas_call(
        functools.partial(_k3_body, E=E),
        grid=(S // BS3,),
        in_specs=[
            pl.BlockSpec((BS3, DQ), lambda i: (i, 0)),
            pl.BlockSpec((DQ, D), lambda i: (0, 0)),
            pl.BlockSpec((1, D), lambda i: (0, 0)),
            pl.BlockSpec((BS3, D), lambda i: (i, 0)),
            pl.BlockSpec((1, D), lambda i: (0, 0)),
            pl.BlockSpec((D, E), lambda i: (0, 0)),
            pl.BlockSpec((1, E), lambda i: (0, 0)),
        ],
        out_specs=[
            pl.BlockSpec((BS3, D), lambda i: (i, 0)),
            pl.BlockSpec((BS3, D), lambda i: (i, 0)),
            pl.BlockSpec((BS3, E), lambda i: (i, 0)),
        ],
        out_shape=[
            jax.ShapeDtypeStruct((S, D), f32),
            jax.ShapeDtypeStruct((S, D), f32),
            jax.ShapeDtypeStruct((S, E), f32),
        ],
    )(att2, o_w, o_b.reshape(1, D), x, ln2_w.reshape(1, D),
      router_w, router_b.reshape(1, E))

    Lnp = np.tril(np.ones((S, S), np.float32), -1).astype(jnp.bfloat16)
    Unp = np.triu(np.ones((E, E), np.float32), 1)
    pos, w2, w0b, w1b, po, pc = pl.pallas_call(
        functools.partial(_kr_body, S=S, E=E, BM=BM),
        grid=(1,),
        in_specs=[
            pl.BlockSpec((S, E), lambda i: (0, 0)),
            pl.BlockSpec((S, S), lambda i: (0, 0)),
            pl.BlockSpec((E, E), lambda i: (0, 0)),
        ],
        out_specs=[
            pl.BlockSpec((S, 2), lambda i: (0, 0)),
            pl.BlockSpec((S, 2), lambda i: (0, 0)),
            pl.BlockSpec((S, 128), lambda i: (0, 0)),
            pl.BlockSpec((S, 128), lambda i: (0, 0)),
            pl.BlockSpec((1, E), lambda i: (0, 0)),
            pl.BlockSpec((1, E), lambda i: (0, 0)),
        ],
        out_shape=[
            jax.ShapeDtypeStruct((S, 2), jnp.int32),
            jax.ShapeDtypeStruct((S, 2), f32),
            jax.ShapeDtypeStruct((S, 128), f32),
            jax.ShapeDtypeStruct((S, 128), f32),
            jax.ShapeDtypeStruct((1, E), jnp.int32),
            jax.ShapeDtypeStruct((1, E), jnp.int32),
        ],
    )(tk, Lnp, Unp)

    posf = pos.T.reshape(2 * S)

    w16 = jnp.concatenate([w0b, w1b], axis=0)
    xg, wv16 = _run_sc_scatter(x2, posf, w16, S, D, PAD)

    grid_spec = pltpu.PrefetchScalarGridSpec(
        num_scalar_prefetch=2,
        grid=(G,),
        in_specs=[
            pl.BlockSpec((BM, D), lambda g, po_r, pc_r: (g, 0)),
            pl.BlockSpec((BM, 128), lambda g, po_r, pc_r: (g, 0)),
            pl.BlockSpec((1, D, F),
                         lambda g, po_r, pc_r: (_e_of(g, po_r, BM, E), 0, 0)),
            pl.BlockSpec((1, 1, F),
                         lambda g, po_r, pc_r: (_e_of(g, po_r, BM, E), 0, 0)),
            pl.BlockSpec((1, D, F),
                         lambda g, po_r, pc_r: (_e_of(g, po_r, BM, E), 0, 0)),
            pl.BlockSpec((1, 1, F),
                         lambda g, po_r, pc_r: (_e_of(g, po_r, BM, E), 0, 0)),
            pl.BlockSpec((1, F, D),
                         lambda g, po_r, pc_r: (_e_of(g, po_r, BM, E), 0, 0)),
            pl.BlockSpec((1, 1, D),
                         lambda g, po_r, pc_r: (_e_of(g, po_r, BM, E), 0, 0)),
        ],
        out_specs=pl.BlockSpec((BM, D), lambda g, po_r, pc_r: (g, 0)),
    )
    pairout = pl.pallas_call(
        functools.partial(_kf_body, BM=BM, E=E),
        grid_spec=grid_spec,
        out_shape=jax.ShapeDtypeStruct((PAD, D), f32),
        compiler_params=pltpu.CompilerParams(
            vmem_limit_bytes=56 * 1024 * 1024),
    )(po.reshape(E), pc.reshape(E), xg, wv16,
      gate_w, gate_b.reshape(E, 1, F),
      up_w, up_b.reshape(E, 1, F),
      down_w, down_b.reshape(E, 1, D))

    out = _run_sc_combine(hid, pairout, posf, S, D)
    return out.reshape(B, S, D)


def _e_of(g, po_ref, BM, E):
    acc = jnp.int32(-1)
    for ee in range(E):
        acc = acc + jnp.where(po_ref[ee] <= g * BM, 1, 0).astype(jnp.int32)
    return acc

# --- scband reference (transcript-rebuilt; emitter-appended) ---
"""Pipeline reference for scband-gpt-oss-decoder-layer-56702158242079 (READ-ONLY COPY).

The authoritative reference and input builder live on the scoring server;
editing this copy changes nothing except your own understanding.
"""

import jax, jax.numpy as jnp
import numpy as np

B, S, D, H, KV, HD, F, E, K = 1, 2048, 1024, 16, 8, 64, 1024, 8, 2
EPS = 1e-06
THETA = 150000.0
ALPHA = 1.702


def _rms(x, w):
    v = jnp.mean(x.astype(jnp.float32) ** 2, axis=-1, keepdims=True)
    return (x * jax.lax.rsqrt(v + EPS)) * w


def _rope(x, cos, sin):
    x1, x2 = jnp.split(x, 2, axis=-1)
    rot = jnp.concatenate([-x2, x1], axis=-1)
    return x * cos[None, :, None, :] + rot * sin[None, :, None, :]


def setup_inputs(seed: int = 0):
    key = jax.random.key(seed)
    ks = jax.random.split(key, 24)
    s = 0.02
    inp = {}
    inp['hidden_states'] = jax.random.normal(ks[0], (B, S, D), jnp.float32)
    inp['ln1_w'] = jnp.ones((D,), jnp.float32)
    inp['q_w'] = jax.random.normal(ks[1], (D, H * HD), jnp.float32) * s
    inp['q_b'] = jnp.zeros((H * HD,), jnp.float32)
    inp['k_w'] = jax.random.normal(ks[2], (D, KV * HD), jnp.float32) * s
    inp['k_b'] = jnp.zeros((KV * HD,), jnp.float32)
    inp['v_w'] = jax.random.normal(ks[3], (D, KV * HD), jnp.float32) * s
    inp['v_b'] = jnp.zeros((KV * HD,), jnp.float32)
    inp['o_w'] = jax.random.normal(ks[4], (H * HD, D), jnp.float32) * s
    inp['o_b'] = jnp.zeros((D,), jnp.float32)
    inp['sinks'] = jax.random.normal(ks[5], (H,), jnp.float32) * s
    inp['ln2_w'] = jnp.ones((D,), jnp.float32)
    inp['router_w'] = jax.random.normal(ks[6], (D, E), jnp.float32) * s
    inp['router_b'] = jnp.zeros((E,), jnp.float32)
    inp['gate_w'] = jax.random.normal(ks[7], (E, D, F), jnp.float32) * s
    inp['gate_b'] = jnp.zeros((E, F), jnp.float32)
    inp['up_w'] = jax.random.normal(ks[8], (E, D, F), jnp.float32) * s
    inp['up_b'] = jnp.zeros((E, F), jnp.float32)
    inp['down_w'] = jax.random.normal(ks[9], (E, F, D), jnp.float32) * s
    inp['down_b'] = jnp.zeros((E, D), jnp.float32)
    return inp


def reference(hidden_states, ln1_w, q_w, q_b, k_w, k_b, v_w, v_b, o_w, o_b, sinks, ln2_w, router_w, router_b, gate_w, gate_b, up_w, up_b, down_w, down_b):
    pos = jnp.arange(S, dtype=jnp.float32)
    inv = 1.0 / (THETA ** (jnp.arange(0, HD, 2, dtype=jnp.float32) / HD))
    fr = pos[:, None] * inv[None, :]
    cos = jnp.concatenate([jnp.cos(fr), jnp.cos(fr)], axis=-1)
    sin = jnp.concatenate([jnp.sin(fr), jnp.sin(fr)], axis=-1)
    # attention block
    h = _rms(hidden_states, ln1_w)
    q = (h @ q_w + q_b).reshape(B, S, H, HD)
    k = (h @ k_w + k_b).reshape(B, S, KV, HD)
    v = (h @ v_w + v_b).reshape(B, S, KV, HD)
    q = _rope(q, cos, sin)
    k = _rope(k, cos, sin)
    rep = H // KV
    k = jnp.repeat(k, rep, axis=2)
    v = jnp.repeat(v, rep, axis=2)
    scores = jnp.einsum('bqhd,bkhd->bhqk', q, k) / jnp.sqrt(jnp.float32(HD))
    mask = jnp.tril(jnp.ones((S, S), dtype=bool))
    scores = jnp.where(mask[None, None], scores, jnp.float32(-1e30))
    sink = jnp.broadcast_to(sinks[None, :, None, None], (B, H, S, 1))
    logits = jnp.concatenate([scores, sink], axis=-1)
    probs = jax.nn.softmax(logits, axis=-1)[..., :S]
    attn = jnp.einsum('bhqk,bkhd->bqhd', probs, v).reshape(B, S, H * HD)
    hidden = hidden_states + attn @ o_w + o_b
    # MoE block
    x = _rms(hidden, ln2_w).reshape(B * S, D)
    rl = x @ router_w + router_b
    tv, ti = jax.lax.top_k(rl, K)
    tp = jax.nn.softmax(tv, axis=-1)
    rows = jnp.arange(B * S)[:, None]
    pw = jnp.zeros_like(rl).at[rows, ti].set(tp)
    acc = jnp.zeros((B * S, D), jnp.float32)
    for e in range(E):
        w0 = x @ gate_w[e] + gate_b[e]
        w1 = x @ up_w[e] + up_b[e]
        w0 = jnp.minimum(w0, 7.0)
        w1 = jnp.clip(w1, -7.0, 7.0)
        glu = w0 * jax.nn.sigmoid(w0 * ALPHA)
        inter = (w1 + 1.0) * glu
        acc = acc + pw[:, e:e + 1] * (inter @ down_w[e] + down_b[e])
    return hidden + acc.reshape(B, S, D)

if __name__ == "__main__":
    import jax
    _d = setup_inputs()
    print(jax.jit(kernel)(*tuple(_d.values())))

</pallas_src>

<mosaic_0001>
#map = affine_map<(d0, d1) -> (0, 0)>
#map1 = affine_map<(d0, d1) -> (0)>
module attributes {stable_mosaic.version = 14 : i64} {
  func.func @_ksg_body(%arg0: i32, %arg1: i32, %arg2: memref<2048x1024xf32, #tpu.memory_space<hbm>>, %arg3: memref<4096xi32, #tpu.memory_space<hbm>>, %arg4: memref<4096x128xf32, #tpu.memory_space<hbm>>, %arg5: memref<6144x1024xf32, #tpu.memory_space<hbm>>, %arg6: memref<6144x128xf32, #tpu.memory_space<hbm>>, %arg7: memref<64xi32, #tpu.memory_space<vmem>>, %arg8: memref<64x1024xf32, #tpu.memory_space<vmem>>, %arg9: memref<64x128xf32, #tpu.memory_space<vmem>>, %arg10: memref<!tpu.dma_semaphore, #tpu.memory_space<semaphore_mem>>) attributes {dimension_semantics = [#tpu.dimension_semantics<core_parallel>, #tpu.dimension_semantics<subcore_parallel>], iteration_bounds = array<i64: 2, 16>, scalar_prefetch = 0 : i64, scratch_operands = 4 : i64, tpu.core_type = #tpu.core_type<sc_vector_subcore>, window_params = [{transform_indices = #map}, {transform_indices = #map1}, {transform_indices = #map}, {transform_indices = #map}, {transform_indices = #map}]} {
    %mul3A = arith.constant 2 : i32
    %mul3A_0 = arith.muli %arg1, %mul3A : i32
    %add3A = arith.addi %mul3A_0, %arg0 : i32
    %mul3A_1 = arith.constant 128 : i32
    %mul3A_2 = arith.muli %add3A, %mul3A_1 : i32
    %ge3A = arith.constant 2048 : i32
    %ge3A_3 = arith.cmpi sge, %mul3A_2, %ge3A : i32
    %sub3A = arith.constant 2048 : i32
    %sub3A_4 = arith.subi %mul3A_2, %sub3A : i32
    %select_n3A = arith.select %ge3A_3, %sub3A_4, %mul3A_2 : i32
    %add3A_5 = arith.constant 0 : i32
    %add3A_6 = arith.addi %mul3A_2, %add3A_5 : i32
    %add3A_7 = arith.constant 0 : i32
    %add3A_8 = arith.addi %select_n3A, %add3A_7 : i32
    "tpu.region"() ({
      %run_scoped3A = tpu.sem_alloc : memref<!tpu.dma_semaphore, #tpu.memory_space<semaphore_mem>>
      %dma_start3A_35 = tpu.memref_slice %arg3[%add3A_6] : memref<4096xi32, #tpu.memory_space<hbm>> -> memref<64xi32, #tpu.memory_space<hbm>>
      %dma_start3A_36 = tpu.memref_slice %arg3[%add3A_6] : memref<4096xi32, #tpu.memory_space<hbm>> -> memref<64xi32, #tpu.memory_space<hbm>>
      tpu.enqueue_dma source(%dma_start3A_36 : memref<64xi32, #tpu.memory_space<hbm>>) target(%arg7 : memref<64xi32, #tpu.memory_space<vmem>>) target_semaphore(%run_scoped3A : memref<!tpu.dma_semaphore, #tpu.memory_space<semaphore_mem>>)
      %dma_wait3A_37 = tpu.memref_slice %arg3[%add3A_6] : memref<4096xi32, #tpu.memory_space<hbm>> -> memref<64xi32, #tpu.memory_space<hbm>>
      %dma_wait3A_38 = tpu.memref_slice %arg3[%add3A_6] : memref<4096xi32, #tpu.memory_space<hbm>> -> memref<64xi32, #tpu.memory_space<hbm>>
      tpu.wait_dma2 semaphore(%run_scoped3A : memref<!tpu.dma_semaphore, #tpu.memory_space<semaphore_mem>>) src(%dma_wait3A_38 : memref<64xi32, #tpu.memory_space<hbm>>) dst(%arg7 : memref<64xi32, #tpu.memory_space<vmem>>)
      tpu.yield
    }) : () -> ()
    "tpu.region"() ({
      %run_scoped3A = tpu.sem_alloc : memref<!tpu.dma_semaphore, #tpu.memory_space<semaphore_mem>>
      %dma_start3A_35 = arith.constant 0 : i32
      %dma_start3A_36 = tpu.memref_slice %arg2[%add3A_8, %dma_start3A_35] : memref<2048x1024xf32, #tpu.memory_space<hbm>> -> memref<64x1024xf32, #tpu.memory_space<hbm>>
      %dma_start3A_37 = arith.constant 0 : i32
      %dma_start3A_38 = tpu.memref_slice %arg2[%add3A_8, %dma_start3A_37] : memref<2048x1024xf32, #tpu.memory_space<hbm>> -> memref<64x1024xf32, #tpu.memory_space<hbm>>
      tpu.enqueue_dma source(%dma_start3A_38 : memref<64x1024xf32, #tpu.memory_space<hbm>>) target(%arg8 : memref<64x1024xf32, #tpu.memory_space<vmem>>) target_semaphore(%run_scoped3A : memref<!tpu.dma_semaphore, #tpu.memory_space<semaphore_mem>>)
      %dma_wait3A_39 = arith.constant 0 : i32
      %dma_wait3A_40 = tpu.memref_slice %arg2[%add3A_8, %dma_wait3A_39] : memref<2048x1024xf32, #tpu.memory_space<hbm>> -> memref<64x1024xf32, #tpu.memory_space<hbm>>
      %dma_wait3A_41 = arith.constant 0 : i32
      %dma_wait3A_42 = tpu.memref_slice %arg2[%add3A_8, %dma_wait3A_41] : memref<2048x1024xf32, #tpu.memory_space<hbm>> -> memref<64x1024xf32, #tpu.memory_space<hbm>>
      tpu.wait_dma2 semaphore(%run_scoped3A : memref<!tpu.dma_semaphore, #tpu.memory_space<semaphore_mem>>) src(%dma_wait3A_42 : memref<64x1024xf32, #tpu.memory_space<hbm>>) dst(%arg8 : memref<64x1024xf32, #tpu.memory_space<vmem>>)
      tpu.yield
    }) : () -> ()
    %dma_start3A = arith.constant 0 : i32
    %dma_start3A_9 = arith.constant 0 : i32
    %dma_start3A_10 = tpu.memref_slice %arg5[%dma_start3A, %dma_start3A_9] : memref<6144x1024xf32, #tpu.memory_space<hbm>> -> memref<6144x1024xf32, #tpu.memory_space<hbm>>
    tpu.enqueue_indirect_dma source(%arg8 : memref<64x1024xf32, #tpu.memory_space<vmem>>) target(%dma_start3A_10 : memref<6144x1024xf32, #tpu.memory_space<hbm>>) offsets(%arg7 : memref<64xi32, #tpu.memory_space<vmem>>) semaphore(%arg10 : memref<!tpu.dma_semaphore, #tpu.memory_space<semaphore_mem>>)
    %dma_wait3A = arith.constant 0 : i32
    %dma_wait3A_11 = arith.constant 0 : i32
    %dma_wait3A_12 = tpu.memref_slice %arg5[%dma_wait3A, %dma_wait3A_11] : memref<6144x1024xf32, #tpu.memory_space<hbm>> -> memref<6144x1024xf32, #tpu.memory_space<hbm>>
    tpu.wait_indirect_dma semaphore(%arg10 : memref<!tpu.dma_semaphore, #tpu.memory_space<semaphore_mem>>) src(%arg8 : memref<64x1024xf32, #tpu.memory_space<vmem>>) dst(%dma_wait3A_12 : memref<6144x1024xf32, #tpu.memory_space<hbm>>)
    "tpu.region"() ({
      %run_scoped3A = tpu.sem_alloc : memref<!tpu.dma_semaphore, #tpu.memory_space<semaphore_mem>>
      %dma_start3A_35 = arith.constant 0 : i32
      %dma_start3A_36 = tpu.memref_slice %arg4[%add3A_6, %dma_start3A_35] : memref<4096x128xf32, #tpu.memory_space<hbm>> -> memref<64x128xf32, #tpu.memory_space<hbm>>
      %dma_start3A_37 = arith.constant 0 : i32
      %dma_start3A_38 = tpu.memref_slice %arg4[%add3A_6, %dma_start3A_37] : memref<4096x128xf32, #tpu.memory_space<hbm>> -> memref<64x128xf32, #tpu.memory_space<hbm>>
      tpu.enqueue_dma source(%dma_start3A_38 : memref<64x128xf32, #tpu.memory_space<hbm>>) target(%arg9 : memref<64x128xf32, #tpu.memory_space<vmem>>) target_semaphore(%run_scoped3A : memref<!tpu.dma_semaphore, #tpu.memory_space<semaphore_mem>>)
      %dma_wait3A_39 = arith.constant 0 : i32
      %dma_wait3A_40 = tpu.memref_slice %arg4[%add3A_6, %dma_wait3A_39] : memref<4096x128xf32, #tpu.memory_space<hbm>> -> memref<64x128xf32, #tpu.memory_space<hbm>>
      %dma_wait3A_41 = arith.constant 0 : i32
      %dma_wait3A_42 = tpu.memref_slice %arg4[%add3A_6, %dma_wait3A_41] : memref<4096x128xf32, #tpu.memory_space<hbm>> -> memref<64x128xf32, #tpu.memory_space<hbm>>
      tpu.wait_dma2 semaphore(%run_scoped3A : memref<!tpu.dma_semaphore, #tpu.memory_space<semaphore_mem>>) src(%dma_wait3A_42 : memref<64x128xf32, #tpu.memory_space<hbm>>) dst(%arg9 : memref<64x128xf32, #tpu.memory_space<vmem>>)
      tpu.yield
    }) : () -> ()
    %dma_start3A_13 = arith.constant 0 : i32
    %dma_start3A_14 = arith.constant 0 : i32
    %dma_start3A_15 = tpu.memref_slice %arg6[%dma_start3A_13, %dma_start3A_14] : memref<6144x128xf32, #tpu.memory_space<hbm>> -> memref<6144x128xf32, #tpu.memory_space<hbm>>
    tpu.enqueue_indirect_dma source(%arg9 : memref<64x128xf32, #tpu.memory_space<vmem>>) target(%dma_start3A_15 : memref<6144x128xf32, #tpu.memory_space<hbm>>) offsets(%arg7 : memref<64xi32, #tpu.memory_space<vmem>>) semaphore(%arg10 : memref<!tpu.dma_semaphore, #tpu.memory_space<semaphore_mem>>)
    %dma_wait3A_16 = arith.constant 0 : i32
    %dma_wait3A_17 = arith.constant 0 : i32
    %dma_wait3A_18 = tpu.memref_slice %arg6[%dma_wait3A_16, %dma_wait3A_17] : memref<6144x128xf32, #tpu.memory_space<hbm>> -> memref<6144x128xf32, #tpu.memory_space<hbm>>
    tpu.wait_indirect_dma semaphore(%arg10 : memref<!tpu.dma_semaphore, #tpu.memory_space<semaphore_mem>>) src(%arg9 : memref<64x128xf32, #tpu.memory_space<vmem>>) dst(%dma_wait3A_18 : memref<6144x128xf32, #tpu.memory_space<hbm>>)
    %add3A_19 = arith.constant 64 : i32
    %add3A_20 = arith.addi %mul3A_2, %add3A_19 : i32
    %add3A_21 = arith.constant 64 : i32
    %add3A_22 = arith.addi %select_n3A, %add3A_21 : i32
    "tpu.region"() ({
      %run_scoped3A = tpu.sem_alloc : memref<!tpu.dma_semaphore, #tpu.memory_space<semaphore_mem>>
      %dma_start3A_35 = tpu.memref_slice %arg3[%add3A_20] : memref<4096xi32, #tpu.memory_space<hbm>> -> memref<64xi32, #tpu.memory_space<hbm>>
      %dma_start3A_36 = tpu.memref_slice %arg3[%add3A_20] : memref<4096xi32, #tpu.memory_space<hbm>> -> memref<64xi32, #tpu.memory_space<hbm>>
      tpu.enqueue_dma source(%dma_start3A_36 : memref<64xi32, #tpu.memory_space<hbm>>) target(%arg7 : memref<64xi32, #tpu.memory_space<vmem>>) target_semaphore(%run_scoped3A : memref<!tpu.dma_semaphore, #tpu.memory_space<semaphore_mem>>)
      %dma_wait3A_37 = tpu.memref_slice %arg3[%add3A_20] : memref<4096xi32, #tpu.memory_space<hbm>> -> memref<64xi32, #tpu.memory_space<hbm>>
      %dma_wait3A_38 = tpu.memref_slice %arg3[%add3A_20] : memref<4096xi32, #tpu.memory_space<hbm>> -> memref<64xi32, #tpu.memory_space<hbm>>
      tpu.wait_dma2 semaphore(%run_scoped3A : memref<!tpu.dma_semaphore, #tpu.memory_space<semaphore_mem>>) src(%dma_wait3A_38 : memref<64xi32, #tpu.memory_space<hbm>>) dst(%arg7 : memref<64xi32, #tpu.memory_space<vmem>>)
      tpu.yield
    }) : () -> ()
    "tpu.region"() ({
      %run_scoped3A = tpu.sem_alloc : memref<!tpu.dma_semaphore, #tpu.memory_space<semaphore_mem>>
      %dma_start3A_35 = arith.constant 0 : i32
      %dma_start3A_36 = tpu.memref_slice %arg2[%add3A_22, %dma_start3A_35] : memref<2048x1024xf32, #tpu.memory_space<hbm>> -> memref<64x1024xf32, #tpu.memory_space<hbm>>
      %dma_start3A_37 = arith.constant 0 : i32
      %dma_start3A_38 = tpu.memref_slice %arg2[%add3A_22, %dma_start3A_37] : memref<2048x1024xf32, #tpu.memory_space<hbm>> -> memref<64x1024xf32, #tpu.memory_space<hbm>>
      tpu.enqueue_dma source(%dma_start3A_38 : memref<64x1024xf32, #tpu.memory_space<hbm>>) target(%arg8 : memref<64x1024xf32, #tpu.memory_space<vmem>>) target_semaphore(%run_scoped3A : memref<!tpu.dma_semaphore, #tpu.memory_space<semaphore_mem>>)
      %dma_wait3A_39 = arith.constant 0 : i32
      %dma_wait3A_40 = tpu.memref_slice %arg2[%add3A_22, %dma_wait3A_39] : memref<2048x1024xf32, #tpu.memory_space<hbm>> -> memref<64x1024xf32, #tpu.memory_space<hbm>>
      %dma_wait3A_41 = arith.constant 0 : i32
      %dma_wait3A_42 = tpu.memref_slice %arg2[%add3A_22, %dma_wait3A_41] : memref<2048x1024xf32, #tpu.memory_space<hbm>> -> memref<64x1024xf32, #tpu.memory_space<hbm>>
      tpu.wait_dma2 semaphore(%run_scoped3A : memref<!tpu.dma_semaphore, #tpu.memory_space<semaphore_mem>>) src(%dma_wait3A_42 : memref<64x1024xf32, #tpu.memory_space<hbm>>) dst(%arg8 : memref<64x1024xf32, #tpu.memory_space<vmem>>)
      tpu.yield
    }) : () -> ()
    %dma_start3A_23 = arith.constant 0 : i32
    %dma_start3A_24 = arith.constant 0 : i32
    %dma_start3A_25 = tpu.memref_slice %arg5[%dma_start3A_23, %dma_start3A_24] : memref<6144x1024xf32, #tpu.memory_space<hbm>> -> memref<6144x1024xf32, #tpu.memory_space<hbm>>
    tpu.enqueue_indirect_dma source(%arg8 : memref<64x1024xf32, #tpu.memory_space<vmem>>) target(%dma_start3A_25 : memref<6144x1024xf32, #tpu.memory_space<hbm>>) offsets(%arg7 : memref<64xi32, #tpu.memory_space<vmem>>) semaphore(%arg10 : memref<!tpu.dma_semaphore, #tpu.memory_space<semaphore_mem>>)
    %dma_wait3A_26 = arith.constant 0 : i32
    %dma_wait3A_27 = arith.constant 0 : i32
    %dma_wait3A_28 = tpu.memref_slice %arg5[%dma_wait3A_26, %dma_wait3A_27] : memref<6144x1024xf32, #tpu.memory_space<hbm>> -> memref<6144x1024xf32, #tpu.memory_space<hbm>>
    tpu.wait_indirect_dma semaphore(%arg10 : memref<!tpu.dma_semaphore, #tpu.memory_space<semaphore_mem>>) src(%arg8 : memref<64x1024xf32, #tpu.memory_space<vmem>>) dst(%dma_wait3A_28 : memref<6144x1024xf32, #tpu.memory_space<hbm>>)
    "tpu.region"() ({
      %run_scoped3A = tpu.sem_alloc : memref<!tpu.dma_semaphore, #tpu.memory_space<semaphore_mem>>
      %dma_start3A_35 = arith.constant 0 : i32
      %dma_start3A_36 = tpu.memref_slice %arg4[%add3A_20, %dma_start3A_35] : memref<4096x128xf32, #tpu.memory_space<hbm>> -> memref<64x128xf32, #tpu.memory_space<hbm>>
      %dma_start3A_37 = arith.constant 0 : i32
      %dma_start3A_38 = tpu.memref_slice %arg4[%add3A_20, %dma_start3A_37] : memref<4096x128xf32, #tpu.memory_space<hbm>> -> memref<64x128xf32, #tpu.memory_space<hbm>>
      tpu.enqueue_dma source(%dma_start3A_38 : memref<64x128xf32, #tpu.memory_space<hbm>>) target(%arg9 : memref<64x128xf32, #tpu.memory_space<vmem>>) target_semaphore(%run_scoped3A : memref<!tpu.dma_semaphore, #tpu.memory_space<semaphore_mem>>)
      %dma_wait3A_39 = arith.constant 0 : i32
      %dma_wait3A_40 = tpu.memref_slice %arg4[%add3A_20, %dma_wait3A_39] : memref<4096x128xf32, #tpu.memory_space<hbm>> -> memref<64x128xf32, #tpu.memory_space<hbm>>
      %dma_wait3A_41 = arith.constant 0 : i32
      %dma_wait3A_42 = tpu.memref_slice %arg4[%add3A_20, %dma_wait3A_41] : memref<4096x128xf32, #tpu.memory_space<hbm>> -> memref<64x128xf32, #tpu.memory_space<hbm>>
      tpu.wait_dma2 semaphore(%run_scoped3A : memref<!tpu.dma_semaphore, #tpu.memory_space<semaphore_mem>>) src(%dma_wait3A_42 : memref<64x128xf32, #tpu.memory_space<hbm>>) dst(%arg9 : memref<64x128xf32, #tpu.memory_space<vmem>>)
      tpu.yield
    }) : () -> ()
    %dma_start3A_29 = arith.constant 0 : i32
    %dma_start3A_30 = arith.constant 0 : i32
    %dma_start3A_31 = tpu.memref_slice %arg6[%dma_start3A_29, %dma_start3A_30] : memref<6144x128xf32, #tpu.memory_space<hbm>> -> memref<6144x128xf32, #tpu.memory_space<hbm>>
    tpu.enqueue_indirect_dma source(%arg9 : memref<64x128xf32, #tpu.memory_space<vmem>>) target(%dma_start3A_31 : memref<6144x128xf32, #tpu.memory_space<hbm>>) offsets(%arg7 : memref<64xi32, #tpu.memory_space<vmem>>) semaphore(%arg10 : memref<!tpu.dma_semaphore, #tpu.memory_space<semaphore_mem>>)
    %dma_wait3A_32 = arith.constant 0 : i32
    %dma_wait3A_33 = arith.constant 0 : i32
    %dma_wait3A_34 = tpu.memref_slice %arg6[%dma_wait3A_32, %dma_wait3A_33] : memref<6144x128xf32, #tpu.memory_space<hbm>> -> memref<6144x128xf32, #tpu.memory_space<hbm>>
    tpu.wait_indirect_dma semaphore(%arg10 : memref<!tpu.dma_semaphore, #tpu.memory_space<semaphore_mem>>) src(%arg9 : memref<64x128xf32, #tpu.memory_space<vmem>>) dst(%dma_wait3A_34 : memref<6144x128xf32, #tpu.memory_space<hbm>>)
    return
  }
}

#map = affine_map<(d0, d1) -> (0, 0)>
#map1 = affine_map<(d0, d1) -> (0)>
module attributes {stable_mosaic.version = 14 : i64} {
  func.func @_kc_body(%arg0: i32, %arg1: i32, %arg2: memref<6144x1024xf32, #tpu.memory_space<hbm>>, %arg3: memref<4096xi32, #tpu.memory_space<hbm>>, %arg4: memref<4096x1024xf32, #tpu.memory_space<hbm>>, %arg5: memref<64xi32, #tpu.memory_space<vmem>>, %arg6: memref<64x1024xf32, #tpu.memory_space<vmem>>, %arg7: memref<!tpu.dma_semaphore, #tpu.memory_space<semaphore_mem>>) attributes {dimension_semantics = [#tpu.dimension_semantics<core_parallel>, #tpu.dimension_semantics<subcore_parallel>], iteration_bounds = array<i64: 2, 16>, scalar_prefetch = 0 : i64, scratch_operands = 3 : i64, tpu.core_type = #tpu.core_type<sc_vector_subcore>, window_params = [{transform_indices = #map}, {transform_indices = #map1}, {transform_indices = #map}]} {
    %mul3A = arith.constant 2 : i32
    %mul3A_0 = arith.muli %arg1, %mul3A : i32
    %add3A = arith.addi %mul3A_0, %arg0 : i32
    %mul3A_1 = arith.constant 128 : i32
    %mul3A_2 = arith.muli %add3A, %mul3A_1 : i32
    %add3A_3 = arith.constant 0 : i32
    %add3A_4 = arith.addi %mul3A_2, %add3A_3 : i32
    "tpu.region"() ({
      %run_scoped3A = tpu.sem_alloc : memref<!tpu.dma_semaphore, #tpu.memory_space<semaphore_mem>>
      %dma_start3A_17 = tpu.memref_slice %arg3[%add3A_4] : memref<4096xi32, #tpu.memory_space<hbm>> -> memref<64xi32, #tpu.memory_space<hbm>>
      %dma_start3A_18 = tpu.memref_slice %arg3[%add3A_4] : memref<4096xi32, #tpu.memory_space<hbm>> -> memref<64xi32, #tpu.memory_space<hbm>>
      tpu.enqueue_dma source(%dma_start3A_18 : memref<64xi32, #tpu.memory_space<hbm>>) target(%arg5 : memref<64xi32, #tpu.memory_space<vmem>>) target_semaphore(%run_scoped3A : memref<!tpu.dma_semaphore, #tpu.memory_space<semaphore_mem>>)
      %dma_wait3A_19 = tpu.memref_slice %arg3[%add3A_4] : memref<4096xi32, #tpu.memory_space<hbm>> -> memref<64xi32, #tpu.memory_space<hbm>>
      %dma_wait3A_20 = tpu.memref_slice %arg3[%add3A_4] : memref<4096xi32, #tpu.memory_space<hbm>> -> memref<64xi32, #tpu.memory_space<hbm>>
      tpu.wait_dma2 semaphore(%run_scoped3A : memref<!tpu.dma_semaphore, #tpu.memory_space<semaphore_mem>>) src(%dma_wait3A_20 : memref<64xi32, #tpu.memory_space<hbm>>) dst(%arg5 : memref<64xi32, #tpu.memory_space<vmem>>)
      tpu.yield
    }) : () -> ()
    %dma_start3A = arith.constant 0 : i32
    %dma_start3A_5 = arith.constant 0 : i32
    %dma_start3A_6 = tpu.memref_slice %arg2[%dma_start3A, %dma_start3A_5] : memref<6144x1024xf32, #tpu.memory_space<hbm>> -> memref<6144x1024xf32, #tpu.memory_space<hbm>>
    tpu.enqueue_indirect_dma source(%dma_start3A_6 : memref<6144x1024xf32, #tpu.memory_space<hbm>>) target(%arg6 : memref<64x1024xf32, #tpu.memory_space<vmem>>) offsets(%arg5 : memref<64xi32, #tpu.memory_space<vmem>>) semaphore(%arg7 : memref<!tpu.dma_semaphore, #tpu.memory_space<semaphore_mem>>)
    %dma_wait3A = arith.constant 0 : i32
    %dma_wait3A_7 = arith.constant 0 : i32
    %dma_wait3A_8 = tpu.memref_slice %arg2[%dma_wait3A, %dma_wait3A_7] : memref<6144x1024xf32, #tpu.memory_space<hbm>> -> memref<6144x1024xf32, #tpu.memory_space<hbm>>
    tpu.wait_indirect_dma semaphore(%arg7 : memref<!tpu.dma_semaphore, #tpu.memory_space<semaphore_mem>>) src(%dma_wait3A_8 : memref<6144x1024xf32, #tpu.memory_space<hbm>>) dst(%arg6 : memref<64x1024xf32, #tpu.memory_space<vmem>>)
    "tpu.region"() ({
      %run_scoped3A = tpu.sem_alloc : memref<!tpu.dma_semaphore, #tpu.memory_space<semaphore_mem>>
      %dma_start3A_17 = arith.constant 0 : i32
      %dma_start3A_18 = tpu.memref_slice %arg4[%add3A_4, %dma_start3A_17] : memref<4096x1024xf32, #tpu.memory_space<hbm>> -> memref<64x1024xf32, #tpu.memory_space<hbm>>
      %dma_start3A_19 = arith.constant 0 : i32
      %dma_start3A_20 = tpu.memref_slice %arg4[%add3A_4, %dma_start3A_19] : memref<4096x1024xf32, #tpu.memory_space<hbm>> -> memref<64x1024xf32, #tpu.memory_space<hbm>>
      tpu.enqueue_dma source(%arg6 : memref<64x1024xf32, #tpu.memory_space<vmem>>) target(%dma_start3A_20 : memref<64x1024xf32, #tpu.memory_space<hbm>>) target_semaphore(%run_scoped3A : memref<!tpu.dma_semaphore, #tpu.memory_space<semaphore_mem>>)
      %dma_wait3A_21 = arith.constant 0 : i32
      %dma_wait3A_22 = tpu.memref_slice %arg4[%add3A_4, %dma_wait3A_21] : memref<4096x1024xf32, #tpu.memory_space<hbm>> -> memref<64x1024xf32, #tpu.memory_space<hbm>>
      %dma_wait3A_23 = arith.constant 0 : i32
      %dma_wait3A_24 = tpu.memref_slice %arg4[%add3A_4, %dma_wait3A_23] : memref<4096x1024xf32, #tpu.memory_space<hbm>> -> memref<64x1024xf32, #tpu.memory_space<hbm>>
      tpu.wait_dma2 semaphore(%run_scoped3A : memref<!tpu.dma_semaphore, #tpu.memory_space<semaphore_mem>>) src(%arg6 : memref<64x1024xf32, #tpu.memory_space<vmem>>) dst(%dma_wait3A_24 : memref<64x1024xf32, #tpu.memory_space<hbm>>)
      tpu.yield
    }) : () -> ()
    %add3A_9 = arith.constant 64 : i32
    %add3A_10 = arith.addi %mul3A_2, %add3A_9 : i32
    "tpu.region"() ({
      %run_scoped3A = tpu.sem_alloc : memref<!tpu.dma_semaphore, #tpu.memory_space<semaphore_mem>>
      %dma_start3A_17 = tpu.memref_slice %arg3[%add3A_10] : memref<4096xi32, #tpu.memory_space<hbm>> -> memref<64xi32, #tpu.memory_space<hbm>>
      %dma_start3A_18 = tpu.memref_slice %arg3[%add3A_10] : memref<4096xi32, #tpu.memory_space<hbm>> -> memref<64xi32, #tpu.memory_space<hbm>>
      tpu.enqueue_dma source(%dma_start3A_18 : memref<64xi32, #tpu.memory_space<hbm>>) target(%arg5 : memref<64xi32, #tpu.memory_space<vmem>>) target_semaphore(%run_scoped3A : memref<!tpu.dma_semaphore, #tpu.memory_space<semaphore_mem>>)
      %dma_wait3A_19 = tpu.memref_slice %arg3[%add3A_10] : memref<4096xi32, #tpu.memory_space<hbm>> -> memref<64xi32, #tpu.memory_space<hbm>>
      %dma_wait3A_20 = tpu.memref_slice %arg3[%add3A_10] : memref<4096xi32, #tpu.memory_space<hbm>> -> memref<64xi32, #tpu.memory_space<hbm>>
      tpu.wait_dma2 semaphore(%run_scoped3A : memref<!tpu.dma_semaphore, #tpu.memory_space<semaphore_mem>>) src(%dma_wait3A_20 : memref<64xi32, #tpu.memory_space<hbm>>) dst(%arg5 : memref<64xi32, #tpu.memory_space<vmem>>)
      tpu.yield
    }) : () -> ()
    %dma_start3A_11 = arith.constant 0 : i32
    %dma_start3A_12 = arith.constant 0 : i32
    %dma_start3A_13 = tpu.memref_slice %arg2[%dma_start3A_11, %dma_start3A_12] : memref<6144x1024xf32, #tpu.memory_space<hbm>> -> memref<6144x1024xf32, #tpu.memory_space<hbm>>
    tpu.enqueue_indirect_dma source(%dma_start3A_13 : memref<6144x1024xf32, #tpu.memory_space<hbm>>) target(%arg6 : memref<64x1024xf32, #tpu.memory_space<vmem>>) offsets(%arg5 : memref<64xi32, #tpu.memory_space<vmem>>) semaphore(%arg7 : memref<!tpu.dma_semaphore, #tpu.memory_space<semaphore_mem>>)
    %dma_wait3A_14 = arith.constant 0 : i32
    %dma_wait3A_15 = arith.constant 0 : i32
    %dma_wait3A_16 = tpu.memref_slice %arg2[%dma_wait3A_14, %dma_wait3A_15] : memref<6144x1024xf32, #tpu.memory_space<hbm>> -> memref<6144x1024xf32, #tpu.memory_space<hbm>>
    tpu.wait_indirect_dma semaphore(%arg7 : memref<!tpu.dma_semaphore, #tpu.memory_space<semaphore_mem>>) src(%dma_wait3A_16 : memref<6144x1024xf32, #tpu.memory_space<hbm>>) dst(%arg6 : memref<64x1024xf32, #tpu.memory_space<vmem>>)
    "tpu.region"() ({
      %run_scoped3A = tpu.sem_alloc : memref<!tpu.dma_semaphore, #tpu.memory_space<semaphore_mem>>
      %dma_start3A_17 = arith.constant 0 : i32
      %dma_start3A_18 = tpu.memref_slice %arg4[%add3A_10, %dma_start3A_17] : memref<4096x1024xf32, #tpu.memory_space<hbm>> -> memref<64x1024xf32, #tpu.memory_space<hbm>>
      %dma_start3A_19 = arith.constant 0 : i32
      %dma_start3A_20 = tpu.memref_slice %arg4[%add3A_10, %dma_start3A_19] : memref<4096x1024xf32, #tpu.memory_space<hbm>> -> memref<64x1024xf32, #tpu.memory_space<hbm>>
      tpu.enqueue_dma source(%arg6 : memref<64x1024xf32, #tpu.memory_space<vmem>>) target(%dma_start3A_20 : memref<64x1024xf32, #tpu.memory_space<hbm>>) target_semaphore(%run_scoped3A : memref<!tpu.dma_semaphore, #tpu.memory_space<semaphore_mem>>)
      %dma_wait3A_21 = arith.constant 0 : i32
      %dma_wait3A_22 = tpu.memref_slice %arg4[%add3A_10, %dma_wait3A_21] : memref<4096x1024xf32, #tpu.memory_space<hbm>> -> memref<64x1024xf32, #tpu.memory_space<hbm>>
      %dma_wait3A_23 = arith.constant 0 : i32
      %dma_wait3A_24 = tpu.memref_slice %arg4[%add3A_10, %dma_wait3A_23] : memref<4096x1024xf32, #tpu.memory_space<hbm>> -> memref<64x1024xf32, #tpu.memory_space<hbm>>
      tpu.wait_dma2 semaphore(%run_scoped3A : memref<!tpu.dma_semaphore, #tpu.memory_space<semaphore_mem>>) src(%arg6 : memref<64x1024xf32, #tpu.memory_space<vmem>>) dst(%dma_wait3A_24 : memref<64x1024xf32, #tpu.memory_space<hbm>>)
      tpu.yield
    }) : () -> ()
    return
  }
}

module attributes {stable_mosaic.version = 14 : i64} {
  func.func @_k1_body(%arg0: i32, %arg1: memref<512x1024xf32, #tpu.memory_space<vmem>>, %arg2: memref<1x1024xf32, #tpu.memory_space<vmem>>, %arg3: memref<1024x2048xf32, #tpu.memory_space<vmem>>, %arg4: memref<1x2048xf32, #tpu.memory_space<vmem>>, %arg5: memref<512x1024xf32, #tpu.memory_space<vmem>>, %arg6: memref<512x1024xf32, #tpu.memory_space<vmem>>, %arg7: memref<512x512xf32, #tpu.memory_space<vmem>>, %arg8: memref<512x512xf32, #tpu.memory_space<vmem>>, %arg9: memref<512x1024xbf16, #tpu.memory_space<vmem>>, %arg10: memref<512x512xbf16, #tpu.memory_space<vmem>>, %arg11: memref<512x512xbf16, #tpu.memory_space<vmem>>) attributes {dimension_semantics = [#tpu.dimension_semantics<arbitrary>], iteration_bounds = array<i64: 4>, scalar_prefetch = 0 : i64, scratch_operands = 0 : i64, tpu.core_type = #tpu.core_type<tc>, window_params = [{transform_indices = @transform_0, window_bounds = array<i64: 512, 1024>}, {pipeline_mode = #tpu.pipeline_mode<synchronous>, transform_indices = @transform_1, window_bounds = array<i64: 1, 1024>}, {pipeline_mode = #tpu.pipeline_mode<synchronous>, transform_indices = @transform_2, window_bounds = array<i64: 1024, 2048>}, {pipeline_mode = #tpu.pipeline_mode<synchronous>, transform_indices = @transform_3, window_bounds = array<i64: 1, 2048>}, {transform_indices = @transform_4, window_bounds = array<i64: 512, 1024>}, {transform_indices = @transform_5, window_bounds = array<i64: 512, 1024>}, {transform_indices = @transform_6, window_bounds = array<i64: 512, 512>}, {transform_indices = @transform_7, window_bounds = array<i64: 512, 512>}, {transform_indices = @transform_8, window_bounds = array<i64: 512, 1024>}, {transform_indices = @transform_9, window_bounds = array<i64: 512, 512>}, {transform_indices = @transform_10, window_bounds = array<i64: 512, 512>}]} {
    %get3A = arith.constant 0 : index
    %get3A_0 = arith.constant 0 : index
    %get3A_1 = vector.load %arg1[%get3A, %get3A_0] : memref<512x1024xf32, #tpu.memory_space<vmem>>, vector<512x1024xf32>
    %mul3A = arith.mulf %get3A_1, %get3A_1 : vector<512x1024xf32>
    %reduce_sum3A = arith.constant dense<0.000000e+00> : vector<512xf32>
    %reduce_sum3A_2 = vector.multi_reduction <add>, %mul3A, %reduce_sum3A [1] : vector<512x1024xf32> to vector<512xf32>
    %broadcast_in_dim3A = vector.shape_cast %reduce_sum3A_2 : vector<512xf32> to vector<512x1xf32>
    %div3A = arith.constant 1.024000e+03 : f32
    %div3A_3 = vector.broadcast %div3A : f32 to vector<512x1xf32>
    %div3A_4 = arith.divf %broadcast_in_dim3A, %div3A_3 : vector<512x1xf32>
    %add3A = arith.constant 9.99999997E-7 : f32
    %add3A_5 = vector.broadcast %add3A : f32 to vector<512x1xf32>
    %add3A_6 = arith.addf %div3A_4, %add3A_5 : vector<512x1xf32>
    %rsqrt3A = math.rsqrt %add3A_6 : vector<512x1xf32>
    %mul3A_7 = vector.broadcast %rsqrt3A : vector<512x1xf32> to vector<512x1024xf32>
    %mul3A_8 = arith.mulf %get3A_1, %mul3A_7 : vector<512x1024xf32>
    %get3A_9 = arith.constant 0 : index
    %get3A_10 = arith.constant 0 : index
    %get3A_11 = vector.load %arg2[%get3A_9, %get3A_10] : memref<1x1024xf32, #tpu.memory_space<vmem>>, vector<1x1024xf32>
    %mul3A_12 = vector.broadcast %get3A_11 : vector<1x1024xf32> to vector<512x1024xf32>
    %mul3A_13 = arith.mulf %mul3A_8, %mul3A_12 : vector<512x1024xf32>
    %get3A_14 = arith.constant 0 : index
    %get3A_15 = arith.constant 0 : index
    %get3A_16 = vector.load %arg3[%get3A_14, %get3A_15] : memref<1024x2048xf32, #tpu.memory_space<vmem>>, vector<1024x2048xf32>
    %dot_general3A = arith.constant dense<0.000000e+00> : vector<512x2048xf32>
    %dot_general3A_17 = tpu.matmul %mul3A_13, %get3A_16, %dot_general3A {dimension_numbers = #tpu.dot_dimension_numbers<[1], [0], [0], [1], [0, 0, 1, 1], [], []>, transpose_lhs_hint = false} : vector<512x1024xf32>, vector<1024x2048xf32>, vector<512x2048xf32> -> vector<512x2048xf32>
    %get3A_18 = arith.constant 0 : index
    %get3A_19 = arith.constant 0 : index
    %get3A_20 = vector.load %arg4[%get3A_18, %get3A_19] : memref<1x2048xf32, #tpu.memory_space<vmem>>, vector<1x2048xf32>
    %add3A_21 = vector.broadcast %get3A_20 : vector<1x2048xf32> to vector<512x2048xf32>
    %add3A_22 = arith.addf %dot_general3A_17, %add3A_21 : vector<512x2048xf32>
    %slice3A = vector.extract_strided_slice %add3A_22 {offsets = [0, 0], sizes = [512, 1024], strides = [1, 1]} : vector<512x2048xf32> to vector<512x1024xf32>
    %slice3A_23 = vector.extract_strided_slice %add3A_22 {offsets = [0, 1024], sizes = [512, 512], strides = [1, 1]} : vector<512x2048xf32> to vector<512x512xf32>
    %slice3A_24 = vector.extract_strided_slice %add3A_22 {offsets = [0, 1536], sizes = [512, 512], strides = [1, 1]} : vector<512x2048xf32> to vector<512x512xf32>
    %get3A_25 = arith.constant 0 : index
    %get3A_26 = arith.constant 0 : index
    %get3A_27 = vector.load %arg5[%get3A_25, %get3A_26] : memref<512x1024xf32, #tpu.memory_space<vmem>>, vector<512x1024xf32>
    %mul3A_28 = arith.mulf %slice3A, %get3A_27 : vector<512x1024xf32>
    %iota3A = tpu.iota {dimensions = array<i32: 1>} : vector<512x1024xi32>
    %jit3A = arith.constant 64 : i32
    %eq3A = arith.constant 0 : i32
    %eq3A_29 = arith.cmpi eq, %jit3A, %eq3A : i32
    %jit3A_30 = arith.constant 1 : i32
    %select_n3A = arith.select %eq3A_29, %jit3A_30, %jit3A : i32
    %rem3A = vector.broadcast %select_n3A : i32 to vector<512x1024xi32>
    %rem3A_31 = arith.remsi %iota3A, %rem3A : vector<512x1024xi32>
    %ne3A = arith.constant 0 : i32
    %ne3A_32 = vector.broadcast %ne3A : i32 to vector<512x1024xi32>
    %ne3A_33 = arith.cmpi ne, %rem3A_31, %ne3A_32 : vector<512x1024xi32>
    %lt3A = arith.constant 0 : i32
    %lt3A_34 = vector.broadcast %lt3A : i32 to vector<512x1024xi32>
    %lt3A_35 = arith.cmpi slt, %rem3A_31, %lt3A_34 : vector<512x1024xi32>
    %lt3A_36 = arith.constant 0 : i32
    %lt3A_37 = arith.cmpi slt, %select_n3A, %lt3A_36 : i32
    %ne3A_38 = vector.broadcast %lt3A_37 : i1 to vector<512x1024xi1>
    %ne3A_39 = vector.broadcast %ne3A_38 : vector<512x1024xi1> to vector<512x1024xi1>
    %ne3A_40 = arith.xori %lt3A_35, %ne3A_39 : vector<512x1024xi1>
    %and3A = arith.andi %ne3A_40, %ne3A_33 : vector<512x1024xi1>
    %add3A_41 = vector.broadcast %select_n3A : i32 to vector<512x1024xi32>
    %add3A_42 = arith.addi %rem3A_31, %add3A_41 : vector<512x1024xi32>
    %select_n3A_43 = arith.select %and3A, %add3A_42, %rem3A_31 : vector<512x1024xi1>, vector<512x1024xi32>
    %roll3A = arith.constant 992 : i32
    %roll3A_44 = tpu.dynamic_rotate %slice3A by %roll3A dim 1 : vector<512x1024xf32>, i32 -> vector<512x1024xf32>
    %roll3A_45 = arith.constant 32 : i32
    %roll3A_46 = tpu.dynamic_rotate %slice3A by %roll3A_45 dim 1 : vector<512x1024xf32>, i32 -> vector<512x1024xf32>
    %lt3A_47 = arith.constant 32 : i32
    %lt3A_48 = vector.broadcast %lt3A_47 : i32 to vector<512x1024xi32>
    %lt3A_49 = arith.cmpi slt, %select_n3A_43, %lt3A_48 : vector<512x1024xi32>
    %neg3A = arith.constant 0.000000e+00 : f32
    %neg3A_50 = vector.broadcast %neg3A : f32 to vector<512x1024xf32>
    %neg3A_51 = arith.subf %neg3A_50, %roll3A_44 : vector<512x1024xf32>
    %select_n3A_52 = arith.select %lt3A_49, %neg3A_51, %roll3A_46 : vector<512x1024xi1>, vector<512x1024xf32>
    %get3A_53 = arith.constant 0 : index
    %get3A_54 = arith.constant 0 : index
    %get3A_55 = vector.load %arg6[%get3A_53, %get3A_54] : memref<512x1024xf32, #tpu.memory_space<vmem>>, vector<512x1024xf32>
    %mul3A_56 = arith.mulf %select_n3A_52, %get3A_55 : vector<512x1024xf32>
    %add3A_57 = arith.addf %mul3A_28, %mul3A_56 : vector<512x1024xf32>
    %convert_element_type3A = arith.truncf %add3A_57 : vector<512x1024xf32> to vector<512x1024xbf16>
    %swap3A = arith.constant 0 : index
    %swap3A_58 = arith.constant 0 : index
    %swap3A_59 = vector.load %arg9[%swap3A, %swap3A_58] : memref<512x1024xbf16, #tpu.memory_space<vmem>>, vector<512x1024xbf16>
    tpu.vector_store %arg9[%swap3A, %swap3A_58], %convert_element_type3A {strides = array<i32>} : memref<512x1024xbf16, #tpu.memory_space<vmem>>, vector<512x1024xbf16>,
    %get3A_60 = arith.constant 0 : index
    %get3A_61 = arith.constant 0 : index
    %get3A_62 = vector.load %arg7[%get3A_60, %get3A_61] : memref<512x512xf32, #tpu.memory_space<vmem>>, vector<512x512xf32>
    %mul3A_63 = arith.mulf %slice3A_23, %get3A_62 : vector<512x512xf32>
    %iota3A_64 = tpu.iota {dimensions = array<i32: 1>} : vector<512x512xi32>
    %jit3A_65 = arith.constant 64 : i32
    %eq3A_66 = arith.constant 0 : i32
    %eq3A_67 = arith.cmpi eq, %jit3A_65, %eq3A_66 : i32
    %jit3A_68 = arith.constant 1 : i32
    %select_n3A_69 = arith.select %eq3A_67, %jit3A_68, %jit3A_65 : i32
    %rem3A_70 = vector.broadcast %select_n3A_69 : i32 to vector<512x512xi32>
    %rem3A_71 = arith.remsi %iota3A_64, %rem3A_70 : vector<512x512xi32>
    %ne3A_72 = arith.constant 0 : i32
    %ne3A_73 = vector.broadcast %ne3A_72 : i32 to vector<512x512xi32>
    %ne3A_74 = arith.cmpi ne, %rem3A_71, %ne3A_73 : vector<512x512xi32>
    %lt3A_75 = arith.constant 0 : i32
    %lt3A_76 = vector.broadcast %lt3A_75 : i32 to vector<512x512xi32>
    %lt3A_77 = arith.cmpi slt, %rem3A_71, %lt3A_76 : vector<512x512xi32>
    %lt3A_78 = arith.constant 0 : i32
    %lt3A_79 = arith.cmpi slt, %select_n3A_69, %lt3A_78 : i32
    %ne3A_80 = vector.broadcast %lt3A_79 : i1 to vector<512x512xi1>
    %ne3A_81 = vector.broadcast %ne3A_80 : vector<512x512xi1> to vector<512x512xi1>
    %ne3A_82 = arith.xori %lt3A_77, %ne3A_81 : vector<512x512xi1>
    %and3A_83 = arith.andi %ne3A_82, %ne3A_74 : vector<512x512xi1>
    %add3A_84 = vector.broadcast %select_n3A_69 : i32 to vector<512x512xi32>
    %add3A_85 = arith.addi %rem3A_71, %add3A_84 : vector<512x512xi32>
    %select_n3A_86 = arith.select %and3A_83, %add3A_85, %rem3A_71 : vector<512x512xi1>, vector<512x512xi32>
    %roll3A_87 = arith.constant 480 : i32
    %roll3A_88 = tpu.dynamic_rotate %slice3A_23 by %roll3A_87 dim 1 : vector<512x512xf32>, i32 -> vector<512x512xf32>
    %roll3A_89 = arith.constant 32 : i32
    %roll3A_90 = tpu.dynamic_rotate %slice3A_23 by %roll3A_89 dim 1 : vector<512x512xf32>, i32 -> vector<512x512xf32>
    %lt3A_91 = arith.constant 32 : i32
    %lt3A_92 = vector.broadcast %lt3A_91 : i32 to vector<512x512xi32>
    %lt3A_93 = arith.cmpi slt, %select_n3A_86, %lt3A_92 : vector<512x512xi32>
    %neg3A_94 = arith.constant 0.000000e+00 : f32
    %neg3A_95 = vector.broadcast %neg3A_94 : f32 to vector<512x512xf32>
    %neg3A_96 = arith.subf %neg3A_95, %roll3A_88 : vector<512x512xf32>
    %select_n3A_97 = arith.select %lt3A_93, %neg3A_96, %roll3A_90 : vector<512x512xi1>, vector<512x512xf32>
    %get3A_98 = arith.constant 0 : index
    %get3A_99 = arith.constant 0 : index
    %get3A_100 = vector.load %arg8[%get3A_98, %get3A_99] : memref<512x512xf32, #tpu.memory_space<vmem>>, vector<512x512xf32>
    %mul3A_101 = arith.mulf %select_n3A_97, %get3A_100 : vector<512x512xf32>
    %add3A_102 = arith.addf %mul3A_63, %mul3A_101 : vector<512x512xf32>
    %convert_element_type3A_103 = arith.truncf %add3A_102 : vector<512x512xf32> to vector<512x512xbf16>
    %swap3A_104 = arith.constant 0 : index
    %swap3A_105 = arith.constant 0 : index
    %swap3A_106 = vector.load %arg10[%swap3A_104, %swap3A_105] : memref<512x512xbf16, #tpu.memory_space<vmem>>, vector<512x512xbf16>
    tpu.vector_store %arg10[%swap3A_104, %swap3A_105], %convert_element_type3A_103 {strides = array<i32>} : memref<512x512xbf16, #tpu.memory_space<vmem>>, vector<512x512xbf16>,
    %convert_element_type3A_107 = arith.truncf %slice3A_24 : vector<512x512xf32> to vector<512x512xbf16>
    %swap3A_108 = arith.constant 0 : index
    %swap3A_109 = arith.constant 0 : index
    %swap3A_110 = vector.load %arg11[%swap3A_108, %swap3A_109] : memref<512x512xbf16, #tpu.memory_space<vmem>>, vector<512x512xbf16>
    tpu.vector_store %arg11[%swap3A_108, %swap3A_109], %convert_element_type3A_107 {strides = array<i32>} : memref<512x512xbf16, #tpu.memory_space<vmem>>, vector<512x512xbf16>,
    return
  }
  func.func @transform_0(%arg0: i32) -> (i32, i32) {
    %c0_i32 = arith.constant 0 : i32
    %c0_i32_0 = arith.constant 0 : i32
    return %arg0, %c0_i32 : i32, i32
  }
  func.func @transform_1(%arg0: i32) -> (i32, i32) {
    %c0_i32 = arith.constant 0 : i32
    %c0_i32_0 = arith.constant 0 : i32
    %c0_i32_1 = arith.constant 0 : i32
    return %c0_i32, %c0_i32_0 : i32, i32
  }
  func.func @transform_2(%arg0: i32) -> (i32, i32) {
    %c0_i32 = arith.constant 0 : i32
    %c0_i32_0 = arith.constant 0 : i32
    %c0_i32_1 = arith.constant 0 : i32
    return %c0_i32, %c0_i32_0 : i32, i32
  }
  func.func @transform_3(%arg0: i32) -> (i32, i32) {
    %c0_i32 = arith.constant 0 : i32
    %c0_i32_0 = arith.constant 0 : i32
    %c0_i32_1 = arith.constant 0 : i32
    return %c0_i32, %c0_i32_0 : i32, i32
  }
  func.func @transform_4(%arg0: i32) -> (i32, i32) {
    %c0_i32 = arith.constant 0 : i32
    %c0_i32_0 = arith.constant 0 : i32
    return %arg0, %c0_i32 : i32, i32
  }
  func.func @transform_5(%arg0: i32) -> (i32, i32) {
    %c0_i32 = arith.constant 0 : i32
    %c0_i32_0 = arith.constant 0 : i32
    return %arg0, %c0_i32 : i32, i32
  }
  func.func @transform_6(%arg0: i32) -> (i32, i32) {
    %c0_i32 = arith.constant 0 : i32
    %c0_i32_0 = arith.constant 0 : i32
    return %arg0, %c0_i32 : i32, i32
  }
  func.func @transform_7(%arg0: i32) -> (i32, i32) {
    %c0_i32 = arith.constant 0 : i32
    %c0_i32_0 = arith.constant 0 : i32
    return %arg0, %c0_i32 : i32, i32
  }
  func.func @transform_8(%arg0: i32) -> (i32, i32) {
    %c0_i32 = arith.constant 0 : i32
    %c0_i32_0 = arith.constant 0 : i32
    return %arg0, %c0_i32 : i32, i32
  }
  func.func @transform_9(%arg0: i32) -> (i32, i32) {
    %c0_i32 = arith.constant 0 : i32
    %c0_i32_0 = arith.constant 0 : i32
    return %arg0, %c0_i32 : i32, i32
  }
  func.func @transform_10(%arg0: i32) -> (i32, i32) {
    %c0_i32 = arith.constant 0 : i32
    %c0_i32_0 = arith.constant 0 : i32
    return %arg0, %c0_i32 : i32, i32
  }
}

module attributes {stable_mosaic.version = 14 : i64} {
  func.func @_k2_body(%arg0: i32, %arg1: memref<2x512x64xbf16, #tpu.memory_space<vmem>>, %arg2: memref<1x2048x64xbf16, #tpu.memory_space<vmem>>, %arg3: memref<1x2048x64xbf16, #tpu.memory_space<vmem>>, %arg4: memref<2x1x1xf32, #tpu.memory_space<vmem>>, %arg5: memref<2x512x64xbf16, #tpu.memory_space<vmem>>) attributes {dimension_semantics = [#tpu.dimension_semantics<arbitrary>], iteration_bounds = array<i64: 8>, scalar_prefetch = 0 : i64, scratch_operands = 0 : i64, tpu.core_type = #tpu.core_type<tc>, window_params = [{transform_indices = @transform_0, window_bounds = array<i64: 2, 512, 64>}, {transform_indices = @transform_1, window_bounds = array<i64: 1, 2048, 64>}, {transform_indices = @transform_2, window_bounds = array<i64: 1, 2048, 64>}, {transform_indices = @transform_3, window_bounds = array<i64: 2, 1, 1>}, {transform_indices = @transform_4, window_bounds = array<i64: 2, 512, 64>}]} {
    %get3A = arith.constant 0 : index
    %get3A_0 = arith.constant 0 : index
    %get3A_1 = arith.constant 0 : index
    %get3A_2 = vector.load %arg1[%get3A, %get3A_0, %get3A_1] : memref<2x512x64xbf16, #tpu.memory_space<vmem>>, vector<2x512x64xbf16>
    %reshape3A = vector.shape_cast %get3A_2 : vector<2x512x64xbf16> to vector<1024x64xbf16>
    %get3A_3 = arith.constant 0 : index
    %get3A_4 = arith.constant 0 : index
    %get3A_5 = arith.constant 0 : index
    %get3A_6 = vector.load %arg2[%get3A_3, %get3A_4, %get3A_5] : memref<1x2048x64xbf16, #tpu.memory_space<vmem>>, vector<1x2048x64xbf16>
    %get3A_7 = vector.shape_cast %get3A_6 : vector<1x2048x64xbf16> to vector<2048x64xbf16>
    %dot_general3A = arith.constant dense<0.000000e+00> : vector<1024x2048xf32>
    %dot_general3A_8 = tpu.matmul %reshape3A, %get3A_7, %dot_general3A {dimension_numbers = #tpu.dot_dimension_numbers<[1], [1], [0], [0], [0, 0, 1, 0], [], []>, transpose_lhs_hint = false} : vector<1024x64xbf16>, vector<2048x64xbf16>, vector<1024x2048xf32> -> vector<1024x2048xf32>
    %mul3A = arith.constant 1.250000e-01 : f32
    %mul3A_9 = vector.broadcast %mul3A : f32 to vector<1024x2048xf32>
    %mul3A_10 = arith.mulf %dot_general3A_8, %mul3A_9 : vector<1024x2048xf32>
    %iota3A = tpu.iota {dimensions = array<i32: 0>} : vector<1024x2048xi32>
    %jit3A = arith.constant 512 : i32
    %eq3A = arith.constant 0 : i32
    %eq3A_11 = arith.cmpi eq, %jit3A, %eq3A : i32
    %jit3A_12 = arith.constant 1 : i32
    %select_n3A = arith.select %eq3A_11, %jit3A_12, %jit3A : i32
    %rem3A = vector.broadcast %select_n3A : i32 to vector<1024x2048xi32>
    %rem3A_13 = arith.remsi %iota3A, %rem3A : vector<1024x2048xi32>
    %ne3A = arith.constant 0 : i32
    %ne3A_14 = vector.broadcast %ne3A : i32 to vector<1024x2048xi32>
    %ne3A_15 = arith.cmpi ne, %rem3A_13, %ne3A_14 : vector<1024x2048xi32>
    %lt3A = arith.constant 0 : i32
    %lt3A_16 = vector.broadcast %lt3A : i32 to vector<1024x2048xi32>
    %lt3A_17 = arith.cmpi slt, %rem3A_13, %lt3A_16 : vector<1024x2048xi32>
    %lt3A_18 = arith.constant 0 : i32
    %lt3A_19 = arith.cmpi slt, %select_n3A, %lt3A_18 : i32
    %ne3A_20 = vector.broadcast %lt3A_19 : i1 to vector<1024x2048xi1>
    %ne3A_21 = vector.broadcast %ne3A_20 : vector<1024x2048xi1> to vector<1024x2048xi1>
    %ne3A_22 = arith.xori %lt3A_17, %ne3A_21 : vector<1024x2048xi1>
    %and3A = arith.andi %ne3A_22, %ne3A_15 : vector<1024x2048xi1>
    %add3A = vector.broadcast %select_n3A : i32 to vector<1024x2048xi32>
    %add3A_23 = arith.addi %rem3A_13, %add3A : vector<1024x2048xi32>
    %select_n3A_24 = arith.select %and3A, %add3A_23, %rem3A_13 : vector<1024x2048xi1>, vector<1024x2048xi32>
    %add3A_25 = arith.constant 1536 : i32
    %add3A_26 = vector.broadcast %add3A_25 : i32 to vector<1024x2048xi32>
    %add3A_27 = arith.addi %select_n3A_24, %add3A_26 : vector<1024x2048xi32>
    %iota3A_28 = tpu.iota {dimensions = array<i32: 1>} : vector<1024x2048xi32>
    %ge3A = arith.cmpi sge, %add3A_27, %iota3A_28 : vector<1024x2048xi32>
    %jit3A_29 = arith.constant -1.000000e+30 : f32
    %broadcast_in_dim3A = vector.broadcast %jit3A_29 : f32 to vector<1024x2048xf32>
    %select_n3A_30 = arith.select %ge3A, %mul3A_10, %broadcast_in_dim3A : vector<1024x2048xi1>, vector<1024x2048xf32>
    %iota3A_31 = tpu.iota {dimensions = array<i32: 0>} : vector<1024x1xi32>
    %lt3A_32 = arith.constant 512 : i32
    %lt3A_33 = vector.broadcast %lt3A_32 : i32 to vector<1024x1xi32>
    %lt3A_34 = arith.cmpi slt, %iota3A_31, %lt3A_33 : vector<1024x1xi32>
    %get3A_35 = arith.constant 0 : index
    %get3A_36 = arith.constant 0 : index
    %get3A_37 = arith.constant 0 : index
    %get3A_38 = vector.load %arg4[%get3A_35, %get3A_36, %get3A_37] : memref<2x1x1xf32, #tpu.memory_space<vmem>>, vector<1x1x1xf32>
    %get3A_39 = vector.extract %get3A_38[0, 0, 0] : f32 from vector<1x1x1xf32>
    %get3A_40 = arith.constant 1 : index
    %get3A_41 = arith.constant 0 : index
    %get3A_42 = arith.constant 0 : index
    %get3A_43 = vector.load %arg4[%get3A_40, %get3A_41, %get3A_42] : memref<2x1x1xf32, #tpu.memory_space<vmem>>, vector<1x1x1xf32>
    %get3A_44 = vector.extract %get3A_43[0, 0, 0] : f32 from vector<1x1x1xf32>
    %broadcast_in_dim3A_45 = vector.broadcast %get3A_39 : f32 to vector<1024x1xf32>
    %broadcast_in_dim3A_46 = vector.broadcast %get3A_44 : f32 to vector<1024x1xf32>
    %select_n3A_47 = arith.select %lt3A_34, %broadcast_in_dim3A_45, %broadcast_in_dim3A_46 : vector<1024x1xi1>, vector<1024x1xf32>
    %reduce_max3A = arith.constant dense<0xFF800000> : vector<1024xf32>
    %reduce_max3A_48 = vector.multi_reduction <maximumf>, %select_n3A_30, %reduce_max3A [1] : vector<1024x2048xf32> to vector<1024xf32>
    %broadcast_in_dim3A_49 = vector.shape_cast %reduce_max3A_48 : vector<1024xf32> to vector<1024x1xf32>
    %max3A = arith.maximumf %broadcast_in_dim3A_49, %select_n3A_47 : vector<1024x1xf32>
    %sub3A = vector.broadcast %max3A : vector<1024x1xf32> to vector<1024x2048xf32>
    %sub3A_50 = arith.subf %select_n3A_30, %sub3A : vector<1024x2048xf32>
    %exp3A = math.exp %sub3A_50 : vector<1024x2048xf32>
    %reduce_sum3A = arith.constant dense<0.000000e+00> : vector<1024xf32>
    %reduce_sum3A_51 = vector.multi_reduction <add>, %exp3A, %reduce_sum3A [1] : vector<1024x2048xf32> to vector<1024xf32>
    %broadcast_in_dim3A_52 = vector.shape_cast %reduce_sum3A_51 : vector<1024xf32> to vector<1024x1xf32>
    %sub3A_53 = arith.subf %select_n3A_47, %max3A : vector<1024x1xf32>
    %exp3A_54 = math.exp %sub3A_53 : vector<1024x1xf32>
    %add3A_55 = arith.addf %broadcast_in_dim3A_52, %exp3A_54 : vector<1024x1xf32>
    %div3A = vector.broadcast %add3A_55 : vector<1024x1xf32> to vector<1024x2048xf32>
    %div3A_56 = arith.divf %exp3A, %div3A : vector<1024x2048xf32>
    %convert_element_type3A = arith.truncf %div3A_56 : vector<1024x2048xf32> to vector<1024x2048xbf16>
    %get3A_57 = arith.constant 0 : index
    %get3A_58 = arith.constant 0 : index
    %get3A_59 = arith.constant 0 : index
    %get3A_60 = vector.load %arg3[%get3A_57, %get3A_58, %get3A_59] : memref<1x2048x64xbf16, #tpu.memory_space<vmem>>, vector<1x2048x64xbf16>
    %get3A_61 = vector.shape_cast %get3A_60 : vector<1x2048x64xbf16> to vector<2048x64xbf16>
    %dot_general3A_62 = arith.constant dense<0.000000e+00> : vector<1024x64xf32>
    %dot_general3A_63 = tpu.matmul %convert_element_type3A, %get3A_61, %dot_general3A_62 {dimension_numbers = #tpu.dot_dimension_numbers<[1], [0], [0], [1], [0, 0, 1, 1], [], []>, transpose_lhs_hint = false} : vector<1024x2048xbf16>, vector<2048x64xbf16>, vector<1024x64xf32> -> vector<1024x64xf32>
    %convert_element_type3A_64 = arith.truncf %dot_general3A_63 : vector<1024x64xf32> to vector<1024x64xbf16>
    %reshape3A_65 = vector.shape_cast %convert_element_type3A_64 : vector<1024x64xbf16> to vector<2x512x64xbf16>
    %swap3A = arith.constant 0 : index
    %swap3A_66 = arith.constant 0 : index
    %swap3A_67 = arith.constant 0 : index
    %swap3A_68 = vector.load %arg5[%swap3A, %swap3A_66, %swap3A_67] : memref<2x512x64xbf16, #tpu.memory_space<vmem>>, vector<2x512x64xbf16>
    tpu.vector_store %arg5[%swap3A, %swap3A_66, %swap3A_67], %reshape3A_65 {strides = array<i32>} : memref<2x512x64xbf16, #tpu.memory_space<vmem>>, vector<2x512x64xbf16>,
    return
  }
  func.func @transform_0(%arg0: i32) -> (i32, i32, i32) {
    %c0_i32 = arith.constant 0 : i32
    %c0_i32_0 = arith.constant 0 : i32
    %c0_i32_1 = arith.constant 0 : i32
    return %arg0, %c0_i32, %c0_i32_0 : i32, i32, i32
  }
  func.func @transform_1(%arg0: i32) -> (i32, i32, i32) {
    %c0_i32 = arith.constant 0 : i32
    %c0_i32_0 = arith.constant 0 : i32
    %c0_i32_1 = arith.constant 0 : i32
    return %arg0, %c0_i32, %c0_i32_0 : i32, i32, i32
  }
  func.func @transform_2(%arg0: i32) -> (i32, i32, i32) {
    %c0_i32 = arith.constant 0 : i32
    %c0_i32_0 = arith.constant 0 : i32
    %c0_i32_1 = arith.constant 0 : i32
    return %arg0, %c0_i32, %c0_i32_0 : i32, i32, i32
  }
  func.func @transform_3(%arg0: i32) -> (i32, i32, i32) {
    %c0_i32 = arith.constant 0 : i32
    %c0_i32_0 = arith.constant 0 : i32
    %c0_i32_1 = arith.constant 0 : i32
    return %arg0, %c0_i32, %c0_i32_0 : i32, i32, i32
  }
  func.func @transform_4(%arg0: i32) -> (i32, i32, i32) {
    %c0_i32 = arith.constant 0 : i32
    %c0_i32_0 = arith.constant 0 : i32
    %c0_i32_1 = arith.constant 0 : i32
    return %arg0, %c0_i32, %c0_i32_0 : i32, i32, i32
  }
}

module attributes {stable_mosaic.version = 14 : i64} {
  func.func @_k2_body(%arg0: i32, %arg1: memref<2x512x64xbf16, #tpu.memory_space<vmem>>, %arg2: memref<1x1536x64xbf16, #tpu.memory_space<vmem>>, %arg3: memref<1x1536x64xbf16, #tpu.memory_space<vmem>>, %arg4: memref<2x1x1xf32, #tpu.memory_space<vmem>>, %arg5: memref<2x512x64xbf16, #tpu.memory_space<vmem>>) attributes {dimension_semantics = [#tpu.dimension_semantics<arbitrary>], iteration_bounds = array<i64: 8>, scalar_prefetch = 0 : i64, scratch_operands = 0 : i64, tpu.core_type = #tpu.core_type<tc>, window_params = [{transform_indices = @transform_0, window_bounds = array<i64: 2, 512, 64>}, {transform_indices = @transform_1, window_bounds = array<i64: 1, 1536, 64>}, {transform_indices = @transform_2, window_bounds = array<i64: 1, 1536, 64>}, {transform_indices = @transform_3, window_bounds = array<i64: 2, 1, 1>}, {transform_indices = @transform_4, window_bounds = array<i64: 2, 512, 64>}]} {
    %get3A = arith.constant 0 : index
    %get3A_0 = arith.constant 0 : index
    %get3A_1 = arith.constant 0 : index
    %get3A_2 = vector.load %arg1[%get3A, %get3A_0, %get3A_1] : memref<2x512x64xbf16, #tpu.memory_space<vmem>>, vector<2x512x64xbf16>
    %reshape3A = vector.shape_cast %get3A_2 : vector<2x512x64xbf16> to vector<1024x64xbf16>
    %get3A_3 = arith.constant 0 : index
    %get3A_4 = arith.constant 0 : index
    %get3A_5 = arith.constant 0 : index
    %get3A_6 = vector.load %arg2[%get3A_3, %get3A_4, %get3A_5] : memref<1x1536x64xbf16, #tpu.memory_space<vmem>>, vector<1x1536x64xbf16>
    %get3A_7 = vector.shape_cast %get3A_6 : vector<1x1536x64xbf16> to vector<1536x64xbf16>
    %dot_general3A = arith.constant dense<0.000000e+00> : vector<1024x1536xf32>
    %dot_general3A_8 = tpu.matmul %reshape3A, %get3A_7, %dot_general3A {dimension_numbers = #tpu.dot_dimension_numbers<[1], [1], [0], [0], [0, 0, 1, 0], [], []>, transpose_lhs_hint = false} : vector<1024x64xbf16>, vector<1536x64xbf16>, vector<1024x1536xf32> -> vector<1024x1536xf32>
    %mul3A = arith.constant 1.250000e-01 : f32
    %mul3A_9 = vector.broadcast %mul3A : f32 to vector<1024x1536xf32>
    %mul3A_10 = arith.mulf %dot_general3A_8, %mul3A_9 : vector<1024x1536xf32>
    %iota3A = tpu.iota {dimensions = array<i32: 0>} : vector<1024x1536xi32>
    %jit3A = arith.constant 512 : i32
    %eq3A = arith.constant 0 : i32
    %eq3A_11 = arith.cmpi eq, %jit3A, %eq3A : i32
    %jit3A_12 = arith.constant 1 : i32
    %select_n3A = arith.select %eq3A_11, %jit3A_12, %jit3A : i32
    %rem3A = vector.broadcast %select_n3A : i32 to vector<1024x1536xi32>
    %rem3A_13 = arith.remsi %iota3A, %rem3A : vector<1024x1536xi32>
    %ne3A = arith.constant 0 : i32
    %ne3A_14 = vector.broadcast %ne3A : i32 to vector<1024x1536xi32>
    %ne3A_15 = arith.cmpi ne, %rem3A_13, %ne3A_14 : vector<1024x1536xi32>
    %lt3A = arith.constant 0 : i32
    %lt3A_16 = vector.broadcast %lt3A : i32 to vector<1024x1536xi32>
    %lt3A_17 = arith.cmpi slt, %rem3A_13, %lt3A_16 : vector<1024x1536xi32>
    %lt3A_18 = arith.constant 0 : i32
    %lt3A_19 = arith.cmpi slt, %select_n3A, %lt3A_18 : i32
    %ne3A_20 = vector.broadcast %lt3A_19 : i1 to vector<1024x1536xi1>
    %ne3A_21 = vector.broadcast %ne3A_20 : vector<1024x1536xi1> to vector<1024x1536xi1>
    %ne3A_22 = arith.xori %lt3A_17, %ne3A_21 : vector<1024x1536xi1>
    %and3A = arith.andi %ne3A_22, %ne3A_15 : vector<1024x1536xi1>
    %add3A = vector.broadcast %select_n3A : i32 to vector<1024x1536xi32>
    %add3A_23 = arith.addi %rem3A_13, %add3A : vector<1024x1536xi32>
    %select_n3A_24 = arith.select %and3A, %add3A_23, %rem3A_13 : vector<1024x1536xi1>, vector<1024x1536xi32>
    %add3A_25 = arith.constant 1024 : i32
    %add3A_26 = vector.broadcast %add3A_25 : i32 to vector<1024x1536xi32>
    %add3A_27 = arith.addi %select_n3A_24, %add3A_26 : vector<1024x1536xi32>
    %iota3A_28 = tpu.iota {dimensions = array<i32: 1>} : vector<1024x1536xi32>
    %ge3A = arith.cmpi sge, %add3A_27, %iota3A_28 : vector<1024x1536xi32>
    %jit3A_29 = arith.constant -1.000000e+30 : f32
    %broadcast_in_dim3A = vector.broadcast %jit3A_29 : f32 to vector<1024x1536xf32>
    %select_n3A_30 = arith.select %ge3A, %mul3A_10, %broadcast_in_dim3A : vector<1024x1536xi1>, vector<1024x1536xf32>
    %iota3A_31 = tpu.iota {dimensions = array<i32: 0>} : vector<1024x1xi32>
    %lt3A_32 = arith.constant 512 : i32
    %lt3A_33 = vector.broadcast %lt3A_32 : i32 to vector<1024x1xi32>
    %lt3A_34 = arith.cmpi slt, %iota3A_31, %lt3A_33 : vector<1024x1xi32>
    %get3A_35 = arith.constant 0 : index
    %get3A_36 = arith.constant 0 : index
    %get3A_37 = arith.constant 0 : index
    %get3A_38 = vector.load %arg4[%get3A_35, %get3A_36, %get3A_37] : memref<2x1x1xf32, #tpu.memory_space<vmem>>, vector<1x1x1xf32>
    %get3A_39 = vector.extract %get3A_38[0, 0, 0] : f32 from vector<1x1x1xf32>
    %get3A_40 = arith.constant 1 : index
    %get3A_41 = arith.constant 0 : index
    %get3A_42 = arith.constant 0 : index
    %get3A_43 = vector.load %arg4[%get3A_40, %get3A_41, %get3A_42] : memref<2x1x1xf32, #tpu.memory_space<vmem>>, vector<1x1x1xf32>
    %get3A_44 = vector.extract %get3A_43[0, 0, 0] : f32 from vector<1x1x1xf32>
    %broadcast_in_dim3A_45 = vector.broadcast %get3A_39 : f32 to vector<1024x1xf32>
    %broadcast_in_dim3A_46 = vector.broadcast %get3A_44 : f32 to vector<1024x1xf32>
    %select_n3A_47 = arith.select %lt3A_34, %broadcast_in_dim3A_45, %broadcast_in_dim3A_46 : vector<1024x1xi1>, vector<1024x1xf32>
    %reduce_max3A = arith.constant dense<0xFF800000> : vector<1024xf32>
    %reduce_max3A_48 = vector.multi_reduction <maximumf>, %select_n3A_30, %reduce_max3A [1] : vector<1024x1536xf32> to vector<1024xf32>
    %broadcast_in_dim3A_49 = vector.shape_cast %reduce_max3A_48 : vector<1024xf32> to vector<1024x1xf32>
    %max3A = arith.maximumf %broadcast_in_dim3A_49, %select_n3A_47 : vector<1024x1xf32>
    %sub3A = vector.broadcast %max3A : vector<1024x1xf32> to vector<1024x1536xf32>
    %sub3A_50 = arith.subf %select_n3A_30, %sub3A : vector<1024x1536xf32>
    %exp3A = math.exp %sub3A_50 : vector<1024x1536xf32>
    %reduce_sum3A = arith.constant dense<0.000000e+00> : vector<1024xf32>
    %reduce_sum3A_51 = vector.multi_reduction <add>, %exp3A, %reduce_sum3A [1] : vector<1024x1536xf32> to vector<1024xf32>
    %broadcast_in_dim3A_52 = vector.shape_cast %reduce_sum3A_51 : vector<1024xf32> to vector<1024x1xf32>
    %sub3A_53 = arith.subf %select_n3A_47, %max3A : vector<1024x1xf32>
    %exp3A_54 = math.exp %sub3A_53 : vector<1024x1xf32>
    %add3A_55 = arith.addf %broadcast_in_dim3A_52, %exp3A_54 : vector<1024x1xf32>
    %div3A = vector.broadcast %add3A_55 : vector<1024x1xf32> to vector<1024x1536xf32>
    %div3A_56 = arith.divf %exp3A, %div3A : vector<1024x1536xf32>
    %convert_element_type3A = arith.truncf %div3A_56 : vector<1024x1536xf32> to vector<1024x1536xbf16>
    %get3A_57 = arith.constant 0 : index
    %get3A_58 = arith.constant 0 : index
    %get3A_59 = arith.constant 0 : index
    %get3A_60 = vector.load %arg3[%get3A_57, %get3A_58, %get3A_59] : memref<1x1536x64xbf16, #tpu.memory_space<vmem>>, vector<1x1536x64xbf16>
    %get3A_61 = vector.shape_cast %get3A_60 : vector<1x1536x64xbf16> to vector<1536x64xbf16>
    %dot_general3A_62 = arith.constant dense<0.000000e+00> : vector<1024x64xf32>
    %dot_general3A_63 = tpu.matmul %convert_element_type3A, %get3A_61, %dot_general3A_62 {dimension_numbers = #tpu.dot_dimension_numbers<[1], [0], [0], [1], [0, 0, 1, 1], [], []>, transpose_lhs_hint = false} : vector<1024x1536xbf16>, vector<1536x64xbf16>, vector<1024x64xf32> -> vector<1024x64xf32>
    %convert_element_type3A_64 = arith.truncf %dot_general3A_63 : vector<1024x64xf32> to vector<1024x64xbf16>
    %reshape3A_65 = vector.shape_cast %convert_element_type3A_64 : vector<1024x64xbf16> to vector<2x512x64xbf16>
    %swap3A = arith.constant 0 : index
    %swap3A_66 = arith.constant 0 : index
    %swap3A_67 = arith.constant 0 : index
    %swap3A_68 = vector.load %arg5[%swap3A, %swap3A_66, %swap3A_67] : memref<2x512x64xbf16, #tpu.memory_space<vmem>>, vector<2x512x64xbf16>
    tpu.vector_store %arg5[%swap3A, %swap3A_66, %swap3A_67], %reshape3A_65 {strides = array<i32>} : memref<2x512x64xbf16, #tpu.memory_space<vmem>>, vector<2x512x64xbf16>,
    return
  }
  func.func @transform_0(%arg0: i32) -> (i32, i32, i32) {
    %c0_i32 = arith.constant 0 : i32
    %c0_i32_0 = arith.constant 0 : i32
    %c0_i32_1 = arith.constant 0 : i32
    return %arg0, %c0_i32, %c0_i32_0 : i32, i32, i32
  }
  func.func @transform_1(%arg0: i32) -> (i32, i32, i32) {
    %c0_i32 = arith.constant 0 : i32
    %c0_i32_0 = arith.constant 0 : i32
    %c0_i32_1 = arith.constant 0 : i32
    return %arg0, %c0_i32, %c0_i32_0 : i32, i32, i32
  }
  func.func @transform_2(%arg0: i32) -> (i32, i32, i32) {
    %c0_i32 = arith.constant 0 : i32
    %c0_i32_0 = arith.constant 0 : i32
    %c0_i32_1 = arith.constant 0 : i32
    return %arg0, %c0_i32, %c0_i32_0 : i32, i32, i32
  }
  func.func @transform_3(%arg0: i32) -> (i32, i32, i32) {
    %c0_i32 = arith.constant 0 : i32
    %c0_i32_0 = arith.constant 0 : i32
    %c0_i32_1 = arith.constant 0 : i32
    return %arg0, %c0_i32, %c0_i32_0 : i32, i32, i32
  }
  func.func @transform_4(%arg0: i32) -> (i32, i32, i32) {
    %c0_i32 = arith.constant 0 : i32
    %c0_i32_0 = arith.constant 0 : i32
    %c0_i32_1 = arith.constant 0 : i32
    return %arg0, %c0_i32, %c0_i32_0 : i32, i32, i32
  }
}

module attributes {stable_mosaic.version = 14 : i64} {
  func.func @_k2_body(%arg0: i32, %arg1: memref<2x512x64xbf16, #tpu.memory_space<vmem>>, %arg2: memref<1x1024x64xbf16, #tpu.memory_space<vmem>>, %arg3: memref<1x1024x64xbf16, #tpu.memory_space<vmem>>, %arg4: memref<2x1x1xf32, #tpu.memory_space<vmem>>, %arg5: memref<2x512x64xbf16, #tpu.memory_space<vmem>>) attributes {dimension_semantics = [#tpu.dimension_semantics<arbitrary>], iteration_bounds = array<i64: 8>, scalar_prefetch = 0 : i64, scratch_operands = 0 : i64, tpu.core_type = #tpu.core_type<tc>, window_params = [{transform_indices = @transform_0, window_bounds = array<i64: 2, 512, 64>}, {transform_indices = @transform_1, window_bounds = array<i64: 1, 1024, 64>}, {transform_indices = @transform_2, window_bounds = array<i64: 1, 1024, 64>}, {transform_indices = @transform_3, window_bounds = array<i64: 2, 1, 1>}, {transform_indices = @transform_4, window_bounds = array<i64: 2, 512, 64>}]} {
    %get3A = arith.constant 0 : index
    %get3A_0 = arith.constant 0 : index
    %get3A_1 = arith.constant 0 : index
    %get3A_2 = vector.load %arg1[%get3A, %get3A_0, %get3A_1] : memref<2x512x64xbf16, #tpu.memory_space<vmem>>, vector<2x512x64xbf16>
    %reshape3A = vector.shape_cast %get3A_2 : vector<2x512x64xbf16> to vector<1024x64xbf16>
    %get3A_3 = arith.constant 0 : index
    %get3A_4 = arith.constant 0 : index
    %get3A_5 = arith.constant 0 : index
    %get3A_6 = vector.load %arg2[%get3A_3, %get3A_4, %get3A_5] : memref<1x1024x64xbf16, #tpu.memory_space<vmem>>, vector<1x1024x64xbf16>
    %get3A_7 = vector.shape_cast %get3A_6 : vector<1x1024x64xbf16> to vector<1024x64xbf16>
    %dot_general3A = arith.constant dense<0.000000e+00> : vector<1024x1024xf32>
    %dot_general3A_8 = tpu.matmul %reshape3A, %get3A_7, %dot_general3A {dimension_numbers = #tpu.dot_dimension_numbers<[1], [1], [0], [0], [0, 0, 1, 0], [], []>, transpose_lhs_hint = false} : vector<1024x64xbf16>, vector<1024x64xbf16>, vector<1024x1024xf32> -> vector<1024x1024xf32>
    %mul3A = arith.constant 1.250000e-01 : f32
    %mul3A_9 = vector.broadcast %mul3A : f32 to vector<1024x1024xf32>
    %mul3A_10 = arith.mulf %dot_general3A_8, %mul3A_9 : vector<1024x1024xf32>
    %iota3A = tpu.iota {dimensions = array<i32: 0>} : vector<1024x1024xi32>
    %jit3A = arith.constant 512 : i32
    %eq3A = arith.constant 0 : i32
    %eq3A_11 = arith.cmpi eq, %jit3A, %eq3A : i32
    %jit3A_12 = arith.constant 1 : i32
    %select_n3A = arith.select %eq3A_11, %jit3A_12, %jit3A : i32
    %rem3A = vector.broadcast %select_n3A : i32 to vector<1024x1024xi32>
    %rem3A_13 = arith.remsi %iota3A, %rem3A : vector<1024x1024xi32>
    %ne3A = arith.constant 0 : i32
    %ne3A_14 = vector.broadcast %ne3A : i32 to vector<1024x1024xi32>
    %ne3A_15 = arith.cmpi ne, %rem3A_13, %ne3A_14 : vector<1024x1024xi32>
    %lt3A = arith.constant 0 : i32
    %lt3A_16 = vector.broadcast %lt3A : i32 to vector<1024x1024xi32>
    %lt3A_17 = arith.cmpi slt, %rem3A_13, %lt3A_16 : vector<1024x1024xi32>
    %lt3A_18 = arith.constant 0 : i32
    %lt3A_19 = arith.cmpi slt, %select_n3A, %lt3A_18 : i32
    %ne3A_20 = vector.broadcast %lt3A_19 : i1 to vector<1024x1024xi1>
    %ne3A_21 = vector.broadcast %ne3A_20 : vector<1024x1024xi1> to vector<1024x1024xi1>
    %ne3A_22 = arith.xori %lt3A_17, %ne3A_21 : vector<1024x1024xi1>
    %and3A = arith.andi %ne3A_22, %ne3A_15 : vector<1024x1024xi1>
    %add3A = vector.broadcast %select_n3A : i32 to vector<1024x1024xi32>
    %add3A_23 = arith.addi %rem3A_13, %add3A : vector<1024x1024xi32>
    %select_n3A_24 = arith.select %and3A, %add3A_23, %rem3A_13 : vector<1024x1024xi1>, vector<1024x1024xi32>
    %add3A_25 = arith.constant 512 : i32
    %add3A_26 = vector.broadcast %add3A_25 : i32 to vector<1024x1024xi32>
    %add3A_27 = arith.addi %select_n3A_24, %add3A_26 : vector<1024x1024xi32>
    %iota3A_28 = tpu.iota {dimensions = array<i32: 1>} : vector<1024x1024xi32>
    %ge3A = arith.cmpi sge, %add3A_27, %iota3A_28 : vector<1024x1024xi32>
    %jit3A_29 = arith.constant -1.000000e+30 : f32
    %broadcast_in_dim3A = vector.broadcast %jit3A_29 : f32 to vector<1024x1024xf32>
    %select_n3A_30 = arith.select %ge3A, %mul3A_10, %broadcast_in_dim3A : vector<1024x1024xi1>, vector<1024x1024xf32>
    %iota3A_31 = tpu.iota {dimensions = array<i32: 0>} : vector<1024x1xi32>
    %lt3A_32 = arith.constant 512 : i32
    %lt3A_33 = vector.broadcast %lt3A_32 : i32 to vector<1024x1xi32>
    %lt3A_34 = arith.cmpi slt, %iota3A_31, %lt3A_33 : vector<1024x1xi32>
    %get3A_35 = arith.constant 0 : index
    %get3A_36 = arith.constant 0 : index
    %get3A_37 = arith.constant 0 : index
    %get3A_38 = vector.load %arg4[%get3A_35, %get3A_36, %get3A_37] : memref<2x1x1xf32, #tpu.memory_space<vmem>>, vector<1x1x1xf32>
    %get3A_39 = vector.extract %get3A_38[0, 0, 0] : f32 from vector<1x1x1xf32>
    %get3A_40 = arith.constant 1 : index
    %get3A_41 = arith.constant 0 : index
    %get3A_42 = arith.constant 0 : index
    %get3A_43 = vector.load %arg4[%get3A_40, %get3A_41, %get3A_42] : memref<2x1x1xf32, #tpu.memory_space<vmem>>, vector<1x1x1xf32>
    %get3A_44 = vector.extract %get3A_43[0, 0, 0] : f32 from vector<1x1x1xf32>
    %broadcast_in_dim3A_45 = vector.broadcast %get3A_39 : f32 to vector<1024x1xf32>
    %broadcast_in_dim3A_46 = vector.broadcast %get3A_44 : f32 to vector<1024x1xf32>
    %select_n3A_47 = arith.select %lt3A_34, %broadcast_in_dim3A_45, %broadcast_in_dim3A_46 : vector<1024x1xi1>, vector<1024x1xf32>
    %reduce_max3A = arith.constant dense<0xFF800000> : vector<1024xf32>
    %reduce_max3A_48 = vector.multi_reduction <maximumf>, %select_n3A_30, %reduce_max3A [1] : vector<1024x1024xf32> to vector<1024xf32>
    %broadcast_in_dim3A_49 = vector.shape_cast %reduce_max3A_48 : vector<1024xf32> to vector<1024x1xf32>
    %max3A = arith.maximumf %broadcast_in_dim3A_49, %select_n3A_47 : vector<1024x1xf32>
    %sub3A = vector.broadcast %max3A : vector<1024x1xf32> to vector<1024x1024xf32>
    %sub3A_50 = arith.subf %select_n3A_30, %sub3A : vector<1024x1024xf32>
    %exp3A = math.exp %sub3A_50 : vector<1024x1024xf32>
    %reduce_sum3A = arith.constant dense<0.000000e+00> : vector<1024xf32>
    %reduce_sum3A_51 = vector.multi_reduction <add>, %exp3A, %reduce_sum3A [1] : vector<1024x1024xf32> to vector<1024xf32>
    %broadcast_in_dim3A_52 = vector.shape_cast %reduce_sum3A_51 : vector<1024xf32> to vector<1024x1xf32>
    %sub3A_53 = arith.subf %select_n3A_47, %max3A : vector<1024x1xf32>
    %exp3A_54 = math.exp %sub3A_53 : vector<1024x1xf32>
    %add3A_55 = arith.addf %broadcast_in_dim3A_52, %exp3A_54 : vector<1024x1xf32>
    %div3A = vector.broadcast %add3A_55 : vector<1024x1xf32> to vector<1024x1024xf32>
    %div3A_56 = arith.divf %exp3A, %div3A : vector<1024x1024xf32>
    %convert_element_type3A = arith.truncf %div3A_56 : vector<1024x1024xf32> to vector<1024x1024xbf16>
    %get3A_57 = arith.constant 0 : index
    %get3A_58 = arith.constant 0 : index
    %get3A_59 = arith.constant 0 : index
    %get3A_60 = vector.load %arg3[%get3A_57, %get3A_58, %get3A_59] : memref<1x1024x64xbf16, #tpu.memory_space<vmem>>, vector<1x1024x64xbf16>
    %get3A_61 = vector.shape_cast %get3A_60 : vector<1x1024x64xbf16> to vector<1024x64xbf16>
    %dot_general3A_62 = arith.constant dense<0.000000e+00> : vector<1024x64xf32>
    %dot_general3A_63 = tpu.matmul %convert_element_type3A, %get3A_61, %dot_general3A_62 {dimension_numbers = #tpu.dot_dimension_numbers<[1], [0], [0], [1], [0, 0, 1, 1], [], []>, transpose_lhs_hint = false} : vector<1024x1024xbf16>, vector<1024x64xbf16>, vector<1024x64xf32> -> vector<1024x64xf32>
    %convert_element_type3A_64 = arith.truncf %dot_general3A_63 : vector<1024x64xf32> to vector<1024x64xbf16>
    %reshape3A_65 = vector.shape_cast %convert_element_type3A_64 : vector<1024x64xbf16> to vector<2x512x64xbf16>
    %swap3A = arith.constant 0 : index
    %swap3A_66 = arith.constant 0 : index
    %swap3A_67 = arith.constant 0 : index
    %swap3A_68 = vector.load %arg5[%swap3A, %swap3A_66, %swap3A_67] : memref<2x512x64xbf16, #tpu.memory_space<vmem>>, vector<2x512x64xbf16>
    tpu.vector_store %arg5[%swap3A, %swap3A_66, %swap3A_67], %reshape3A_65 {strides = array<i32>} : memref<2x512x64xbf16, #tpu.memory_space<vmem>>, vector<2x512x64xbf16>,
    return
  }
  func.func @transform_0(%arg0: i32) -> (i32, i32, i32) {
    %c0_i32 = arith.constant 0 : i32
    %c0_i32_0 = arith.constant 0 : i32
    %c0_i32_1 = arith.constant 0 : i32
    return %arg0, %c0_i32, %c0_i32_0 : i32, i32, i32
  }
  func.func @transform_1(%arg0: i32) -> (i32, i32, i32) {
    %c0_i32 = arith.constant 0 : i32
    %c0_i32_0 = arith.constant 0 : i32
    %c0_i32_1 = arith.constant 0 : i32
    return %arg0, %c0_i32, %c0_i32_0 : i32, i32, i32
  }
  func.func @transform_2(%arg0: i32) -> (i32, i32, i32) {
    %c0_i32 = arith.constant 0 : i32
    %c0_i32_0 = arith.constant 0 : i32
    %c0_i32_1 = arith.constant 0 : i32
    return %arg0, %c0_i32, %c0_i32_0 : i32, i32, i32
  }
  func.func @transform_3(%arg0: i32) -> (i32, i32, i32) {
    %c0_i32 = arith.constant 0 : i32
    %c0_i32_0 = arith.constant 0 : i32
    %c0_i32_1 = arith.constant 0 : i32
    return %arg0, %c0_i32, %c0_i32_0 : i32, i32, i32
  }
  func.func @transform_4(%arg0: i32) -> (i32, i32, i32) {
    %c0_i32 = arith.constant 0 : i32
    %c0_i32_0 = arith.constant 0 : i32
    %c0_i32_1 = arith.constant 0 : i32
    return %arg0, %c0_i32, %c0_i32_0 : i32, i32, i32
  }
}

module attributes {stable_mosaic.version = 14 : i64} {
  func.func @_k2_body(%arg0: i32, %arg1: memref<2x512x64xbf16, #tpu.memory_space<vmem>>, %arg2: memref<1x512x64xbf16, #tpu.memory_space<vmem>>, %arg3: memref<1x512x64xbf16, #tpu.memory_space<vmem>>, %arg4: memref<2x1x1xf32, #tpu.memory_space<vmem>>, %arg5: memref<2x512x64xbf16, #tpu.memory_space<vmem>>) attributes {dimension_semantics = [#tpu.dimension_semantics<arbitrary>], iteration_bounds = array<i64: 8>, scalar_prefetch = 0 : i64, scratch_operands = 0 : i64, tpu.core_type = #tpu.core_type<tc>, window_params = [{transform_indices = @transform_0, window_bounds = array<i64: 2, 512, 64>}, {transform_indices = @transform_1, window_bounds = array<i64: 1, 512, 64>}, {transform_indices = @transform_2, window_bounds = array<i64: 1, 512, 64>}, {transform_indices = @transform_3, window_bounds = array<i64: 2, 1, 1>}, {transform_indices = @transform_4, window_bounds = array<i64: 2, 512, 64>}]} {
    %get3A = arith.constant 0 : index
    %get3A_0 = arith.constant 0 : index
    %get3A_1 = arith.constant 0 : index
    %get3A_2 = vector.load %arg1[%get3A, %get3A_0, %get3A_1] : memref<2x512x64xbf16, #tpu.memory_space<vmem>>, vector<2x512x64xbf16>
    %reshape3A = vector.shape_cast %get3A_2 : vector<2x512x64xbf16> to vector<1024x64xbf16>
    %get3A_3 = arith.constant 0 : index
    %get3A_4 = arith.constant 0 : index
    %get3A_5 = arith.constant 0 : index
    %get3A_6 = vector.load %arg2[%get3A_3, %get3A_4, %get3A_5] : memref<1x512x64xbf16, #tpu.memory_space<vmem>>, vector<1x512x64xbf16>
    %get3A_7 = vector.shape_cast %get3A_6 : vector<1x512x64xbf16> to vector<512x64xbf16>
    %dot_general3A = arith.constant dense<0.000000e+00> : vector<1024x512xf32>
    %dot_general3A_8 = tpu.matmul %reshape3A, %get3A_7, %dot_general3A {dimension_numbers = #tpu.dot_dimension_numbers<[1], [1], [0], [0], [0, 0, 1, 0], [], []>, transpose_lhs_hint = false} : vector<1024x64xbf16>, vector<512x64xbf16>, vector<1024x512xf32> -> vector<1024x512xf32>
    %mul3A = arith.constant 1.250000e-01 : f32
    %mul3A_9 = vector.broadcast %mul3A : f32 to vector<1024x512xf32>
    %mul3A_10 = arith.mulf %dot_general3A_8, %mul3A_9 : vector<1024x512xf32>
    %iota3A = tpu.iota {dimensions = array<i32: 0>} : vector<1024x512xi32>
    %jit3A = arith.constant 512 : i32
    %eq3A = arith.constant 0 : i32
    %eq3A_11 = arith.cmpi eq, %jit3A, %eq3A : i32
    %jit3A_12 = arith.constant 1 : i32
    %select_n3A = arith.select %eq3A_11, %jit3A_12, %jit3A : i32
    %rem3A = vector.broadcast %select_n3A : i32 to vector<1024x512xi32>
    %rem3A_13 = arith.remsi %iota3A, %rem3A : vector<1024x512xi32>
    %ne3A = arith.constant 0 : i32
    %ne3A_14 = vector.broadcast %ne3A : i32 to vector<1024x512xi32>
    %ne3A_15 = arith.cmpi ne, %rem3A_13, %ne3A_14 : vector<1024x512xi32>
    %lt3A = arith.constant 0 : i32
    %lt3A_16 = vector.broadcast %lt3A : i32 to vector<1024x512xi32>
    %lt3A_17 = arith.cmpi slt, %rem3A_13, %lt3A_16 : vector<1024x512xi32>
    %lt3A_18 = arith.constant 0 : i32
    %lt3A_19 = arith.cmpi slt, %select_n3A, %lt3A_18 : i32
    %ne3A_20 = vector.broadcast %lt3A_19 : i1 to vector<1024x512xi1>
    %ne3A_21 = vector.broadcast %ne3A_20 : vector<1024x512xi1> to vector<1024x512xi1>
    %ne3A_22 = arith.xori %lt3A_17, %ne3A_21 : vector<1024x512xi1>
    %and3A = arith.andi %ne3A_22, %ne3A_15 : vector<1024x512xi1>
    %add3A = vector.broadcast %select_n3A : i32 to vector<1024x512xi32>
    %add3A_23 = arith.addi %rem3A_13, %add3A : vector<1024x512xi32>
    %select_n3A_24 = arith.select %and3A, %add3A_23, %rem3A_13 : vector<1024x512xi1>, vector<1024x512xi32>
    %add3A_25 = arith.constant 0 : i32
    %add3A_26 = vector.broadcast %add3A_25 : i32 to vector<1024x512xi32>
    %add3A_27 = arith.addi %select_n3A_24, %add3A_26 : vector<1024x512xi32>
    %iota3A_28 = tpu.iota {dimensions = array<i32: 1>} : vector<1024x512xi32>
    %ge3A = arith.cmpi sge, %add3A_27, %iota3A_28 : vector<1024x512xi32>
    %jit3A_29 = arith.constant -1.000000e+30 : f32
    %broadcast_in_dim3A = vector.broadcast %jit3A_29 : f32 to vector<1024x512xf32>
    %select_n3A_30 = arith.select %ge3A, %mul3A_10, %broadcast_in_dim3A : vector<1024x512xi1>, vector<1024x512xf32>
    %iota3A_31 = tpu.iota {dimensions = array<i32: 0>} : vector<1024x1xi32>
    %lt3A_32 = arith.constant 512 : i32
    %lt3A_33 = vector.broadcast %lt3A_32 : i32 to vector<1024x1xi32>
    %lt3A_34 = arith.cmpi slt, %iota3A_31, %lt3A_33 : vector<1024x1xi32>
    %get3A_35 = arith.constant 0 : index
    %get3A_36 = arith.constant 0 : index
    %get3A_37 = arith.constant 0 : index
    %get3A_38 = vector.load %arg4[%get3A_35, %get3A_36, %get3A_37] : memref<2x1x1xf32, #tpu.memory_space<vmem>>, vector<1x1x1xf32>
    %get3A_39 = vector.extract %get3A_38[0, 0, 0] : f32 from vector<1x1x1xf32>
    %get3A_40 = arith.constant 1 : index
    %get3A_41 = arith.constant 0 : index
    %get3A_42 = arith.constant 0 : index
    %get3A_43 = vector.load %arg4[%get3A_40, %get3A_41, %get3A_42] : memref<2x1x1xf32, #tpu.memory_space<vmem>>, vector<1x1x1xf32>
    %get3A_44 = vector.extract %get3A_43[0, 0, 0] : f32 from vector<1x1x1xf32>
    %broadcast_in_dim3A_45 = vector.broadcast %get3A_39 : f32 to vector<1024x1xf32>
    %broadcast_in_dim3A_46 = vector.broadcast %get3A_44 : f32 to vector<1024x1xf32>
    %select_n3A_47 = arith.select %lt3A_34, %broadcast_in_dim3A_45, %broadcast_in_dim3A_46 : vector<1024x1xi1>, vector<1024x1xf32>
    %reduce_max3A = arith.constant dense<0xFF800000> : vector<1024xf32>
    %reduce_max3A_48 = vector.multi_reduction <maximumf>, %select_n3A_30, %reduce_max3A [1] : vector<1024x512xf32> to vector<1024xf32>
    %broadcast_in_dim3A_49 = vector.shape_cast %reduce_max3A_48 : vector<1024xf32> to vector<1024x1xf32>
    %max3A = arith.maximumf %broadcast_in_dim3A_49, %select_n3A_47 : vector<1024x1xf32>
    %sub3A = vector.broadcast %max3A : vector<1024x1xf32> to vector<1024x512xf32>
    %sub3A_50 = arith.subf %select_n3A_30, %sub3A : vector<1024x512xf32>
    %exp3A = math.exp %sub3A_50 : vector<1024x512xf32>
    %reduce_sum3A = arith.constant dense<0.000000e+00> : vector<1024xf32>
    %reduce_sum3A_51 = vector.multi_reduction <add>, %exp3A, %reduce_sum3A [1] : vector<1024x512xf32> to vector<1024xf32>
    %broadcast_in_dim3A_52 = vector.shape_cast %reduce_sum3A_51 : vector<1024xf32> to vector<1024x1xf32>
    %sub3A_53 = arith.subf %select_n3A_47, %max3A : vector<1024x1xf32>
    %exp3A_54 = math.exp %sub3A_53 : vector<1024x1xf32>
    %add3A_55 = arith.addf %broadcast_in_dim3A_52, %exp3A_54 : vector<1024x1xf32>
    %div3A = vector.broadcast %add3A_55 : vector<1024x1xf32> to vector<1024x512xf32>
    %div3A_56 = arith.divf %exp3A, %div3A : vector<1024x512xf32>
    %convert_element_type3A = arith.truncf %div3A_56 : vector<1024x512xf32> to vector<1024x512xbf16>
    %get3A_57 = arith.constant 0 : index
    %get3A_58 = arith.constant 0 : index
    %get3A_59 = arith.constant 0 : index
    %get3A_60 = vector.load %arg3[%get3A_57, %get3A_58, %get3A_59] : memref<1x512x64xbf16, #tpu.memory_space<vmem>>, vector<1x512x64xbf16>
    %get3A_61 = vector.shape_cast %get3A_60 : vector<1x512x64xbf16> to vector<512x64xbf16>
    %dot_general3A_62 = arith.constant dense<0.000000e+00> : vector<1024x64xf32>
    %dot_general3A_63 = tpu.matmul %convert_element_type3A, %get3A_61, %dot_general3A_62 {dimension_numbers = #tpu.dot_dimension_numbers<[1], [0], [0], [1], [0, 0, 1, 1], [], []>, transpose_lhs_hint = false} : vector<1024x512xbf16>, vector<512x64xbf16>, vector<1024x64xf32> -> vector<1024x64xf32>
    %convert_element_type3A_64 = arith.truncf %dot_general3A_63 : vector<1024x64xf32> to vector<1024x64xbf16>
    %reshape3A_65 = vector.shape_cast %convert_element_type3A_64 : vector<1024x64xbf16> to vector<2x512x64xbf16>
    %swap3A = arith.constant 0 : index
    %swap3A_66 = arith.constant 0 : index
    %swap3A_67 = arith.constant 0 : index
    %swap3A_68 = vector.load %arg5[%swap3A, %swap3A_66, %swap3A_67] : memref<2x512x64xbf16, #tpu.memory_space<vmem>>, vector<2x512x64xbf16>
    tpu.vector_store %arg5[%swap3A, %swap3A_66, %swap3A_67], %reshape3A_65 {strides = array<i32>} : memref<2x512x64xbf16, #tpu.memory_space<vmem>>, vector<2x512x64xbf16>,
    return
  }
  func.func @transform_0(%arg0: i32) -> (i32, i32, i32) {
    %c0_i32 = arith.constant 0 : i32
    %c0_i32_0 = arith.constant 0 : i32
    %c0_i32_1 = arith.constant 0 : i32
    return %arg0, %c0_i32, %c0_i32_0 : i32, i32, i32
  }
  func.func @transform_1(%arg0: i32) -> (i32, i32, i32) {
    %c0_i32 = arith.constant 0 : i32
    %c0_i32_0 = arith.constant 0 : i32
    %c0_i32_1 = arith.constant 0 : i32
    return %arg0, %c0_i32, %c0_i32_0 : i32, i32, i32
  }
  func.func @transform_2(%arg0: i32) -> (i32, i32, i32) {
    %c0_i32 = arith.constant 0 : i32
    %c0_i32_0 = arith.constant 0 : i32
    %c0_i32_1 = arith.constant 0 : i32
    return %arg0, %c0_i32, %c0_i32_0 : i32, i32, i32
  }
  func.func @transform_3(%arg0: i32) -> (i32, i32, i32) {
    %c0_i32 = arith.constant 0 : i32
    %c0_i32_0 = arith.constant 0 : i32
    %c0_i32_1 = arith.constant 0 : i32
    return %arg0, %c0_i32, %c0_i32_0 : i32, i32, i32
  }
  func.func @transform_4(%arg0: i32) -> (i32, i32, i32) {
    %c0_i32 = arith.constant 0 : i32
    %c0_i32_0 = arith.constant 0 : i32
    %c0_i32_1 = arith.constant 0 : i32
    return %arg0, %c0_i32, %c0_i32_0 : i32, i32, i32
  }
}

module attributes {stable_mosaic.version = 14 : i64} {
  func.func @_k3_body(%arg0: i32, %arg1: memref<512x1024xbf16, #tpu.memory_space<vmem>>, %arg2: memref<1024x1024xf32, #tpu.memory_space<vmem>>, %arg3: memref<1x1024xf32, #tpu.memory_space<vmem>>, %arg4: memref<512x1024xf32, #tpu.memory_space<vmem>>, %arg5: memref<1x1024xf32, #tpu.memory_space<vmem>>, %arg6: memref<1024x8xf32, #tpu.memory_space<vmem>>, %arg7: memref<1x8xf32, #tpu.memory_space<vmem>>, %arg8: memref<512x1024xf32, #tpu.memory_space<vmem>>, %arg9: memref<512x1024xf32, #tpu.memory_space<vmem>>, %arg10: memref<512x8xf32, #tpu.memory_space<vmem>>) attributes {dimension_semantics = [#tpu.dimension_semantics<arbitrary>], iteration_bounds = array<i64: 4>, scalar_prefetch = 0 : i64, scratch_operands = 0 : i64, tpu.core_type = #tpu.core_type<tc>, window_params = [{transform_indices = @transform_0, window_bounds = array<i64: 512, 1024>}, {pipeline_mode = #tpu.pipeline_mode<synchronous>, transform_indices = @transform_1, window_bounds = array<i64: 1024, 1024>}, {pipeline_mode = #tpu.pipeline_mode<synchronous>, transform_indices = @transform_2, window_bounds = array<i64: 1, 1024>}, {transform_indices = @transform_3, window_bounds = array<i64: 512, 1024>}, {pipeline_mode = #tpu.pipeline_mode<synchronous>, transform_indices = @transform_4, window_bounds = array<i64: 1, 1024>}, {pipeline_mode = #tpu.pipeline_mode<synchronous>, transform_indices = @transform_5, window_bounds = array<i64: 1024, 8>}, {pipeline_mode = #tpu.pipeline_mode<synchronous>, transform_indices = @transform_6, window_bounds = array<i64: 1, 8>}, {transform_indices = @transform_7, window_bounds = array<i64: 512, 1024>}, {transform_indices = @transform_8, window_bounds = array<i64: 512, 1024>}, {transform_indices = @transform_9, window_bounds = array<i64: 512, 8>}]} {
    %get3A = arith.constant 0 : index
    %get3A_0 = arith.constant 0 : index
    %get3A_1 = vector.load %arg1[%get3A, %get3A_0] : memref<512x1024xbf16, #tpu.memory_space<vmem>>, vector<512x1024xbf16>
    %get3A_2 = arith.constant 0 : index
    %get3A_3 = arith.constant 0 : index
    %get3A_4 = vector.load %arg4[%get3A_2, %get3A_3] : memref<512x1024xf32, #tpu.memory_space<vmem>>, vector<512x1024xf32>
    %get3A_5 = arith.constant 0 : index
    %get3A_6 = arith.constant 0 : index
    %get3A_7 = vector.load %arg2[%get3A_5, %get3A_6] : memref<1024x1024xf32, #tpu.memory_space<vmem>>, vector<1024x1024xf32>
    %dot_general3A = arith.constant dense<0.000000e+00> : vector<512x1024xf32>
    %dot_general3A_8 = tpu.matmul %get3A_1, %get3A_7, %dot_general3A {dimension_numbers = #tpu.dot_dimension_numbers<[1], [0], [0], [1], [0, 0, 1, 1], [], []>, transpose_lhs_hint = false} : vector<512x1024xbf16>, vector<1024x1024xf32>, vector<512x1024xf32> -> vector<512x1024xf32>
    %add3A = arith.addf %get3A_4, %dot_general3A_8 : vector<512x1024xf32>
    %get3A_9 = arith.constant 0 : index
    %get3A_10 = arith.constant 0 : index
    %get3A_11 = vector.load %arg3[%get3A_9, %get3A_10] : memref<1x1024xf32, #tpu.memory_space<vmem>>, vector<1x1024xf32>
    %add3A_12 = vector.broadcast %get3A_11 : vector<1x1024xf32> to vector<512x1024xf32>
    %add3A_13 = arith.addf %add3A, %add3A_12 : vector<512x1024xf32>
    %swap3A = arith.constant 0 : index
    %swap3A_14 = arith.constant 0 : index
    %swap3A_15 = vector.load %arg8[%swap3A, %swap3A_14] : memref<512x1024xf32, #tpu.memory_space<vmem>>, vector<512x1024xf32>
    tpu.vector_store %arg8[%swap3A, %swap3A_14], %add3A_13 {strides = array<i32>} : memref<512x1024xf32, #tpu.memory_space<vmem>>, vector<512x1024xf32>,
    %mul3A = arith.mulf %add3A_13, %add3A_13 : vector<512x1024xf32>
    %reduce_sum3A = arith.constant dense<0.000000e+00> : vector<512xf32>
    %reduce_sum3A_16 = vector.multi_reduction <add>, %mul3A, %reduce_sum3A [1] : vector<512x1024xf32> to vector<512xf32>
    %broadcast_in_dim3A = vector.shape_cast %reduce_sum3A_16 : vector<512xf32> to vector<512x1xf32>
    %div3A = arith.constant 1.024000e+03 : f32
    %div3A_17 = vector.broadcast %div3A : f32 to vector<512x1xf32>
    %div3A_18 = arith.divf %broadcast_in_dim3A, %div3A_17 : vector<512x1xf32>
    %add3A_19 = arith.constant 9.99999997E-7 : f32
    %add3A_20 = vector.broadcast %add3A_19 : f32 to vector<512x1xf32>
    %add3A_21 = arith.addf %div3A_18, %add3A_20 : vector<512x1xf32>
    %rsqrt3A = math.rsqrt %add3A_21 : vector<512x1xf32>
    %mul3A_22 = vector.broadcast %rsqrt3A : vector<512x1xf32> to vector<512x1024xf32>
    %mul3A_23 = arith.mulf %add3A_13, %mul3A_22 : vector<512x1024xf32>
    %get3A_24 = arith.constant 0 : index
    %get3A_25 = arith.constant 0 : index
    %get3A_26 = vector.load %arg5[%get3A_24, %get3A_25] : memref<1x1024xf32, #tpu.memory_space<vmem>>, vector<1x1024xf32>
    %mul3A_27 = vector.broadcast %get3A_26 : vector<1x1024xf32> to vector<512x1024xf32>
    %mul3A_28 = arith.mulf %mul3A_23, %mul3A_27 : vector<512x1024xf32>
    %swap3A_29 = arith.constant 0 : index
    %swap3A_30 = arith.constant 0 : index
    %swap3A_31 = vector.load %arg9[%swap3A_29, %swap3A_30] : memref<512x1024xf32, #tpu.memory_space<vmem>>, vector<512x1024xf32>
    tpu.vector_store %arg9[%swap3A_29, %swap3A_30], %mul3A_28 {strides = array<i32>} : memref<512x1024xf32, #tpu.memory_space<vmem>>, vector<512x1024xf32>,
    %get3A_32 = arith.constant 0 : index
    %get3A_33 = arith.constant 0 : index
    %get3A_34 = vector.load %arg6[%get3A_32, %get3A_33] : memref<1024x8xf32, #tpu.memory_space<vmem>>, vector<1024x8xf32>
    %dot_general3A_35 = arith.constant dense<0.000000e+00> : vector<512x8xf32>
    %dot_general3A_36 = tpu.matmul %mul3A_28, %get3A_34, %dot_general3A_35 {dimension_numbers = #tpu.dot_dimension_numbers<[1], [0], [0], [1], [0, 0, 1, 1], [], []>, transpose_lhs_hint = false} : vector<512x1024xf32>, vector<1024x8xf32>, vector<512x8xf32> -> vector<512x8xf32>
    %get3A_37 = arith.constant 0 : index
    %get3A_38 = arith.constant 0 : index
    %get3A_39 = vector.load %arg7[%get3A_37, %get3A_38] : memref<1x8xf32, #tpu.memory_space<vmem>>, vector<1x8xf32>
    %add3A_40 = vector.broadcast %get3A_39 : vector<1x8xf32> to vector<512x8xf32>
    %add3A_41 = arith.addf %dot_general3A_36, %add3A_40 : vector<512x8xf32>
    %iota3A = tpu.iota {dimensions = array<i32: 1>} : vector<512x8xi32>
    %reduce_max3A = arith.constant dense<0xFF800000> : vector<512xf32>
    %reduce_max3A_42 = vector.multi_reduction <maximumf>, %add3A_41, %reduce_max3A [1] : vector<512x8xf32> to vector<512xf32>
    %broadcast_in_dim3A_43 = vector.shape_cast %reduce_max3A_42 : vector<512xf32> to vector<512x1xf32>
    %eq3A = vector.broadcast %broadcast_in_dim3A_43 : vector<512x1xf32> to vector<512x8xf32>
    %eq3A_44 = arith.cmpf oeq, %add3A_41, %eq3A : vector<512x8xf32>
    %jit3A = arith.constant 8 : i32
    %broadcast_in_dim3A_45 = vector.broadcast %jit3A : i32 to vector<512x8xi32>
    %select_n3A = arith.select %eq3A_44, %iota3A, %broadcast_in_dim3A_45 : vector<512x8xi1>, vector<512x8xi32>
    %reduce_min3A = arith.constant dense<2147483647> : vector<512xi32>
    %reduce_min3A_46 = vector.multi_reduction <minsi>, %select_n3A, %reduce_min3A [1] : vector<512x8xi32> to vector<512xi32>
    %broadcast_in_dim3A_47 = vector.shape_cast %reduce_min3A_46 : vector<512xi32> to vector<512x1xi32>
    %eq3A_48 = vector.broadcast %broadcast_in_dim3A_47 : vector<512x1xi32> to vector<512x8xi32>
    %eq3A_49 = arith.cmpi eq, %iota3A, %eq3A_48 : vector<512x8xi32>
    %jit3A_50 = arith.constant -1.000000e+30 : f32
    %broadcast_in_dim3A_51 = vector.broadcast %jit3A_50 : f32 to vector<512x8xf32>
    %select_n3A_52 = arith.select %eq3A_49, %broadcast_in_dim3A_51, %add3A_41 : vector<512x8xi1>, vector<512x8xf32>
    %reduce_max3A_53 = arith.constant dense<0xFF800000> : vector<512xf32>
    %reduce_max3A_54 = vector.multi_reduction <maximumf>, %select_n3A_52, %reduce_max3A_53 [1] : vector<512x8xf32> to vector<512xf32>
    %broadcast_in_dim3A_55 = vector.shape_cast %reduce_max3A_54 : vector<512xf32> to vector<512x1xf32>
    %eq3A_56 = vector.broadcast %broadcast_in_dim3A_55 : vector<512x1xf32> to vector<512x8xf32>
    %eq3A_57 = arith.cmpf oeq, %select_n3A_52, %eq3A_56 : vector<512x8xf32>
    %jit3A_58 = arith.constant 8 : i32
    %broadcast_in_dim3A_59 = vector.broadcast %jit3A_58 : i32 to vector<512x8xi32>
    %select_n3A_60 = arith.select %eq3A_57, %iota3A, %broadcast_in_dim3A_59 : vector<512x8xi1>, vector<512x8xi32>
    %reduce_min3A_61 = arith.constant dense<2147483647> : vector<512xi32>
    %reduce_min3A_62 = vector.multi_reduction <minsi>, %select_n3A_60, %reduce_min3A_61 [1] : vector<512x8xi32> to vector<512xi32>
    %broadcast_in_dim3A_63 = vector.shape_cast %reduce_min3A_62 : vector<512xi32> to vector<512x1xi32>
    %sub3A = arith.subf %broadcast_in_dim3A_55, %broadcast_in_dim3A_43 : vector<512x1xf32>
    %exp3A = math.exp %sub3A : vector<512x1xf32>
    %add3A_64 = arith.constant 1.000000e+00 : f32
    %add3A_65 = vector.broadcast %add3A_64 : f32 to vector<512x1xf32>
    %add3A_66 = arith.addf %add3A_65, %exp3A : vector<512x1xf32>
    %div3A_67 = arith.constant 1.000000e+00 : f32
    %div3A_68 = vector.broadcast %div3A_67 : f32 to vector<512x1xf32>
    %div3A_69 = arith.divf %div3A_68, %add3A_66 : vector<512x1xf32>
    %mul3A_70 = arith.mulf %exp3A, %div3A_69 : vector<512x1xf32>
    %broadcast_in_dim3A_71 = arith.constant 0.000000e+00 : f32
    %broadcast_in_dim3A_72 = vector.broadcast %broadcast_in_dim3A_71 : f32 to vector<512x4xf32>
    %convert_element_type3A = arith.sitofp %broadcast_in_dim3A_47 : vector<512x1xi32> to vector<512x1xf32>
    %convert_element_type3A_73 = arith.sitofp %broadcast_in_dim3A_63 : vector<512x1xi32> to vector<512x1xf32>
    %concatenate3A = tpu.concatenate %convert_element_type3A, %convert_element_type3A_73, %div3A_69, %mul3A_70, %broadcast_in_dim3A_72 in 1 : vector<512x1xf32>, vector<512x1xf32>, vector<512x1xf32>, vector<512x1xf32>, vector<512x4xf32> -> vector<512x8xf32>
    %swap3A_74 = arith.constant 0 : index
    %swap3A_75 = arith.constant 0 : index
    %swap3A_76 = vector.load %arg10[%swap3A_74, %swap3A_75] : memref<512x8xf32, #tpu.memory_space<vmem>>, vector<512x8xf32>
    tpu.vector_store %arg10[%swap3A_74, %swap3A_75], %concatenate3A {strides = array<i32>} : memref<512x8xf32, #tpu.memory_space<vmem>>, vector<512x8xf32>,
    return
  }
  func.func @transform_0(%arg0: i32) -> (i32, i32) {
    %c0_i32 = arith.constant 0 : i32
    %c0_i32_0 = arith.constant 0 : i32
    return %arg0, %c0_i32 : i32, i32
  }
  func.func @transform_1(%arg0: i32) -> (i32, i32) {
    %c0_i32 = arith.constant 0 : i32
    %c0_i32_0 = arith.constant 0 : i32
    %c0_i32_1 = arith.constant 0 : i32
    return %c0_i32, %c0_i32_0 : i32, i32
  }
  func.func @transform_2(%arg0: i32) -> (i32, i32) {
    %c0_i32 = arith.constant 0 : i32
    %c0_i32_0 = arith.constant 0 : i32
    %c0_i32_1 = arith.constant 0 : i32
    return %c0_i32, %c0_i32_0 : i32, i32
  }
  func.func @transform_3(%arg0: i32) -> (i32, i32) {
    %c0_i32 = arith.constant 0 : i32
    %c0_i32_0 = arith.constant 0 : i32
    return %arg0, %c0_i32 : i32, i32
  }
  func.func @transform_4(%arg0: i32) -> (i32, i32) {
    %c0_i32 = arith.constant 0 : i32
    %c0_i32_0 = arith.constant 0 : i32
    %c0_i32_1 = arith.constant 0 : i32
    return %c0_i32, %c0_i32_0 : i32, i32
  }
  func.func @transform_5(%arg0: i32) -> (i32, i32) {
    %c0_i32 = arith.constant 0 : i32
    %c0_i32_0 = arith.constant 0 : i32
    %c0_i32_1 = arith.constant 0 : i32
    return %c0_i32, %c0_i32_0 : i32, i32
  }
  func.func @transform_6(%arg0: i32) -> (i32, i32) {
    %c0_i32 = arith.constant 0 : i32
    %c0_i32_0 = arith.constant 0 : i32
    %c0_i32_1 = arith.constant 0 : i32
    return %c0_i32, %c0_i32_0 : i32, i32
  }
  func.func @transform_7(%arg0: i32) -> (i32, i32) {
    %c0_i32 = arith.constant 0 : i32
    %c0_i32_0 = arith.constant 0 : i32
    return %arg0, %c0_i32 : i32, i32
  }
  func.func @transform_8(%arg0: i32) -> (i32, i32) {
    %c0_i32 = arith.constant 0 : i32
    %c0_i32_0 = arith.constant 0 : i32
    return %arg0, %c0_i32 : i32, i32
  }
  func.func @transform_9(%arg0: i32) -> (i32, i32) {
    %c0_i32 = arith.constant 0 : i32
    %c0_i32_0 = arith.constant 0 : i32
    return %arg0, %c0_i32 : i32, i32
  }
}

module attributes {stable_mosaic.version = 14 : i64} {
  func.func @_kr_body(%arg0: i32, %arg1: memref<2048x8xf32, #tpu.memory_space<vmem>>, %arg2: memref<2048x2048xbf16, #tpu.memory_space<vmem>>, %arg3: memref<8x8xf32, #tpu.memory_space<vmem>>, %arg4: memref<2048x2xi32, #tpu.memory_space<vmem>>, %arg5: memref<2048x2xf32, #tpu.memory_space<vmem>>, %arg6: memref<2048x128xf32, #tpu.memory_space<vmem>>, %arg7: memref<2048x128xf32, #tpu.memory_space<vmem>>, %arg8: memref<1x8xi32, #tpu.memory_space<vmem>>, %arg9: memref<1x8xi32, #tpu.memory_space<vmem>>) attributes {dimension_semantics = [#tpu.dimension_semantics<arbitrary>], iteration_bounds = array<i64: 1>, scalar_prefetch = 0 : i64, scratch_operands = 0 : i64, tpu.core_type = #tpu.core_type<tc>, window_params = [{pipeline_mode = #tpu.pipeline_mode<synchronous>, transform_indices = @transform_0, window_bounds = array<i64: 2048, 8>}, {pipeline_mode = #tpu.pipeline_mode<synchronous>, transform_indices = @transform_1, window_bounds = array<i64: 2048, 2048>}, {pipeline_mode = #tpu.pipeline_mode<synchronous>, transform_indices = @transform_2, window_bounds = array<i64: 8, 8>}, {pipeline_mode = #tpu.pipeline_mode<synchronous>, transform_indices = @transform_3, window_bounds = array<i64: 2048, 2>}, {pipeline_mode = #tpu.pipeline_mode<synchronous>, transform_indices = @transform_4, window_bounds = array<i64: 2048, 2>}, {pipeline_mode = #tpu.pipeline_mode<synchronous>, transform_indices = @transform_5, window_bounds = array<i64: 2048, 128>}, {pipeline_mode = #tpu.pipeline_mode<synchronous>, transform_indices = @transform_6, window_bounds = array<i64: 2048, 128>}, {pipeline_mode = #tpu.pipeline_mode<synchronous>, transform_indices = @transform_7, window_bounds = array<i64: 1, 8>}, {pipeline_mode = #tpu.pipeline_mode<synchronous>, transform_indices = @transform_8, window_bounds = array<i64: 1, 8>}]} {
    %get3A = arith.constant 0 : index
    %get3A_0 = arith.constant 0 : index
    %get3A_1 = vector.load %arg1[%get3A, %get3A_0] : memref<2048x8xf32, #tpu.memory_space<vmem>>, vector<2048x8xf32>
    %iota3A = tpu.iota {dimensions = array<i32: 1>} : vector<2048x8xi32>
    %convert_element_type3A = arith.sitofp %iota3A : vector<2048x8xi32> to vector<2048x8xf32>
    %slice3A = vector.extract_strided_slice %get3A_1 {offsets = [0, 0], sizes = [2048, 1], strides = [1, 1]} : vector<2048x8xf32> to vector<2048x1xf32>
    %slice3A_2 = vector.extract_strided_slice %get3A_1 {offsets = [0, 1], sizes = [2048, 1], strides = [1, 1]} : vector<2048x8xf32> to vector<2048x1xf32>
    %eq3A = vector.broadcast %slice3A : vector<2048x1xf32> to vector<2048x8xf32>
    %eq3A_3 = arith.cmpf oeq, %convert_element_type3A, %eq3A : vector<2048x8xf32>
    %convert_element_type3A_4 = arith.extui %eq3A_3 : vector<2048x8xi1> to vector<2048x8xi32>
    %convert_element_type3A_5 = arith.sitofp %convert_element_type3A_4 : vector<2048x8xi32> to vector<2048x8xf32>
    %convert_element_type3A_6 = arith.truncf %convert_element_type3A_5 : vector<2048x8xf32> to vector<2048x8xbf16>
    %eq3A_7 = vector.broadcast %slice3A_2 : vector<2048x1xf32> to vector<2048x8xf32>
    %eq3A_8 = arith.cmpf oeq, %convert_element_type3A, %eq3A_7 : vector<2048x8xf32>
    %convert_element_type3A_9 = arith.extui %eq3A_8 : vector<2048x8xi1> to vector<2048x8xi32>
    %convert_element_type3A_10 = arith.sitofp %convert_element_type3A_9 : vector<2048x8xi32> to vector<2048x8xf32>
    %convert_element_type3A_11 = arith.truncf %convert_element_type3A_10 : vector<2048x8xf32> to vector<2048x8xbf16>
    %get3A_12 = arith.constant 0 : index
    %get3A_13 = arith.constant 0 : index
    %get3A_14 = vector.load %arg2[%get3A_12, %get3A_13] : memref<2048x2048xbf16, #tpu.memory_space<vmem>>, vector<2048x2048xbf16>
    %dot_general3A = arith.constant dense<0.000000e+00> : vector<2048x8xf32>
    %dot_general3A_15 = tpu.matmul %get3A_14, %convert_element_type3A_6, %dot_general3A {dimension_numbers = #tpu.dot_dimension_numbers<[1], [0], [0], [1], [0, 0, 1, 1], [], []>, transpose_lhs_hint = false} : vector<2048x2048xbf16>, vector<2048x8xbf16>, vector<2048x8xf32> -> vector<2048x8xf32>
    %get3A_16 = arith.constant 0 : index
    %get3A_17 = arith.constant 0 : index
    %get3A_18 = vector.load %arg2[%get3A_16, %get3A_17] : memref<2048x2048xbf16, #tpu.memory_space<vmem>>, vector<2048x2048xbf16>
    %dot_general3A_19 = arith.constant dense<0.000000e+00> : vector<2048x8xf32>
    %dot_general3A_20 = tpu.matmul %get3A_18, %convert_element_type3A_11, %dot_general3A_19 {dimension_numbers = #tpu.dot_dimension_numbers<[1], [0], [0], [1], [0, 0, 1, 1], [], []>, transpose_lhs_hint = false} : vector<2048x2048xbf16>, vector<2048x8xbf16>, vector<2048x8xf32> -> vector<2048x8xf32>
    %convert_element_type3A_21 = arith.extf %convert_element_type3A_6 : vector<2048x8xbf16> to vector<2048x8xf32>
    %reduce_sum3A = arith.constant dense<0.000000e+00> : vector<8xf32>
    %reduce_sum3A_22 = vector.multi_reduction <add>, %convert_element_type3A_21, %reduce_sum3A [0] : vector<2048x8xf32> to vector<8xf32>
    %broadcast_in_dim3A = vector.shape_cast %reduce_sum3A_22 : vector<8xf32> to vector<1x8xf32>
    %convert_element_type3A_23 = arith.extf %convert_element_type3A_11 : vector<2048x8xbf16> to vector<2048x8xf32>
    %reduce_sum3A_24 = arith.constant dense<0.000000e+00> : vector<8xf32>
    %reduce_sum3A_25 = vector.multi_reduction <add>, %convert_element_type3A_23, %reduce_sum3A_24 [0] : vector<2048x8xf32> to vector<8xf32>
    %broadcast_in_dim3A_26 = vector.shape_cast %reduce_sum3A_25 : vector<8xf32> to vector<1x8xf32>
    %add3A = arith.addf %broadcast_in_dim3A, %broadcast_in_dim3A_26 : vector<1x8xf32>
    %add3A_27 = arith.constant 2.550000e+02 : f32
    %add3A_28 = vector.broadcast %add3A_27 : f32 to vector<1x8xf32>
    %add3A_29 = arith.addf %add3A, %add3A_28 : vector<1x8xf32>
    %div3A = arith.constant 2.560000e+02 : f32
    %div3A_30 = vector.broadcast %div3A : f32 to vector<1x8xf32>
    %div3A_31 = arith.divf %add3A_29, %div3A_30 : vector<1x8xf32>
    %floor3A = math.floor %div3A_31 : vector<1x8xf32>
    %mul3A = arith.constant 2.560000e+02 : f32
    %mul3A_32 = vector.broadcast %mul3A : f32 to vector<1x8xf32>
    %mul3A_33 = arith.mulf %floor3A, %mul3A_32 : vector<1x8xf32>
    %get3A_34 = arith.constant 0 : index
    %get3A_35 = arith.constant 0 : index
    %get3A_36 = vector.load %arg3[%get3A_34, %get3A_35] : memref<8x8xf32, #tpu.memory_space<vmem>>, vector<8x8xf32>
    %dot_general3A_37 = arith.constant dense<0.000000e+00> : vector<1x8xf32>
    %dot_general3A_38 = tpu.matmul %mul3A_33, %get3A_36, %dot_general3A_37 {dimension_numbers = #tpu.dot_dimension_numbers<[1], [0], [0], [1], [0, 0, 1, 1], [], []>, precision = #tpu.contract_precision<fp32>, transpose_lhs_hint = false} : vector<1x8xf32>, vector<8x8xf32>, vector<1x8xf32> -> vector<1x8xf32>
    %eq3A_39 = vector.broadcast %slice3A : vector<2048x1xf32> to vector<2048x8xf32>
    %eq3A_40 = arith.cmpf oeq, %convert_element_type3A, %eq3A_39 : vector<2048x8xf32>
    %add3A_41 = vector.broadcast %dot_general3A_38 : vector<1x8xf32> to vector<2048x8xf32>
    %add3A_42 = arith.addf %dot_general3A_15, %add3A_41 : vector<2048x8xf32>
    %jit3A = arith.constant 0.000000e+00 : f32
    %broadcast_in_dim3A_43 = vector.broadcast %jit3A : f32 to vector<2048x8xf32>
    %select_n3A = arith.select %eq3A_40, %add3A_42, %broadcast_in_dim3A_43 : vector<2048x8xi1>, vector<2048x8xf32>
    %reduce_sum3A_44 = arith.constant dense<0.000000e+00> : vector<2048xf32>
    %reduce_sum3A_45 = vector.multi_reduction <add>, %select_n3A, %reduce_sum3A_44 [1] : vector<2048x8xf32> to vector<2048xf32>
    %broadcast_in_dim3A_46 = vector.shape_cast %reduce_sum3A_45 : vector<2048xf32> to vector<2048x1xf32>
    %eq3A_47 = vector.broadcast %slice3A_2 : vector<2048x1xf32> to vector<2048x8xf32>
    %eq3A_48 = arith.cmpf oeq, %convert_element_type3A, %eq3A_47 : vector<2048x8xf32>
    %add3A_49 = vector.broadcast %broadcast_in_dim3A : vector<1x8xf32> to vector<2048x8xf32>
    %add3A_50 = arith.addf %add3A_49, %dot_general3A_20 : vector<2048x8xf32>
    %add3A_51 = vector.broadcast %dot_general3A_38 : vector<1x8xf32> to vector<2048x8xf32>
    %add3A_52 = arith.addf %add3A_50, %add3A_51 : vector<2048x8xf32>
    %jit3A_53 = arith.constant 0.000000e+00 : f32
    %broadcast_in_dim3A_54 = vector.broadcast %jit3A_53 : f32 to vector<2048x8xf32>
    %select_n3A_55 = arith.select %eq3A_48, %add3A_52, %broadcast_in_dim3A_54 : vector<2048x8xi1>, vector<2048x8xf32>
    %reduce_sum3A_56 = arith.constant dense<0.000000e+00> : vector<2048xf32>
    %reduce_sum3A_57 = vector.multi_reduction <add>, %select_n3A_55, %reduce_sum3A_56 [1] : vector<2048x8xf32> to vector<2048xf32>
    %broadcast_in_dim3A_58 = vector.shape_cast %reduce_sum3A_57 : vector<2048xf32> to vector<2048x1xf32>
    %concatenate3A = tpu.concatenate %broadcast_in_dim3A_46, %broadcast_in_dim3A_58 in 1 : vector<2048x1xf32>, vector<2048x1xf32> -> vector<2048x2xf32>
    %convert_element_type3A_59 = arith.fptosi %concatenate3A : vector<2048x2xf32> to vector<2048x2xi32>
    %swap3A = arith.constant 0 : index
    %swap3A_60 = arith.constant 0 : index
    %swap3A_61 = vector.load %arg4[%swap3A, %swap3A_60] : memref<2048x2xi32, #tpu.memory_space<vmem>>, vector<2048x2xi32>
    tpu.vector_store %arg4[%swap3A, %swap3A_60], %convert_element_type3A_59 {strides = array<i32>} : memref<2048x2xi32, #tpu.memory_space<vmem>>, vector<2048x2xi32>,
    %slice3A_62 = vector.extract_strided_slice %get3A_1 {offsets = [0, 2], sizes = [2048, 2], strides = [1, 1]} : vector<2048x8xf32> to vector<2048x2xf32>
    %swap3A_63 = arith.constant 0 : index
    %swap3A_64 = arith.constant 0 : index
    %swap3A_65 = vector.load %arg5[%swap3A_63, %swap3A_64] : memref<2048x2xf32, #tpu.memory_space<vmem>>, vector<2048x2xf32>
    tpu.vector_store %arg5[%swap3A_63, %swap3A_64], %slice3A_62 {strides = array<i32>} : memref<2048x2xf32, #tpu.memory_space<vmem>>, vector<2048x2xf32>,
    %slice3A_66 = vector.extract_strided_slice %get3A_1 {offsets = [0, 2], sizes = [2048, 1], strides = [1, 1]} : vector<2048x8xf32> to vector<2048x1xf32>
    %broadcast_in_dim3A_67 = vector.shape_cast %slice3A_66 : vector<2048x1xf32> to vector<2048x1xf32>
    %broadcast_in_dim3A_68 = vector.broadcast %broadcast_in_dim3A_67 : vector<2048x1xf32> to vector<2048x128xf32>
    %swap3A_69 = arith.constant 0 : index
    %swap3A_70 = arith.constant 0 : index
    %swap3A_71 = vector.load %arg6[%swap3A_69, %swap3A_70] : memref<2048x128xf32, #tpu.memory_space<vmem>>, vector<2048x128xf32>
    tpu.vector_store %arg6[%swap3A_69, %swap3A_70], %broadcast_in_dim3A_68 {strides = array<i32>} : memref<2048x128xf32, #tpu.memory_space<vmem>>, vector<2048x128xf32>,
    %slice3A_72 = vector.extract_strided_slice %get3A_1 {offsets = [0, 3], sizes = [2048, 1], strides = [1, 1]} : vector<2048x8xf32> to vector<2048x1xf32>
    %broadcast_in_dim3A_73 = vector.shape_cast %slice3A_72 : vector<2048x1xf32> to vector<2048x1xf32>
    %broadcast_in_dim3A_74 = vector.broadcast %broadcast_in_dim3A_73 : vector<2048x1xf32> to vector<2048x128xf32>
    %swap3A_75 = arith.constant 0 : index
    %swap3A_76 = arith.constant 0 : index
    %swap3A_77 = vector.load %arg7[%swap3A_75, %swap3A_76] : memref<2048x128xf32, #tpu.memory_space<vmem>>, vector<2048x128xf32>
    tpu.vector_store %arg7[%swap3A_75, %swap3A_76], %broadcast_in_dim3A_74 {strides = array<i32>} : memref<2048x128xf32, #tpu.memory_space<vmem>>, vector<2048x128xf32>,
    %convert_element_type3A_78 = arith.fptosi %dot_general3A_38 : vector<1x8xf32> to vector<1x8xi32>
    %swap3A_79 = arith.constant 0 : index
    %swap3A_80 = arith.constant 0 : index
    %swap3A_81 = vector.load %arg8[%swap3A_79, %swap3A_80] : memref<1x8xi32, #tpu.memory_space<vmem>>, vector<1x8xi32>
    tpu.vector_store %arg8[%swap3A_79, %swap3A_80], %convert_element_type3A_78 {strides = array<i32>} : memref<1x8xi32, #tpu.memory_space<vmem>>, vector<1x8xi32>,
    %convert_element_type3A_82 = arith.fptosi %mul3A_33 : vector<1x8xf32> to vector<1x8xi32>
    %swap3A_83 = arith.constant 0 : index
    %swap3A_84 = arith.constant 0 : index
    %swap3A_85 = vector.load %arg9[%swap3A_83, %swap3A_84] : memref<1x8xi32, #tpu.memory_space<vmem>>, vector<1x8xi32>
    tpu.vector_store %arg9[%swap3A_83, %swap3A_84], %convert_element_type3A_82 {strides = array<i32>} : memref<1x8xi32, #tpu.memory_space<vmem>>, vector<1x8xi32>,
    return
  }
  func.func @transform_0(%arg0: i32) -> (i32, i32) {
    %c0_i32 = arith.constant 0 : i32
    %c0_i32_0 = arith.constant 0 : i32
    %c0_i32_1 = arith.constant 0 : i32
    return %c0_i32, %c0_i32_0 : i32, i32
  }
  func.func @transform_1(%arg0: i32) -> (i32, i32) {
    %c0_i32 = arith.constant 0 : i32
    %c0_i32_0 = arith.constant 0 : i32
    %c0_i32_1 = arith.constant 0 : i32
    return %c0_i32, %c0_i32_0 : i32, i32
  }
  func.func @transform_2(%arg0: i32) -> (i32, i32) {
    %c0_i32 = arith.constant 0 : i32
    %c0_i32_0 = arith.constant 0 : i32
    %c0_i32_1 = arith.constant 0 : i32
    return %c0_i32, %c0_i32_0 : i32, i32
  }
  func.func @transform_3(%arg0: i32) -> (i32, i32) {
    %c0_i32 = arith.constant 0 : i32
    %c0_i32_0 = arith.constant 0 : i32
    %c0_i32_1 = arith.constant 0 : i32
    return %c0_i32, %c0_i32_0 : i32, i32
  }
  func.func @transform_4(%arg0: i32) -> (i32, i32) {
    %c0_i32 = arith.constant 0 : i32
    %c0_i32_0 = arith.constant 0 : i32
    %c0_i32_1 = arith.constant 0 : i32
    return %c0_i32, %c0_i32_0 : i32, i32
  }
  func.func @transform_5(%arg0: i32) -> (i32, i32) {
    %c0_i32 = arith.constant 0 : i32
    %c0_i32_0 = arith.constant 0 : i32
    %c0_i32_1 = arith.constant 0 : i32
    return %c0_i32, %c0_i32_0 : i32, i32
  }
  func.func @transform_6(%arg0: i32) -> (i32, i32) {
    %c0_i32 = arith.constant 0 : i32
    %c0_i32_0 = arith.constant 0 : i32
    %c0_i32_1 = arith.constant 0 : i32
    return %c0_i32, %c0_i32_0 : i32, i32
  }
  func.func @transform_7(%arg0: i32) -> (i32, i32) {
    %c0_i32 = arith.constant 0 : i32
    %c0_i32_0 = arith.constant 0 : i32
    %c0_i32_1 = arith.constant 0 : i32
    return %c0_i32, %c0_i32_0 : i32, i32
  }
  func.func @transform_8(%arg0: i32) -> (i32, i32) {
    %c0_i32 = arith.constant 0 : i32
    %c0_i32_0 = arith.constant 0 : i32
    %c0_i32_1 = arith.constant 0 : i32
    return %c0_i32, %c0_i32_0 : i32, i32
  }
}

module attributes {stable_mosaic.version = 14 : i64} {
  func.func @_kf_body(%arg0: i32, %arg1: memref<8xi32, #tpu.memory_space<smem>>, %arg2: memref<8xi32, #tpu.memory_space<smem>>, %arg3: memref<256x1024xf32, #tpu.memory_space<vmem>>, %arg4: memref<256x128xf32, #tpu.memory_space<vmem>>, %arg5: memref<1x1024x1024xf32, #tpu.memory_space<vmem>>, %arg6: memref<1x1x1024xf32, #tpu.memory_space<vmem>>, %arg7: memref<1x1024x1024xf32, #tpu.memory_space<vmem>>, %arg8: memref<1x1x1024xf32, #tpu.memory_space<vmem>>, %arg9: memref<1x1024x1024xf32, #tpu.memory_space<vmem>>, %arg10: memref<1x1x1024xf32, #tpu.memory_space<vmem>>, %arg11: memref<256x1024xf32, #tpu.memory_space<vmem>>) attributes {dimension_semantics = [#tpu.dimension_semantics<arbitrary>], iteration_bounds = array<i64: 24>, scalar_prefetch = 2 : i64, scratch_operands = 0 : i64, tpu.core_type = #tpu.core_type<tc>, window_params = [{transform_indices = @transform_0, window_bounds = array<i64: 256, 1024>}, {transform_indices = @transform_1, window_bounds = array<i64: 256, 128>}, {transform_indices = @transform_2, window_bounds = array<i64: 1, 1024, 1024>}, {transform_indices = @transform_3, window_bounds = array<i64: 1, 1, 1024>}, {transform_indices = @transform_4, window_bounds = array<i64: 1, 1024, 1024>}, {transform_indices = @transform_5, window_bounds = array<i64: 1, 1, 1024>}, {transform_indices = @transform_6, window_bounds = array<i64: 1, 1024, 1024>}, {transform_indices = @transform_7, window_bounds = array<i64: 1, 1, 1024>}, {transform_indices = @transform_8, window_bounds = array<i64: 256, 1024>}]} {
    %get3A = arith.constant 7 : index
    %get3A_0 = memref.load %arg1[%get3A] : memref<8xi32, #tpu.memory_space<smem>>
    %get3A_1 = arith.constant 7 : index
    %get3A_2 = memref.load %arg2[%get3A_1] : memref<8xi32, #tpu.memory_space<smem>>
    %add3A = arith.addi %get3A_0, %get3A_2 : i32
    %jit3A = arith.constant 256 : i32
    %div3A = arith.divsi %add3A, %jit3A : i32
    %sign3A = arith.constant 0 : i32
    %sign3A_3 = arith.cmpi sgt, %add3A, %sign3A : i32
    %sign3A_4 = arith.extui %sign3A_3 : i1 to i32
    %sign3A_5 = arith.constant 0 : i32
    %sign3A_6 = arith.cmpi slt, %add3A, %sign3A_5 : i32
    %sign3A_7 = arith.extui %sign3A_6 : i1 to i32
    %sign3A_8 = arith.subi %sign3A_4, %sign3A_7 : i32
    %sign3A_9 = arith.constant 0 : i32
    %sign3A_10 = arith.cmpi sgt, %jit3A, %sign3A_9 : i32
    %sign3A_11 = arith.extui %sign3A_10 : i1 to i32
    %sign3A_12 = arith.constant 0 : i32
    %sign3A_13 = arith.cmpi slt, %jit3A, %sign3A_12 : i32
    %sign3A_14 = arith.extui %sign3A_13 : i1 to i32
    %sign3A_15 = arith.subi %sign3A_11, %sign3A_14 : i32
    %ne3A = arith.cmpi ne, %sign3A_8, %sign3A_15 : i32
    %rem3A = arith.remsi %add3A, %jit3A : i32
    %ne3A_16 = arith.constant 0 : i32
    %ne3A_17 = arith.cmpi ne, %rem3A, %ne3A_16 : i32
    %and3A = arith.andi %ne3A, %ne3A_17 : i1
    %sub3A = arith.constant 1 : i32
    %sub3A_18 = arith.subi %div3A, %sub3A : i32
    %select_n3A = arith.select %and3A, %sub3A_18, %div3A : i32
    %lt3A = arith.cmpi slt, %arg0, %select_n3A : i32
    %convert_element_type3A = arith.extui %lt3A : i1 to i32
    %cond3A = arith.constant 0 : i32
    %cond3A_19 = arith.cmpi ne, %convert_element_type3A, %cond3A : i32
    scf.if %cond3A_19 {
      %get3A_20 = arith.constant 0 : index
      %get3A_21 = arith.constant 0 : index
      %get3A_22 = vector.load %arg3[%get3A_20, %get3A_21] : memref<256x1024xf32, #tpu.memory_space<vmem>>, vector<256x1024xf32>
      %get3A_23 = arith.constant 0 : index
      %get3A_24 = arith.constant 0 : index
      %get3A_25 = arith.constant 0 : index
      %get3A_26 = vector.load %arg5[%get3A_23, %get3A_24, %get3A_25] : memref<1x1024x1024xf32, #tpu.memory_space<vmem>>, vector<1x1024x1024xf32>
      %get3A_27 = vector.shape_cast %get3A_26 : vector<1x1024x1024xf32> to vector<1024x1024xf32>
      %dot_general3A = arith.constant dense<0.000000e+00> : vector<256x1024xf32>
      %dot_general3A_28 = tpu.matmul %get3A_22, %get3A_27, %dot_general3A {dimension_numbers = #tpu.dot_dimension_numbers<[1], [0], [0], [1], [0, 0, 1, 1], [], []>, transpose_lhs_hint = false} : vector<256x1024xf32>, vector<1024x1024xf32>, vector<256x1024xf32> -> vector<256x1024xf32>
      %get3A_29 = arith.constant 0 : index
      %get3A_30 = arith.constant 0 : index
      %get3A_31 = arith.constant 0 : index
      %get3A_32 = vector.load %arg6[%get3A_29, %get3A_30, %get3A_31] : memref<1x1x1024xf32, #tpu.memory_space<vmem>>, vector<1x1x1024xf32>
      %get3A_33 = vector.shape_cast %get3A_32 : vector<1x1x1024xf32> to vector<1x1024xf32>
      %add3A_34 = vector.broadcast %get3A_33 : vector<1x1024xf32> to vector<256x1024xf32>
      %add3A_35 = arith.addf %dot_general3A_28, %add3A_34 : vector<256x1024xf32>
      %get3A_36 = arith.constant 0 : index
      %get3A_37 = arith.constant 0 : index
      %get3A_38 = arith.constant 0 : index
      %get3A_39 = vector.load %arg7[%get3A_36, %get3A_37, %get3A_38] : memref<1x1024x1024xf32, #tpu.memory_space<vmem>>, vector<1x1024x1024xf32>
      %get3A_40 = vector.shape_cast %get3A_39 : vector<1x1024x1024xf32> to vector<1024x1024xf32>
      %dot_general3A_41 = arith.constant dense<0.000000e+00> : vector<256x1024xf32>
      %dot_general3A_42 = tpu.matmul %get3A_22, %get3A_40, %dot_general3A_41 {dimension_numbers = #tpu.dot_dimension_numbers<[1], [0], [0], [1], [0, 0, 1, 1], [], []>, transpose_lhs_hint = false} : vector<256x1024xf32>, vector<1024x1024xf32>, vector<256x1024xf32> -> vector<256x1024xf32>
      %get3A_43 = arith.constant 0 : index
      %get3A_44 = arith.constant 0 : index
      %get3A_45 = arith.constant 0 : index
      %get3A_46 = vector.load %arg8[%get3A_43, %get3A_44, %get3A_45] : memref<1x1x1024xf32, #tpu.memory_space<vmem>>, vector<1x1x1024xf32>
      %get3A_47 = vector.shape_cast %get3A_46 : vector<1x1x1024xf32> to vector<1x1024xf32>
      %add3A_48 = vector.broadcast %get3A_47 : vector<1x1024xf32> to vector<256x1024xf32>
      %add3A_49 = arith.addf %dot_general3A_42, %add3A_48 : vector<256x1024xf32>
      %min3A = arith.constant 7.000000e+00 : f32
      %min3A_50 = vector.broadcast %min3A : f32 to vector<256x1024xf32>
      %min3A_51 = arith.minimumf %add3A_35, %min3A_50 : vector<256x1024xf32>
      %jit3A_52 = arith.constant -7.000000e+00 : f32
      %jit3A_53 = arith.constant 7.000000e+00 : f32
      %max3A = vector.broadcast %jit3A_52 : f32 to vector<256x1024xf32>
      %max3A_54 = arith.maximumf %max3A, %add3A_49 : vector<256x1024xf32>
      %min3A_55 = vector.broadcast %jit3A_53 : f32 to vector<256x1024xf32>
      %min3A_56 = arith.minimumf %min3A_55, %max3A_54 : vector<256x1024xf32>
      %mul3A = arith.constant -1.702000e+00 : f32
      %mul3A_57 = vector.broadcast %mul3A : f32 to vector<256x1024xf32>
      %mul3A_58 = arith.mulf %mul3A_57, %min3A_51 : vector<256x1024xf32>
      %exp3A = math.exp %mul3A_58 : vector<256x1024xf32>
      %add3A_59 = arith.constant 1.000000e+00 : f32
      %add3A_60 = vector.broadcast %add3A_59 : f32 to vector<256x1024xf32>
      %add3A_61 = arith.addf %add3A_60, %exp3A : vector<256x1024xf32>
      %div3A_62 = arith.constant 1.000000e+00 : f32
      %div3A_63 = vector.broadcast %div3A_62 : f32 to vector<256x1024xf32>
      %div3A_64 = arith.divf %div3A_63, %add3A_61 : vector<256x1024xf32>
      %mul3A_65 = arith.mulf %min3A_51, %div3A_64 : vector<256x1024xf32>
      %add3A_66 = arith.constant 1.000000e+00 : f32
      %add3A_67 = vector.broadcast %add3A_66 : f32 to vector<256x1024xf32>
      %add3A_68 = arith.addf %min3A_56, %add3A_67 : vector<256x1024xf32>
      %mul3A_69 = arith.mulf %add3A_68, %mul3A_65 : vector<256x1024xf32>
      %get3A_70 = arith.constant 0 : index
      %get3A_71 = arith.constant 0 : index
      %get3A_72 = arith.constant 0 : index
      %get3A_73 = vector.load %arg9[%get3A_70, %get3A_71, %get3A_72] : memref<1x1024x1024xf32, #tpu.memory_space<vmem>>, vector<1x1024x1024xf32>
      %get3A_74 = vector.shape_cast %get3A_73 : vector<1x1024x1024xf32> to vector<1024x1024xf32>
      %dot_general3A_75 = arith.constant dense<0.000000e+00> : vector<256x1024xf32>
      %dot_general3A_76 = tpu.matmul %mul3A_69, %get3A_74, %dot_general3A_75 {dimension_numbers = #tpu.dot_dimension_numbers<[1], [0], [0], [1], [0, 0, 1, 1], [], []>, transpose_lhs_hint = false} : vector<256x1024xf32>, vector<1024x1024xf32>, vector<256x1024xf32> -> vector<256x1024xf32>
      %get3A_77 = arith.constant 0 : index
      %get3A_78 = arith.constant 0 : index
      %get3A_79 = arith.constant 0 : index
      %get3A_80 = vector.load %arg10[%get3A_77, %get3A_78, %get3A_79] : memref<1x1x1024xf32, #tpu.memory_space<vmem>>, vector<1x1x1024xf32>
      %get3A_81 = vector.shape_cast %get3A_80 : vector<1x1x1024xf32> to vector<1x1024xf32>
      %add3A_82 = vector.broadcast %get3A_81 : vector<1x1024xf32> to vector<256x1024xf32>
      %add3A_83 = arith.addf %dot_general3A_76, %add3A_82 : vector<256x1024xf32>
      %get3A_84 = arith.constant 0 : index
      %get3A_85 = arith.constant 0 : index
      %get3A_86 = vector.load %arg4[%get3A_84, %get3A_85] : memref<256x128xf32, #tpu.memory_space<vmem>>, vector<256x1xf32>
      %mul3A_87 = vector.broadcast %get3A_86 : vector<256x1xf32> to vector<256x1024xf32>
      %mul3A_88 = arith.mulf %add3A_83, %mul3A_87 : vector<256x1024xf32>
      %swap3A = arith.constant 0 : index
      %swap3A_89 = arith.constant 0 : index
      %swap3A_90 = vector.load %arg11[%swap3A, %swap3A_89] : memref<256x1024xf32, #tpu.memory_space<vmem>>, vector<256x1024xf32>
      tpu.vector_store %arg11[%swap3A, %swap3A_89], %mul3A_88 {strides = array<i32>} : memref<256x1024xf32, #tpu.memory_space<vmem>>, vector<256x1024xf32>,
    } else {
    }
    return
  }
  func.func @transform_0(%arg0: i32, %arg1: memref<8xi32, #tpu.memory_space<smem>>, %arg2: memref<8xi32, #tpu.memory_space<smem>>) -> (i32, i32) {
    %c0_i32 = arith.constant 0 : i32
    %c0_i32_0 = arith.constant 0 : i32
    return %arg0, %c0_i32 : i32, i32
  }
  func.func @transform_1(%arg0: i32, %arg1: memref<8xi32, #tpu.memory_space<smem>>, %arg2: memref<8xi32, #tpu.memory_space<smem>>) -> (i32, i32) {
    %c0_i32 = arith.constant 0 : i32
    %c0_i32_0 = arith.constant 0 : i32
    return %arg0, %c0_i32 : i32, i32
  }
  func.func @transform_2(%arg0: i32, %arg1: memref<8xi32, #tpu.memory_space<smem>>, %arg2: memref<8xi32, #tpu.memory_space<smem>>) -> (i32, i32, i32) {
    %get3A = arith.constant 0 : index
    %get3A_0 = memref.load %arg1[%get3A] : memref<8xi32, #tpu.memory_space<smem>>
    %mul3A = arith.constant 256 : i32
    %mul3A_1 = arith.muli %arg0, %mul3A : i32
    %le3A = arith.cmpi sle, %get3A_0, %mul3A_1 : i32
    %jit3A = arith.constant 1 : i32
    %jit3A_2 = arith.constant 0 : i32
    %select_n3A = arith.select %le3A, %jit3A, %jit3A_2 : i32
    %add3A = arith.constant -1 : i32
    %add3A_3 = arith.addi %add3A, %select_n3A : i32
    %get3A_4 = arith.constant 1 : index
    %get3A_5 = memref.load %arg1[%get3A_4] : memref<8xi32, #tpu.memory_space<smem>>
    %mul3A_6 = arith.constant 256 : i32
    %mul3A_7 = arith.muli %arg0, %mul3A_6 : i32
    %le3A_8 = arith.cmpi sle, %get3A_5, %mul3A_7 : i32
    %jit3A_9 = arith.constant 1 : i32
    %jit3A_10 = arith.constant 0 : i32
    %select_n3A_11 = arith.select %le3A_8, %jit3A_9, %jit3A_10 : i32
    %add3A_12 = arith.addi %add3A_3, %select_n3A_11 : i32
    %get3A_13 = arith.constant 2 : index
    %get3A_14 = memref.load %arg1[%get3A_13] : memref<8xi32, #tpu.memory_space<smem>>
    %mul3A_15 = arith.constant 256 : i32
    %mul3A_16 = arith.muli %arg0, %mul3A_15 : i32
    %le3A_17 = arith.cmpi sle, %get3A_14, %mul3A_16 : i32
    %jit3A_18 = arith.constant 1 : i32
    %jit3A_19 = arith.constant 0 : i32
    %select_n3A_20 = arith.select %le3A_17, %jit3A_18, %jit3A_19 : i32
    %add3A_21 = arith.addi %add3A_12, %select_n3A_20 : i32
    %get3A_22 = arith.constant 3 : index
    %get3A_23 = memref.load %arg1[%get3A_22] : memref<8xi32, #tpu.memory_space<smem>>
    %mul3A_24 = arith.constant 256 : i32
    %mul3A_25 = arith.muli %arg0, %mul3A_24 : i32
    %le3A_26 = arith.cmpi sle, %get3A_23, %mul3A_25 : i32
    %jit3A_27 = arith.constant 1 : i32
    %jit3A_28 = arith.constant 0 : i32
    %select_n3A_29 = arith.select %le3A_26, %jit3A_27, %jit3A_28 : i32
    %add3A_30 = arith.addi %add3A_21, %select_n3A_29 : i32
    %get3A_31 = arith.constant 4 : index
    %get3A_32 = memref.load %arg1[%get3A_31] : memref<8xi32, #tpu.memory_space<smem>>
    %mul3A_33 = arith.constant 256 : i32
    %mul3A_34 = arith.muli %arg0, %mul3A_33 : i32
    %le3A_35 = arith.cmpi sle, %get3A_32, %mul3A_34 : i32
    %jit3A_36 = arith.constant 1 : i32
    %jit3A_37 = arith.constant 0 : i32
    %select_n3A_38 = arith.select %le3A_35, %jit3A_36, %jit3A_37 : i32
    %add3A_39 = arith.addi %add3A_30, %select_n3A_38 : i32
    %get3A_40 = arith.constant 5 : index
    %get3A_41 = memref.load %arg1[%get3A_40] : memref<8xi32, #tpu.memory_space<smem>>
    %mul3A_42 = arith.constant 256 : i32
    %mul3A_43 = arith.muli %arg0, %mul3A_42 : i32
    %le3A_44 = arith.cmpi sle, %get3A_41, %mul3A_43 : i32
    %jit3A_45 = arith.constant 1 : i32
    %jit3A_46 = arith.constant 0 : i32
    %select_n3A_47 = arith.select %le3A_44, %jit3A_45, %jit3A_46 : i32
    %add3A_48 = arith.addi %add3A_39, %select_n3A_47 : i32
    %get3A_49 = arith.constant 6 : index
    %get3A_50 = memref.load %arg1[%get3A_49] : memref<8xi32, #tpu.memory_space<smem>>
    %mul3A_51 = arith.constant 256 : i32
    %mul3A_52 = arith.muli %arg0, %mul3A_51 : i32
    %le3A_53 = arith.cmpi sle, %get3A_50, %mul3A_52 : i32
    %jit3A_54 = arith.constant 1 : i32
    %jit3A_55 = arith.constant 0 : i32
    %select_n3A_56 = arith.select %le3A_53, %jit3A_54, %jit3A_55 : i32
    %add3A_57 = arith.addi %add3A_48, %select_n3A_56 : i32
    %get3A_58 = arith.constant 7 : index
    %get3A_59 = memref.load %arg1[%get3A_58] : memref<8xi32, #tpu.memory_space<smem>>
    %mul3A_60 = arith.constant 256 : i32
    %mul3A_61 = arith.muli %arg0, %mul3A_60 : i32
    %le3A_62 = arith.cmpi sle, %get3A_59, %mul3A_61 : i32
    %jit3A_63 = arith.constant 1 : i32
    %jit3A_64 = arith.constant 0 : i32
    %select_n3A_65 = arith.select %le3A_62, %jit3A_63, %jit3A_64 : i32
    %add3A_66 = arith.addi %add3A_57, %select_n3A_65 : i32
    %c0_i32 = arith.constant 0 : i32
    %c0_i32_67 = arith.constant 0 : i32
    %c0_i32_68 = arith.constant 0 : i32
    return %add3A_66, %c0_i32, %c0_i32_67 : i32, i32, i32
  }
  func.func @transform_3(%arg0: i32, %arg1: memref<8xi32, #tpu.memory_space<smem>>, %arg2: memref<8xi32, #tpu.memory_space<smem>>) -> (i32, i32, i32) {
    %get3A = arith.constant 0 : index
    %get3A_0 = memref.load %arg1[%get3A] : memref<8xi32, #tpu.memory_space<smem>>
    %mul3A = arith.constant 256 : i32
    %mul3A_1 = arith.muli %arg0, %mul3A : i32
    %le3A = arith.cmpi sle, %get3A_0, %mul3A_1 : i32
    %jit3A = arith.constant 1 : i32
    %jit3A_2 = arith.constant 0 : i32
    %select_n3A = arith.select %le3A, %jit3A, %jit3A_2 : i32
    %add3A = arith.constant -1 : i32
    %add3A_3 = arith.addi %add3A, %select_n3A : i32
    %get3A_4 = arith.constant 1 : index
    %get3A_5 = memref.load %arg1[%get3A_4] : memref<8xi32, #tpu.memory_space<smem>>
    %mul3A_6 = arith.constant 256 : i32
    %mul3A_7 = arith.muli %arg0, %mul3A_6 : i32
    %le3A_8 = arith.cmpi sle, %get3A_5, %mul3A_7 : i32
    %jit3A_9 = arith.constant 1 : i32
    %jit3A_10 = arith.constant 0 : i32
    %select_n3A_11 = arith.select %le3A_8, %jit3A_9, %jit3A_10 : i32
    %add3A_12 = arith.addi %add3A_3, %select_n3A_11 : i32
    %get3A_13 = arith.constant 2 : index
    %get3A_14 = memref.load %arg1[%get3A_13] : memref<8xi32, #tpu.memory_space<smem>>
    %mul3A_15 = arith.constant 256 : i32
    %mul3A_16 = arith.muli %arg0, %mul3A_15 : i32
    %le3A_17 = arith.cmpi sle, %get3A_14, %mul3A_16 : i32
    %jit3A_18 = arith.constant 1 : i32
    %jit3A_19 = arith.constant 0 : i32
    %select_n3A_20 = arith.select %le3A_17, %jit3A_18, %jit3A_19 : i32
    %add3A_21 = arith.addi %add3A_12, %select_n3A_20 : i32
    %get3A_22 = arith.constant 3 : index
    %get3A_23 = memref.load %arg1[%get3A_22] : memref<8xi32, #tpu.memory_space<smem>>
    %mul3A_24 = arith.constant 256 : i32
    %mul3A_25 = arith.muli %arg0, %mul3A_24 : i32
    %le3A_26 = arith.cmpi sle, %get3A_23, %mul3A_25 : i32
    %jit3A_27 = arith.constant 1 : i32
    %jit3A_28 = arith.constant 0 : i32
    %select_n3A_29 = arith.select %le3A_26, %jit3A_27, %jit3A_28 : i32
    %add3A_30 = arith.addi %add3A_21, %select_n3A_29 : i32
    %get3A_31 = arith.constant 4 : index
    %get3A_32 = memref.load %arg1[%get3A_31] : memref<8xi32, #tpu.memory_space<smem>>
    %mul3A_33 = arith.constant 256 : i32
    %mul3A_34 = arith.muli %arg0, %mul3A_33 : i32
    %le3A_35 = arith.cmpi sle, %get3A_32, %mul3A_34 : i32
    %jit3A_36 = arith.constant 1 : i32
    %jit3A_37 = arith.constant 0 : i32
    %select_n3A_38 = arith.select %le3A_35, %jit3A_36, %jit3A_37 : i32
    %add3A_39 = arith.addi %add3A_30, %select_n3A_38 : i32
    %get3A_40 = arith.constant 5 : index
    %get3A_41 = memref.load %arg1[%get3A_40] : memref<8xi32, #tpu.memory_space<smem>>
    %mul3A_42 = arith.constant 256 : i32
    %mul3A_43 = arith.muli %arg0, %mul3A_42 : i32
    %le3A_44 = arith.cmpi sle, %get3A_41, %mul3A_43 : i32
    %jit3A_45 = arith.constant 1 : i32
    %jit3A_46 = arith.constant 0 : i32
    %select_n3A_47 = arith.select %le3A_44, %jit3A_45, %jit3A_46 : i32
    %add3A_48 = arith.addi %add3A_39, %select_n3A_47 : i32
    %get3A_49 = arith.constant 6 : index
    %get3A_50 = memref.load %arg1[%get3A_49] : memref<8xi32, #tpu.memory_space<smem>>
    %mul3A_51 = arith.constant 256 : i32
    %mul3A_52 = arith.muli %arg0, %mul3A_51 : i32
    %le3A_53 = arith.cmpi sle, %get3A_50, %mul3A_52 : i32
    %jit3A_54 = arith.constant 1 : i32
    %jit3A_55 = arith.constant 0 : i32
    %select_n3A_56 = arith.select %le3A_53, %jit3A_54, %jit3A_55 : i32
    %add3A_57 = arith.addi %add3A_48, %select_n3A_56 : i32
    %get3A_58 = arith.constant 7 : index
    %get3A_59 = memref.load %arg1[%get3A_58] : memref<8xi32, #tpu.memory_space<smem>>
    %mul3A_60 = arith.constant 256 : i32
    %mul3A_61 = arith.muli %arg0, %mul3A_60 : i32
    %le3A_62 = arith.cmpi sle, %get3A_59, %mul3A_61 : i32
    %jit3A_63 = arith.constant 1 : i32
    %jit3A_64 = arith.constant 0 : i32
    %select_n3A_65 = arith.select %le3A_62, %jit3A_63, %jit3A_64 : i32
    %add3A_66 = arith.addi %add3A_57, %select_n3A_65 : i32
    %c0_i32 = arith.constant 0 : i32
    %c0_i32_67 = arith.constant 0 : i32
    %c0_i32_68 = arith.constant 0 : i32
    return %add3A_66, %c0_i32, %c0_i32_67 : i32, i32, i32
  }
  func.func @transform_4(%arg0: i32, %arg1: memref<8xi32, #tpu.memory_space<smem>>, %arg2: memref<8xi32, #tpu.memory_space<smem>>) -> (i32, i32, i32) {
    %get3A = arith.constant 0 : index
    %get3A_0 = memref.load %arg1[%get3A] : memref<8xi32, #tpu.memory_space<smem>>
    %mul3A = arith.constant 256 : i32
    %mul3A_1 = arith.muli %arg0, %mul3A : i32
    %le3A = arith.cmpi sle, %get3A_0, %mul3A_1 : i32
    %jit3A = arith.constant 1 : i32
    %jit3A_2 = arith.constant 0 : i32
    %select_n3A = arith.select %le3A, %jit3A, %jit3A_2 : i32
    %add3A = arith.constant -1 : i32
    %add3A_3 = arith.addi %add3A, %select_n3A : i32
    %get3A_4 = arith.constant 1 : index
    %get3A_5 = memref.load %arg1[%get3A_4] : memref<8xi32, #tpu.memory_space<smem>>
    %mul3A_6 = arith.constant 256 : i32
    %mul3A_7 = arith.muli %arg0, %mul3A_6 : i32
    %le3A_8 = arith.cmpi sle, %get3A_5, %mul3A_7 : i32
    %jit3A_9 = arith.constant 1 : i32
    %jit3A_10 = arith.constant 0 : i32
    %select_n3A_11 = arith.select %le3A_8, %jit3A_9, %jit3A_10 : i32
    %add3A_12 = arith.addi %add3A_3, %select_n3A_11 : i32
    %get3A_13 = arith.constant 2 : index
    %get3A_14 = memref.load %arg1[%get3A_13] : memref<8xi32, #tpu.memory_space<smem>>
    %mul3A_15 = arith.constant 256 : i32
    %mul3A_16 = arith.muli %arg0, %mul3A_15 : i32
    %le3A_17 = arith.cmpi sle, %get3A_14, %mul3A_16 : i32
    %jit3A_18 = arith.constant 1 : i32
    %jit3A_19 = arith.constant 0 : i32
    %select_n3A_20 = arith.select %le3A_17, %jit3A_18, %jit3A_19 : i32
    %add3A_21 = arith.addi %add3A_12, %select_n3A_20 : i32
    %get3A_22 = arith.constant 3 : index
    %get3A_23 = memref.load %arg1[%get3A_22] : memref<8xi32, #tpu.memory_space<smem>>
    %mul3A_24 = arith.constant 256 : i32
    %mul3A_25 = arith.muli %arg0, %mul3A_24 : i32
    %le3A_26 = arith.cmpi sle, %get3A_23, %mul3A_25 : i32
    %jit3A_27 = arith.constant 1 : i32
    %jit3A_28 = arith.constant 0 : i32
    %select_n3A_29 = arith.select %le3A_26, %jit3A_27, %jit3A_28 : i32
    %add3A_30 = arith.addi %add3A_21, %select_n3A_29 : i32
    %get3A_31 = arith.constant 4 : index
    %get3A_32 = memref.load %arg1[%get3A_31] : memref<8xi32, #tpu.memory_space<smem>>
    %mul3A_33 = arith.constant 256 : i32
    %mul3A_34 = arith.muli %arg0, %mul3A_33 : i32
    %le3A_35 = arith.cmpi sle, %get3A_32, %mul3A_34 : i32
    %jit3A_36 = arith.constant 1 : i32
    %jit3A_37 = arith.constant 0 : i32
    %select_n3A_38 = arith.select %le3A_35, %jit3A_36, %jit3A_37 : i32
    %add3A_39 = arith.addi %add3A_30, %select_n3A_38 : i32
    %get3A_40 = arith.constant 5 : index
    %get3A_41 = memref.load %arg1[%get3A_40] : memref<8xi32, #tpu.memory_space<smem>>
    %mul3A_42 = arith.constant 256 : i32
    %mul3A_43 = arith.muli %arg0, %mul3A_42 : i32
    %le3A_44 = arith.cmpi sle, %get3A_41, %mul3A_43 : i32
    %jit3A_45 = arith.constant 1 : i32
    %jit3A_46 = arith.constant 0 : i32
    %select_n3A_47 = arith.select %le3A_44, %jit3A_45, %jit3A_46 : i32
    %add3A_48 = arith.addi %add3A_39, %select_n3A_47 : i32
    %get3A_49 = arith.constant 6 : index
    %get3A_50 = memref.load %arg1[%get3A_49] : memref<8xi32, #tpu.memory_space<smem>>
    %mul3A_51 = arith.constant 256 : i32
    %mul3A_52 = arith.muli %arg0, %mul3A_51 : i32
    %le3A_53 = arith.cmpi sle, %get3A_50, %mul3A_52 : i32
    %jit3A_54 = arith.constant 1 : i32
    %jit3A_55 = arith.constant 0 : i32
    %select_n3A_56 = arith.select %le3A_53, %jit3A_54, %jit3A_55 : i32
    %add3A_57 = arith.addi %add3A_48, %select_n3A_56 : i32
    %get3A_58 = arith.constant 7 : index
    %get3A_59 = memref.load %arg1[%get3A_58] : memref<8xi32, #tpu.memory_space<smem>>
    %mul3A_60 = arith.constant 256 : i32
    %mul3A_61 = arith.muli %arg0, %mul3A_60 : i32
    %le3A_62 = arith.cmpi sle, %get3A_59, %mul3A_61 : i32
    %jit3A_63 = arith.constant 1 : i32
    %jit3A_64 = arith.constant 0 : i32
    %select_n3A_65 = arith.select %le3A_62, %jit3A_63, %jit3A_64 : i32
    %add3A_66 = arith.addi %add3A_57, %select_n3A_65 : i32
    %c0_i32 = arith.constant 0 : i32
    %c0_i32_67 = arith.constant 0 : i32
    %c0_i32_68 = arith.constant 0 : i32
    return %add3A_66, %c0_i32, %c0_i32_67 : i32, i32, i32
  }
  func.func @transform_5(%arg0: i32, %arg1: memref<8xi32, #tpu.memory_space<smem>>, %arg2: memref<8xi32, #tpu.memory_space<smem>>) -> (i32, i32, i32) {
    %get3A = arith.constant 0 : index
    %get3A_0 = memref.load %arg1[%get3A] : memref<8xi32, #tpu.memory_space<smem>>
    %mul3A = arith.constant 256 : i32
    %mul3A_1 = arith.muli %arg0, %mul3A : i32
    %le3A = arith.cmpi sle, %get3A_0, %mul3A_1 : i32
    %jit3A = arith.constant 1 : i32
    %jit3A_2 = arith.constant 0 : i32
    %select_n3A = arith.select %le3A, %jit3A, %jit3A_2 : i32
    %add3A = arith.constant -1 : i32
    %add3A_3 = arith.addi %add3A, %select_n3A : i32
    %get3A_4 = arith.constant 1 : index
    %get3A_5 = memref.load %arg1[%get3A_4] : memref<8xi32, #tpu.memory_space<smem>>
    %mul3A_6 = arith.constant 256 : i32
    %mul3A_7 = arith.muli %arg0, %mul3A_6 : i32
    %le3A_8 = arith.cmpi sle, %get3A_5, %mul3A_7 : i32
    %jit3A_9 = arith.constant 1 : i32
    %jit3A_10 = arith.constant 0 : i32
    %select_n3A_11 = arith.select %le3A_8, %jit3A_9, %jit3A_10 : i32
    %add3A_12 = arith.addi %add3A_3, %select_n3A_11 : i32
    %get3A_13 = arith.constant 2 : index
    %get3A_14 = memref.load %arg1[%get3A_13] : memref<8xi32, #tpu.memory_space<smem>>
    %mul3A_15 = arith.constant 256 : i32
    %mul3A_16 = arith.muli %arg0, %mul3A_15 : i32
    %le3A_17 = arith.cmpi sle, %get3A_14, %mul3A_16 : i32
    %jit3A_18 = arith.constant 1 : i32
    %jit3A_19 = arith.constant 0 : i32
    %select_n3A_20 = arith.select %le3A_17, %jit3A_18, %jit3A_19 : i32
    %add3A_21 = arith.addi %add3A_12, %select_n3A_20 : i32
    %get3A_22 = arith.constant 3 : index
    %get3A_23 = memref.load %arg1[%get3A_22] : memref<8xi32, #tpu.memory_space<smem>>
    %mul3A_24 = arith.constant 256 : i32
    %mul3A_25 = arith.muli %arg0, %mul3A_24 : i32
    %le3A_26 = arith.cmpi sle, %get3A_23, %mul3A_25 : i32
    %jit3A_27 = arith.constant 1 : i32
    %jit3A_28 = arith.constant 0 : i32
    %select_n3A_29 = arith.select %le3A_26, %jit3A_27, %jit3A_28 : i32
    %add3A_30 = arith.addi %add3A_21, %select_n3A_29 : i32
    %get3A_31 = arith.constant 4 : index
    %get3A_32 = memref.load %arg1[%get3A_31] : memref<8xi32, #tpu.memory_space<smem>>
    %mul3A_33 = arith.constant 256 : i32
    %mul3A_34 = arith.muli %arg0, %mul3A_33 : i32
    %le3A_35 = arith.cmpi sle, %get3A_32, %mul3A_34 : i32
    %jit3A_36 = arith.constant 1 : i32
    %jit3A_37 = arith.constant 0 : i32
    %select_n3A_38 = arith.select %le3A_35, %jit3A_36, %jit3A_37 : i32
    %add3A_39 = arith.addi %add3A_30, %select_n3A_38 : i32
    %get3A_40 = arith.constant 5 : index
    %get3A_41 = memref.load %arg1[%get3A_40] : memref<8xi32, #tpu.memory_space<smem>>
    %mul3A_42 = arith.constant 256 : i32
    %mul3A_43 = arith.muli %arg0, %mul3A_42 : i32
    %le3A_44 = arith.cmpi sle, %get3A_41, %mul3A_43 : i32
    %jit3A_45 = arith.constant 1 : i32
    %jit3A_46 = arith.constant 0 : i32
    %select_n3A_47 = arith.select %le3A_44, %jit3A_45, %jit3A_46 : i32
    %add3A_48 = arith.addi %add3A_39, %select_n3A_47 : i32
    %get3A_49 = arith.constant 6 : index
    %get3A_50 = memref.load %arg1[%get3A_49] : memref<8xi32, #tpu.memory_space<smem>>
    %mul3A_51 = arith.constant 256 : i32
    %mul3A_52 = arith.muli %arg0, %mul3A_51 : i32
    %le3A_53 = arith.cmpi sle, %get3A_50, %mul3A_52 : i32
    %jit3A_54 = arith.constant 1 : i32
    %jit3A_55 = arith.constant 0 : i32
    %select_n3A_56 = arith.select %le3A_53, %jit3A_54, %jit3A_55 : i32
    %add3A_57 = arith.addi %add3A_48, %select_n3A_56 : i32
    %get3A_58 = arith.constant 7 : index
    %get3A_59 = memref.load %arg1[%get3A_58] : memref<8xi32, #tpu.memory_space<smem>>
    %mul3A_60 = arith.constant 256 : i32
    %mul3A_61 = arith.muli %arg0, %mul3A_60 : i32
    %le3A_62 = arith.cmpi sle, %get3A_59, %mul3A_61 : i32
    %jit3A_63 = arith.constant 1 : i32
    %jit3A_64 = arith.constant 0 : i32
    %select_n3A_65 = arith.select %le3A_62, %jit3A_63, %jit3A_64 : i32
    %add3A_66 = arith.addi %add3A_57, %select_n3A_65 : i32
    %c0_i32 = arith.constant 0 : i32
    %c0_i32_67 = arith.constant 0 : i32
    %c0_i32_68 = arith.constant 0 : i32
    return %add3A_66, %c0_i32, %c0_i32_67 : i32, i32, i32
  }
  func.func @transform_6(%arg0: i32, %arg1: memref<8xi32, #tpu.memory_space<smem>>, %arg2: memref<8xi32, #tpu.memory_space<smem>>) -> (i32, i32, i32) {
    %get3A = arith.constant 0 : index
    %get3A_0 = memref.load %arg1[%get3A] : memref<8xi32, #tpu.memory_space<smem>>
    %mul3A = arith.constant 256 : i32
    %mul3A_1 = arith.muli %arg0, %mul3A : i32
    %le3A = arith.cmpi sle, %get3A_0, %mul3A_1 : i32
    %jit3A = arith.constant 1 : i32
    %jit3A_2 = arith.constant 0 : i32
    %select_n3A = arith.select %le3A, %jit3A, %jit3A_2 : i32
    %add3A = arith.constant -1 : i32
    %add3A_3 = arith.addi %add3A, %select_n3A : i32
    %get3A_4 = arith.constant 1 : index
    %get3A_5 = memref.load %arg1[%get3A_4] : memref<8xi32, #tpu.memory_space<smem>>
    %mul3A_6 = arith.constant 256 : i32
    %mul3A_7 = arith.muli %arg0, %mul3A_6 : i32
    %le3A_8 = arith.cmpi sle, %get3A_5, %mul3A_7 : i32
    %jit3A_9 = arith.constant 1 : i32
    %jit3A_10 = arith.constant 0 : i32
    %select_n3A_11 = arith.select %le3A_8, %jit3A_9, %jit3A_10 : i32
    %add3A_12 = arith.addi %add3A_3, %select_n3A_11 : i32
    %get3A_13 = arith.constant 2 : index
    %get3A_14 = memref.load %arg1[%get3A_13] : memref<8xi32, #tpu.memory_space<smem>>
    %mul3A_15 = arith.constant 256 : i32
    %mul3A_16 = arith.muli %arg0, %mul3A_15 : i32
    %le3A_17 = arith.cmpi sle, %get3A_14, %mul3A_16 : i32
    %jit3A_18 = arith.constant 1 : i32
    %jit3A_19 = arith.constant 0 : i32
    %select_n3A_20 = arith.select %le3A_17, %jit3A_18, %jit3A_19 : i32
    %add3A_21 = arith.addi %add3A_12, %select_n3A_20 : i32
    %get3A_22 = arith.constant 3 : index
    %get3A_23 = memref.load %arg1[%get3A_22] : memref<8xi32, #tpu.memory_space<smem>>
    %mul3A_24 = arith.constant 256 : i32
    %mul3A_25 = arith.muli %arg0, %mul3A_24 : i32
    %le3A_26 = arith.cmpi sle, %get3A_23, %mul3A_25 : i32
    %jit3A_27 = arith.constant 1 : i32
    %jit3A_28 = arith.constant 0 : i32
    %select_n3A_29 = arith.select %le3A_26, %jit3A_27, %jit3A_28 : i32
    %add3A_30 = arith.addi %add3A_21, %select_n3A_29 : i32
    %get3A_31 = arith.constant 4 : index
    %get3A_32 = memref.load %arg1[%get3A_31] : memref<8xi32, #tpu.memory_space<smem>>
    %mul3A_33 = arith.constant 256 : i32
    %mul3A_34 = arith.muli %arg0, %mul3A_33 : i32
    %le3A_35 = arith.cmpi sle, %get3A_32, %mul3A_34 : i32
    %jit3A_36 = arith.constant 1 : i32
    %jit3A_37 = arith.constant 0 : i32
    %select_n3A_38 = arith.select %le3A_35, %jit3A_36, %jit3A_37 : i32
    %add3A_39 = arith.addi %add3A_30, %select_n3A_38 : i32
    %get3A_40 = arith.constant 5 : index
    %get3A_41 = memref.load %arg1[%get3A_40] : memref<8xi32, #tpu.memory_space<smem>>
    %mul3A_42 = arith.constant 256 : i32
    %mul3A_43 = arith.muli %arg0, %mul3A_42 : i32
    %le3A_44 = arith.cmpi sle, %get3A_41, %mul3A_43 : i32
    %jit3A_45 = arith.constant 1 : i32
    %jit3A_46 = arith.constant 0 : i32
    %select_n3A_47 = arith.select %le3A_44, %jit3A_45, %jit3A_46 : i32
    %add3A_48 = arith.addi %add3A_39, %select_n3A_47 : i32
    %get3A_49 = arith.constant 6 : index
    %get3A_50 = memref.load %arg1[%get3A_49] : memref<8xi32, #tpu.memory_space<smem>>
    %mul3A_51 = arith.constant 256 : i32
    %mul3A_52 = arith.muli %arg0, %mul3A_51 : i32
    %le3A_53 = arith.cmpi sle, %get3A_50, %mul3A_52 : i32
    %jit3A_54 = arith.constant 1 : i32
    %jit3A_55 = arith.constant 0 : i32
    %select_n3A_56 = arith.select %le3A_53, %jit3A_54, %jit3A_55 : i32
    %add3A_57 = arith.addi %add3A_48, %select_n3A_56 : i32
    %get3A_58 = arith.constant 7 : index
    %get3A_59 = memref.load %arg1[%get3A_58] : memref<8xi32, #tpu.memory_space<smem>>
    %mul3A_60 = arith.constant 256 : i32
    %mul3A_61 = arith.muli %arg0, %mul3A_60 : i32
    %le3A_62 = arith.cmpi sle, %get3A_59, %mul3A_61 : i32
    %jit3A_63 = arith.constant 1 : i32
    %jit3A_64 = arith.constant 0 : i32
    %select_n3A_65 = arith.select %le3A_62, %jit3A_63, %jit3A_64 : i32
    %add3A_66 = arith.addi %add3A_57, %select_n3A_65 : i32
    %c0_i32 = arith.constant 0 : i32
    %c0_i32_67 = arith.constant 0 : i32
    %c0_i32_68 = arith.constant 0 : i32
    return %add3A_66, %c0_i32, %c0_i32_67 : i32, i32, i32
  }
  func.func @transform_7(%arg0: i32, %arg1: memref<8xi32, #tpu.memory_space<smem>>, %arg2: memref<8xi32, #tpu.memory_space<smem>>) -> (i32, i32, i32) {
    %get3A = arith.constant 0 : index
    %get3A_0 = memref.load %arg1[%get3A] : memref<8xi32, #tpu.memory_space<smem>>
    %mul3A = arith.constant 256 : i32
    %mul3A_1 = arith.muli %arg0, %mul3A : i32
    %le3A = arith.cmpi sle, %get3A_0, %mul3A_1 : i32
    %jit3A = arith.constant 1 : i32
    %jit3A_2 = arith.constant 0 : i32
    %select_n3A = arith.select %le3A, %jit3A, %jit3A_2 : i32
    %add3A = arith.constant -1 : i32
    %add3A_3 = arith.addi %add3A, %select_n3A : i32
    %get3A_4 = arith.constant 1 : index
    %get3A_5 = memref.load %arg1[%get3A_4] : memref<8xi32, #tpu.memory_space<smem>>
    %mul3A_6 = arith.constant 256 : i32
    %mul3A_7 = arith.muli %arg0, %mul3A_6 : i32
    %le3A_8 = arith.cmpi sle, %get3A_5, %mul3A_7 : i32
    %jit3A_9 = arith.constant 1 : i32
    %jit3A_10 = arith.constant 0 : i32
    %select_n3A_11 = arith.select %le3A_8, %jit3A_9, %jit3A_10 : i32
    %add3A_12 = arith.addi %add3A_3, %select_n3A_11 : i32
    %get3A_13 = arith.constant 2 : index
    %get3A_14 = memref.load %arg1[%get3A_13] : memref<8xi32, #tpu.memory_space<smem>>
    %mul3A_15 = arith.constant 256 : i32
    %mul3A_16 = arith.muli %arg0, %mul3A_15 : i32
    %le3A_17 = arith.cmpi sle, %get3A_14, %mul3A_16 : i32
    %jit3A_18 = arith.constant 1 : i32
    %jit3A_19 = arith.constant 0 : i32
    %select_n3A_20 = arith.select %le3A_17, %jit3A_18, %jit3A_19 : i32
    %add3A_21 = arith.addi %add3A_12, %select_n3A_20 : i32
    %get3A_22 = arith.constant 3 : index
    %get3A_23 = memref.load %arg1[%get3A_22] : memref<8xi32, #tpu.memory_space<smem>>
    %mul3A_24 = arith.constant 256 : i32
    %mul3A_25 = arith.muli %arg0, %mul3A_24 : i32
    %le3A_26 = arith.cmpi sle, %get3A_23, %mul3A_25 : i32
    %jit3A_27 = arith.constant 1 : i32
    %jit3A_28 = arith.constant 0 : i32
    %select_n3A_29 = arith.select %le3A_26, %jit3A_27, %jit3A_28 : i32
    %add3A_30 = arith.addi %add3A_21, %select_n3A_29 : i32
    %get3A_31 = arith.constant 4 : index
    %get3A_32 = memref.load %arg1[%get3A_31] : memref<8xi32, #tpu.memory_space<smem>>
    %mul3A_33 = arith.constant 256 : i32
    %mul3A_34 = arith.muli %arg0, %mul3A_33 : i32
    %le3A_35 = arith.cmpi sle, %get3A_32, %mul3A_34 : i32
    %jit3A_36 = arith.constant 1 : i32
    %jit3A_37 = arith.constant 0 : i32
    %select_n3A_38 = arith.select %le3A_35, %jit3A_36, %jit3A_37 : i32
    %add3A_39 = arith.addi %add3A_30, %select_n3A_38 : i32
    %get3A_40 = arith.constant 5 : index
    %get3A_41 = memref.load %arg1[%get3A_40] : memref<8xi32, #tpu.memory_space<smem>>
    %mul3A_42 = arith.constant 256 : i32
    %mul3A_43 = arith.muli %arg0, %mul3A_42 : i32
    %le3A_44 = arith.cmpi sle, %get3A_41, %mul3A_43 : i32
    %jit3A_45 = arith.constant 1 : i32
    %jit3A_46 = arith.constant 0 : i32
    %select_n3A_47 = arith.select %le3A_44, %jit3A_45, %jit3A_46 : i32
    %add3A_48 = arith.addi %add3A_39, %select_n3A_47 : i32
    %get3A_49 = arith.constant 6 : index
    %get3A_50 = memref.load %arg1[%get3A_49] : memref<8xi32, #tpu.memory_space<smem>>
    %mul3A_51 = arith.constant 256 : i32
    %mul3A_52 = arith.muli %arg0, %mul3A_51 : i32
    %le3A_53 = arith.cmpi sle, %get3A_50, %mul3A_52 : i32
    %jit3A_54 = arith.constant 1 : i32
    %jit3A_55 = arith.constant 0 : i32
    %select_n3A_56 = arith.select %le3A_53, %jit3A_54, %jit3A_55 : i32
    %add3A_57 = arith.addi %add3A_48, %select_n3A_56 : i32
    %get3A_58 = arith.constant 7 : index
    %get3A_59 = memref.load %arg1[%get3A_58] : memref<8xi32, #tpu.memory_space<smem>>
    %mul3A_60 = arith.constant 256 : i32
    %mul3A_61 = arith.muli %arg0, %mul3A_60 : i32
    %le3A_62 = arith.cmpi sle, %get3A_59, %mul3A_61 : i32
    %jit3A_63 = arith.constant 1 : i32
    %jit3A_64 = arith.constant 0 : i32
    %select_n3A_65 = arith.select %le3A_62, %jit3A_63, %jit3A_64 : i32
    %add3A_66 = arith.addi %add3A_57, %select_n3A_65 : i32
    %c0_i32 = arith.constant 0 : i32
    %c0_i32_67 = arith.constant 0 : i32
    %c0_i32_68 = arith.constant 0 : i32
    return %add3A_66, %c0_i32, %c0_i32_67 : i32, i32, i32
  }
  func.func @transform_8(%arg0: i32, %arg1: memref<8xi32, #tpu.memory_space<smem>>, %arg2: memref<8xi32, #tpu.memory_space<smem>>) -> (i32, i32) {
    %c0_i32 = arith.constant 0 : i32
    %c0_i32_0 = arith.constant 0 : i32
    return %arg0, %c0_i32 : i32, i32
  }
}

module attributes {stable_mosaic.version = 14 : i64} {
  func.func @_ka_body(%arg0: i32, %arg1: memref<512x1024xf32, #tpu.memory_space<vmem>>, %arg2: memref<512x1024xf32, #tpu.memory_space<vmem>>, %arg3: memref<512x1024xf32, #tpu.memory_space<vmem>>, %arg4: memref<512x1024xf32, #tpu.memory_space<vmem>>) attributes {dimension_semantics = [#tpu.dimension_semantics<arbitrary>], iteration_bounds = array<i64: 4>, scalar_prefetch = 0 : i64, scratch_operands = 0 : i64, tpu.core_type = #tpu.core_type<tc>, window_params = [{transform_indices = @transform_0, window_bounds = array<i64: 512, 1024>}, {transform_indices = @transform_1, window_bounds = array<i64: 512, 1024>}, {transform_indices = @transform_2, window_bounds = array<i64: 512, 1024>}, {transform_indices = @transform_3, window_bounds = array<i64: 512, 1024>}]} {
    %get3A = arith.constant 0 : index
    %get3A_0 = arith.constant 0 : index
    %get3A_1 = vector.load %arg1[%get3A, %get3A_0] : memref<512x1024xf32, #tpu.memory_space<vmem>>, vector<512x1024xf32>
    %get3A_2 = arith.constant 0 : index
    %get3A_3 = arith.constant 0 : index
    %get3A_4 = vector.load %arg2[%get3A_2, %get3A_3] : memref<512x1024xf32, #tpu.memory_space<vmem>>, vector<512x1024xf32>
    %add3A = arith.addf %get3A_1, %get3A_4 : vector<512x1024xf32>
    %get3A_5 = arith.constant 0 : index
    %get3A_6 = arith.constant 0 : index
    %get3A_7 = vector.load %arg3[%get3A_5, %get3A_6] : memref<512x1024xf32, #tpu.memory_space<vmem>>, vector<512x1024xf32>
    %add3A_8 = arith.addf %add3A, %get3A_7 : vector<512x1024xf32>
    %swap3A = arith.constant 0 : index
    %swap3A_9 = arith.constant 0 : index
    %swap3A_10 = vector.load %arg4[%swap3A, %swap3A_9] : memref<512x1024xf32, #tpu.memory_space<vmem>>, vector<512x1024xf32>
    tpu.vector_store %arg4[%swap3A, %swap3A_9], %add3A_8 {strides = array<i32>} : memref<512x1024xf32, #tpu.memory_space<vmem>>, vector<512x1024xf32>,
    return
  }
  func.func @transform_0(%arg0: i32) -> (i32, i32) {
    %c0_i32 = arith.constant 0 : i32
    %c0_i32_0 = arith.constant 0 : i32
    return %arg0, %c0_i32 : i32, i32
  }
  func.func @transform_1(%arg0: i32) -> (i32, i32) {
    %c0_i32 = arith.constant 0 : i32
    %c0_i32_0 = arith.constant 0 : i32
    return %arg0, %c0_i32 : i32, i32
  }
  func.func @transform_2(%arg0: i32) -> (i32, i32) {
    %add3A = arith.constant 4 : i32
    %add3A_0 = arith.addi %arg0, %add3A : i32
    %c0_i32 = arith.constant 0 : i32
    %c0_i32_1 = arith.constant 0 : i32
    return %add3A_0, %c0_i32 : i32, i32
  }
  func.func @transform_3(%arg0: i32) -> (i32, i32) {
    %c0_i32 = arith.constant 0 : i32
    %c0_i32_0 = arith.constant 0 : i32
    return %arg0, %c0_i32 : i32, i32
  }
}

</mosaic_0001>

<sc_bundles>
// kernel: kernel.13.cloned.1.call-start
scs
__scs_entry_jumppad:
0x0: {  	(pc) =	sbr.rel $0x88, $3  }
0x1: {  	(tag) =	ssettag $0x0;
	lr =	simm.s32 $0x1  }
0x2: {  	[smem:$0x3F8D] =	sst lr;
	_ =	strace $0xD0000000  }
0x3: {  	_ = 	snop  }
0x4: {  	_ = 	snop  }
0x5: {  	_ = 	snop  }
0x6: {  	_ = 	snop  }
0x7: {  	_ = 	snop  }
__scs_overlays_trampoline_lowered:
0x8: {  	[smem:$0x3F9C] =	sst s0  }
0x9: {  	[smem:$0x3F9D] =	sst s1  }
0xa: {  	[smem:$0x3F9E] =	sst s2  }
0xb: {  	[smem:$0x3F9F] =	sst s3  }
0xc: {  	[smem:$0x3FA0] =	sst s4  }
0xd: {  	[smem:$0x3FA1] =	sst s5  }
0xe: {  	[smem:$0x3FA2] =	sst s6  }
0xf: {  	[smem:$0x3FA3] =	sst s7  }
0x10: {  	[smem:$0x3FA4] =	sst s8  }
0x11: {  	[smem:$0x3FA5] =	sst s9;
	s0 =	simm.s32 @!p0 $0x0  }
0x12: {  	s1 =	sld [smem:$0x3F8B];
	s0 =	simm.s32 @p0 $0x1  }
0x13: {  	[smem:$0x3FA6] =	sst s0;
	s0 =	simm.s32 @!p1 $0x0  }
0x14: {  	s2 =	sld [smem:$0x3F8A];
	s0 =	simm.s32 @p1 $0x1  }
0x15: {  	[smem:$0x3FA7] =	sst s0;
	s0 =	simm.s32 @!p2 $0x0  }
0x16: {  	s3 =	sld [smem:$0x3FDB];
	s0 =	simm.s32 @p2 $0x1  }
0x17: {  	s4 =	simm.s32 $0x1BF5;
	[smem:$0x3FA9] =	sst s0  }
0x18: {  	s0 =	sld [smem:$0x3F8C];
	_ =	swait.ge [sflag:s4], $0x0  }
0x19: {  	s7 =	sld [smem:$0x3F8D]  }
0x1a: {  	s8 =	sadd.s32 $0xFFFFE003, lr  }
0x1b: {  	s9 =	sadd.s32 $0xFFFFFEF7, lr;
	s5 =	simm.s32 $0xFFFFFFFF;
	p2 =	slt.u32 s8, $0xFFFFF086  }
0x1c: {  	p1 =	slt.u32 s9, $0xF7A;
	s5 =	simm.s32 @!p2 $0x0  }
0x1d: {  	s5 =	simm.s32 @p1 $0x1;
	p0 =	seq.s32 s7, s2  }
0x1e: {  	s7 =	smul.u32 @!p0 $0xF7A, s2;
	p2 =	seq.s32 @!p0 s5, $0x0  }
0x1f: {  	s9 =	smul.u32 $0xF7A, s1;
	s8 =	simm.s32 @!p0 $0x1BF5;
	p2 =	por !p2, p0  }
0x20: {  	[sflag:s8] =	ssyncset.s32 @!p0 $0xFFFFF086;
	s6 =	sadd.s32 @!p0 s3, s7;
	s7 =	simm.s32 @!p0 $0x108  }
0x21: {  	s3 =	sadd.s32 s3, s9;
	s6 =	sadd.s32 @!p0 $0x88, s6;
	s7 =	simm.s32 @p2 $0x1082  }
0x22: {  	[simem:s7], [sflag:s8] =	dma.local @!p0 [hbm:s6], $0xF7A  }
0x23: {  	s9 =	sor.u32 $0xD0000000, s2;
	s6 =	simm.s32 $0x108;
	_ =	swait.ge @!p0 [sflag:s8], $0x0  }
0x24: {  	s3 =	sadd.s32 $0x88, s3;
	s6 =	simm.s32 @!p1 $0x1082;
	[sflag:s4] =	ssyncset.s32 $0xFFFFF086  }
0x25: {  	[simem:s6], [sflag:s4] =	dma.local [hbm:s3], $0xF7A  }
0x26: {  	[smem:$0x3F8D] =	sst s1;
	(tag) =	ssettag s2;
	_ =	strace s9  }
0x27: {  	s1 =	sld [smem:$0x3F9D]  }
0x28: {  	s2 =	sld [smem:$0x3F9E]  }
0x29: {  	s4 =	sld [smem:$0x3FA0]  }
0x2a: {  	p0 =	seq.s32 s5, $0x0;
	s5 =	sld [smem:$0x3FA1]  }
0x2b: {  	s6 =	sld [smem:$0x3FA2]  }
0x2c: {  	s7 =	sld [smem:$0x3FA3]  }
0x2d: {  	s3 =	simm.s32 $0x108;
	s8 =	sld [smem:$0x3FA4]  }
0x2e: {  	s3 =	simm.s32 @!p0 $0x1082;
	s9 =	sld [smem:$0x3FA5]  }
0x2f: {  	lr =	sadd.s32 s0, s3;
	s0 =	sld [smem:$0x3F9C]  }
0x30: {  	s3 =	sld [smem:$0x3F9F]  }
0x31: {  	[smem:$0x3FA8] =	sst s10  }
0x32: {  	s10 =	sld [smem:$0x3FA6];
	_ =	sdelay $0x3  }
0x33: {  	p0 =	seq.s32 s10, $0x1;
	s10 =	sld [smem:$0x3FA8];
	_ =	sdelay $0x3  }
0x34: {  	[smem:$0x3FA8] =	sst s10  }
0x35: {  	s10 =	sld [smem:$0x3FA7];
	_ =	sdelay $0x3  }
0x36: {  	p1 =	seq.s32 s10, $0x1;
	s10 =	sld [smem:$0x3FA8];
	_ =	sdelay $0x3  }
0x37: {  	[smem:$0x3FA8] =	sst s10  }
0x38: {  	s10 =	sld [smem:$0x3FA9]  }
0x39: {  	_ = 	snop;
	(pc) =	sbr.ind lr, $3  }
0x3a: {  	_ = 	snop  }
0x3b: {  	_ = 	snop  }
0x3c: {  	p2 =	seq.s32 s10, $0x1;
	s10 =	sld [smem:$0x3FA8]  }
0x3d: {  	_ =	shalt  }
0x3e: {  	_ =	shalt  }
0x3f: {  	_ =	shalt  }
0x40: {  	_ =	shalt  }
0x41: {  	_ =	shalt  }
0x42: {  	_ =	shalt  }
0x43: {  	_ =	shalt  }
0x44: {  	_ =	shalt  }
0x45: {  	_ =	shalt  }
0x46: {  	_ =	shalt  }
0x47: {  	_ =	shalt  }
0x48: {  	_ =	shalt  }
0x49: {  	_ =	shalt  }
0x4a: {  	_ =	shalt  }
0x4b: {  	_ =	shalt  }
0x4c: {  	_ =	shalt  }
0x4d: {  	_ =	shalt  }
0x4e: {  	_ =	shalt  }
0x4f: {  	_ =	shalt  }
0x50: {  	_ =	shalt  }
0x51: {  	_ =	shalt  }
0x52: {  	_ =	shalt  }
0x53: {  	_ =	shalt  }
0x54: {  	_ =	shalt  }
0x55: {  	_ =	shalt  }
0x56: {  	_ =	shalt  }
0x57: {  	_ =	shalt  }
0x58: {  	_ =	shalt  }
0x59: {  	_ =	shalt  }
0x5a: {  	_ =	shalt  }
0x5b: {  	_ =	shalt  }
0x5c: {  	_ =	shalt  }
0x5d: {  	_ =	shalt  }
0x5e: {  	_ =	shalt  }
0x5f: {  	_ =	shalt  }
0x60: {  	_ =	shalt  }
0x61: {  	_ =	shalt  }
0x62: {  	_ =	shalt  }
0x63: {  	_ =	shalt  }
0x64: {  	_ =	shalt  }
0x65: {  	_ =	shalt  }
0x66: {  	_ =	shalt  }
0x67: {  	_ =	shalt  }
0x68: {  	_ =	shalt  }
0x69: {  	_ =	shalt  }
0x6a: {  	_ =	shalt  }
0x6b: {  	_ =	shalt  }
0x6c: {  	_ =	shalt  }
0x6d: {  	_ =	shalt  }
0x6e: {  	_ =	shalt  }
0x6f: {  	_ =	shalt  }
0x70: {  	_ =	shalt  }
0x71: {  	_ =	shalt  }
0x72: {  	_ =	shalt  }
0x73: {  	_ =	shalt  }
0x74: {  	_ =	shalt  }
0x75: {  	_ =	shalt  }
0x76: {  	_ =	shalt  }
0x77: {  	_ =	shalt  }
0x78: {  	_ =	shalt  }
0x79: {  	_ =	shalt  }
0x7a: {  	_ =	shalt  }
0x7b: {  	_ =	shalt  }
0x7c: {  	_ =	shalt  }
0x7d: {  	_ =	shalt  }
0x7e: {  	_ =	shalt  }
0x7f: {  	_ =	shalt  }
0x80: {  	_ =	shalt  }
0x81: {  	_ =	shalt  }
0x82: {  	_ =	shalt  }
0x83: {  	_ =	shalt  }
0x84: {  	_ =	shalt  }
0x85: {  	_ =	shalt  }
0x86: {  	_ =	shalt  }
0x87: {  	_ =	shalt  }
.Lfunc_end0:
.L_simem_size_0:
called_computation_lowered:
.L_overlay_start_0:
0x88: {  	s2 =	sld [smem:$0x3FD9]  }
0x89: {  	s3 =	sld [smem:$0x3FFE];
	_ =	sdelay $0x1  }
0x8a: {  	s1 =	srdreg.scid  }
0x8b: {  	s0 =	sand.u32 $0x1, s1  }
0x8c: {  	s17 =	sshll.u32 s0, $0xA;
	s2 =	sadd.s32 s3, s2  }
0x8d: {  	s2 =	sadd.s32 s2, s17  }
0x8e: {  	[smem:$0x3FB4] =	sst s2  }
0x8f: {  	_ = 	snop  }
0x90: {  	s2 =	sld [smem:$0x3FD0];
	(tm) =	ssettm $0x1  }
0x91: {  	s18 =	sld [smem:$0x3FFB];
	_ =	sdelay $0x3  }
0x92: {  	_ =	strace s18  }
0x93: {  	s3 =	sld [smem:$0x3FFC];
	_ =	sdelay $0x3  }
0x94: {  	_ =	strace s3  }
0x95: {  	s3 =	sld [smem:$0x3FFD];
	_ =	sdelay $0x3  }
0x96: {  	_ =	strace s3  }
0x97: {  	_ =	strace $0x8FFFFFFF  }
0x98: {  	s19 =	sld [smem:$0x3FDB];
	_ =	sdelay $0x1  }
0x99: {  	s4 =	simm.s32 $_scs_section_size  }
0x9a: {  	s5 =	simm.s32 $_size__tile_overlayer_lowered;
	s6 =	simm.s32 $_tile_overlayer_lowered  }
0x9b: {  	s22 =	simm.s32 $0x1BFF;
	s21 =	sshll.u32 s6, $0x1;
	s3 =	sadd.s32 s4, s19  }
0x9c: {  	s7 =	simm.s32 $0x0;
	s20 =	sshll.u32 s5, $0x1;
	s5 =	sadd.s32 s21, s3  }
0x9d: {  	[timem:s7], [sflag:s22] =	dma.local [hbm:s5], s20  }
0x9e: {  	_ =	swait.ge [sflag:s22], s20  }
0x9f: {  	s4 =	ssub.s32 $0x0, s20;
	[sflag:s22] =	ssyncset.done $0x0  }
0xa0: {  	[sflag:s22] =	ssyncadd.s32 s4;
	_ =	sdelay $0x1  }
0xa1: {  	s23 =	simm.s32 $0x1B8B  }
0xa2: {  	_ =	swait.ge [sflag:s23], $0x1  }
0xa3: {  	[sflag:s23] =	ssyncset.done $0x0  }
0xa4: {  	s25 =	simm.s32 $0x1B8E;
	s24 =	sld [smem:$0x3FFE];
	[sflag:s23] =	ssyncadd.s32 $0xFFFFFFFF  }
0xa5: {  	s26 =	simm.s32 $execute0_lowered;
	[smem:$0x3FD2] =	sst s25  }
0xa6: {  	s5 =	sshll.u32 s26, $0x1;
	_ =	strace $0x80000046;
	[dreg:$0x1] =	wrdreg $0xFFFFFFFF  }
0xa7: {  	s28 =	simm.s32 $_size_execute0_lowered;
	s3 =	sadd.s32 s3, s5;
	[dreg:$0x0] =	wrdreg $0x0  }
0xa8: {  	s5 =	sshll.u32 s28, $0x1;
	[dreg:$0x2] =	wrdreg s3  }
0xa9: {  	[dreg:$0x3] =	wrdreg s5  }
0xaa: {  	[dreg:$0x4] =	wrdreg $0xC0  }
0xab: {  	_ =	task [dreg:s7], $0x5FFFF  }
0xac: {  	[dreg:$0x1] =	wrdreg $0xFFFFFFFF  }
0xad: {  	[dreg:$0x0] =	wrdreg $0x60  }
0xae: {  	[dreg:$0x2] =	wrdreg s2  }
0xaf: {  	[dreg:$0x3] =	wrdreg s24  }
0xb0: {  	[dreg:$0x4] =	wrdreg $0x9  }
0xb1: {  	_ =	task.clear_ibuf [dreg:s7], $0x5FFFF;
	_ =	strace $0x90000046  }
0xb2: {  	s29 =	simm.s32 $0x9;
	_ =	strace $0x80000048  }
0xb3: {  	_ =	swait.ge [sflag:s29], $0x1  }
0xb4: {  	[sflag:s29] =	ssyncadd.s32 $0xFFFFFFFF  }
0xb5: {  	_ =	strace $0x90000048  }
0xb6: {  	_ =	sfence  }
0xb7: {  	s30 =	sld [smem:$0x0];
	_ =	sdelay $0x2  }
0xb8: {  	s31 =	sshll.u32 s1, $0xD;
	s1 =	sshrl.u32 s1, $0x2  }
0xb9: {  	s3 =	sand.u32 $0x4000, s31;
	s1 =	sadd.s32 s1, s30  }
0xba: {  	s0 =	sor.u32 s3, s0;
	s1 =	sshll.u32 s1, $0x11  }
0xbb: {  	s0 =	sor.u32 s1, s0  }
0xbc: {  	s0 =	sadd.s32 $0x8F2B, s0  }
0xbd: {  	[sflag:s0] =	ssyncadd.remote.s32 $0x1  }
0xbe: {  	_ =	sfence.sel $0xFFFF  }
0xbf: {  	[dreg:$0x0] =	wrdreg $0xFFFFFFFF;
	(pc) =	sbr.abs _section_cstart, $3  }
0xc0: {  	[dreg:$0x1] =	wrdreg $0xFFFFFFFF  }
0xc1: {  	_ =	task.clear_ibuf [dreg:s7], $0x2FFFF;
	_ =	strace $0x9FFFFFFF  }
0xc2: {  	(tm) =	ssettm $0x7FFFFFFF  }
0xc3: {  	_ =	shalt  }
tec
execute0_lowered:
.L_overlay_start_1:
0x0: {  	(tag) =	ssettag $0x1  }
0x1: {  	s0 =	rddreg [dreg:$0x0]  }
0x2: {  	s1 =	rddreg [dreg:$0x1];
	s3 =	srdreg.scid  }
0x3: {  	s2 =	simm.s32 $0x0;
	s10 =	stileid.u32;
	s20 =	simm.s32 $0x1  }
0x4: {  	s28 =	simm.s32 $0x2080;
	s29 =	simm.s32 $0x2880;
	s30 =	simm.s32 $0x3080  }
0x5: {  	s31 =	simm.s32 $0x3880;
	s13 =	simm.s32 $0x6080;
	s14 =	simm.s32 $0x6880  }
0x6: {  	s15 =	simm.s32 $0x7080;
	s16 =	simm.s32 $0x7880;
	s17 =	simm.s32 $0x8080  }
0x7: {  	s18 =	simm.s32 $0x8880;
	s19 =	simm.s32 $0x9080;
	s4 =	sand.u32 $0x1, s3  }
0x8: {  	[smem:$0x7FF] =	sst s2;
	s21 =	sshll.u32 s10, $0x8;
	s6 =	sadd.s32 $0x45600, s1  }
0x9: {  	s8 =	sadd.s32 $0x45800, s1;
	s3 =	sadd.s32 $0x55800, s1;
	p0 =	sgt.u32 s10, $0x7  }
0xa: {  	s24 =	sadd.s32 $0x115800, s1;
	s5 =	sshll.u32 s4, $0x7;
	_ =	strace $0x80000047  }
0xb: {  	s11 =	ssub.s32 $0x2, s4;
	[dreg:$0x9] =	wrdreg s24;
	s24 =	simm.s32 $0x880  }
0xc: {  	s4 =	simm.s32 $0xA080;
	s7 =	sor.u32 s5, s21;
	s23 =	sshrl.u32 s11, $0x1  }
0xd: {  	s9 =	sshll.u32 s7, $0x7;
	s5 =	sshrl.u32 s7, $0x3;
	s11 =	ssub.s32 s11, s23  }
0xe: {  	s25 =	sshll.u32 s7, $0x4;
	s7 =	sor.u32 $0x40, s7;
	s10 =	sadd.s32 $0xFFFC0000, s9  }
0xf: {  	s22 =	sadd.s32 s6, s5;
	s5 =	sadd.s32 $0x55900, s1;
	s12 =	sshrl.u32 s7, $0x3  }
0x10: {  	s7 =	sshll.u32 s7, $0x4;
	s9 =	smov.u32 @p0 s10;
	[dreg:$0x3] =	wrdreg s22  }
0x11: {  	s6 =	sadd.s32 s6, s12;
	s26 =	sadd.s32 s8, s7;
	s7 =	sadd.s32 $0x55B00, s1  }
0x12: {  	s12 =	simm.s32 $0x5880;
	s22 =	simm.s32 $0x9880;
	[dreg:$0x6] =	wrdreg s6  }
0x13: {  	s10 =	sadd.s32 s0, s9;
	s9 =	sand.u32 $0x1FFFC000, s9;
	[dreg:$0x8] =	wrdreg s26  }
0x14: {  	s6 =	sadd.s32 $0x55A00, s1;
	s26 =	simm.s32 $0x1880;
	[dreg:$0x4] =	wrdreg s10  }
0x15: {  	v2 =	vlaneseq.u32;
	s10 =	sadd.s32 s8, s25;
	s0 =	sadd.s32 s9, s0;
	s8 =	smax.u32 s11, $0x1  }
0x16: {  	vm0 =	vmmov $0xffff;
	v1 =	vshrl.u32 v2, $0x3;
	s9 =	simm.s32 $0x2;
	[dreg:$0x5] =	wrdreg s10;
	s0 =	sadd.s32 $0x2000, s0  }
0x17: {  	v0 =	vand.u32 $0x7, v2;
	v2 =	vor.u32 $0x8, v2;
	v1 =	vmul.u32 $0x8, v1;
	s25 =	simm.s32 $0x1080;
	s11 =	simm.s32 $0x5080;
	[dreg:$0x7] =	wrdreg s0  }
.LBB2_1:
0x18: {  	s23 =	rddreg [dreg:$0x3]  }
0x19: {  	[tilespmem:s2], [sflag:$0x2] =	stream.linear.gather [hbm4b:s23+s2], $0x40, $0x38;
	[tilespmem:$0x12080] =	vst v63  }
0x1a: {  	_ =	swait.ge [sflag:s9], $0x40  }
0x1b: {  	[sflag:s9] =	ssyncset.done $0x0  }
0x1c: {  	s21 =	simm.s32 $0x80;
	s10 =	rddreg [dreg:$0x4];
	[sflag:s9] =	ssyncadd.s32 $0xFFFFFFC0  }
0x1d: {  	[tilespmem:s21], [sflag:$0x2] =	stream.linear.gather [hbm4b:s10+s2], $0x10000, $0x38;
	[tilespmem:$0x12080] =	vst v63  }
0x1e: {  	_ =	swait.ge [sflag:s9], $0x10000  }
0x1f: {  	[sflag:s9] =	ssyncset.done $0x0  }
0x20: {  	[sflag:s9] =	ssyncadd.s32 $0xFFFF0000  }
0x21: {  	v3 =	vld [tilespmem:$0x0];
	_ =	sdelay $0x4  }
0x22: {  	v4 =	vshll.u32 v3, $0x3  }
0x23: {  	v3 =	vand.u32 $0x7, v3;
	v4 =	vand.u32 $0xFFFFFFC0, v4  }
0x24: {  	v3 =	vor.u32 v3, v4  }
0x25: {  	v4 =	vperm.xlane v3, v0;
	_ =	sdelay $0x1  }
0x26: {  	v4 =	vadd.s32 v1, v4;
	_ =	sdelay $0x4  }
0x27: {  	[hbm4b:s3+s2] =	stream.indirect_vreg.scatter [tilespmem:s21], [sflag:$0x1], $0x80, v4, vm0, $0xb8;
	[tilespmem:$0x12080] =	vst v63  }
0x28: {  	v3 =	vperm.xlane v3, v2  }
0x29: {  	[hbm4b:s5+s2] =	stream.indirect_vreg.scatter [tilespmem:s24], [sflag:$0x1], $0x80, v4, vm0, $0xb8;
	[tilespmem:$0x12080] =	vst v63  }
0x2a: {  	v3 =	vadd.s32 v1, v3  }
0x2b: {  	[hbm4b:s6+s2] =	stream.indirect_vreg.scatter [tilespmem:s25], [sflag:$0x1], $0x80, v4, vm0, $0xb8;
	[tilespmem:$0x12080] =	vst v63  }
0x2c: {  	_ = 	snop  }
0x2d: {  	[hbm4b:s7+s2] =	stream.indirect_vreg.scatter [tilespmem:s26], [sflag:$0x1], $0x80, v4, vm0, $0xb8;
	[tilespmem:$0x12080] =	vst v63  }
0x2e: {  	_ = 	snop  }
0x2f: {  	[hbm4b:s3+s2] =	stream.indirect_vreg.scatter [tilespmem:s28], [sflag:$0x1], $0x80, v3, vm0, $0xb8;
	[tilespmem:$0x12080] =	vst v63  }
0x30: {  	_ = 	snop  }
0x31: {  	[hbm4b:s5+s2] =	stream.indirect_vreg.scatter [tilespmem:s29], [sflag:$0x1], $0x80, v3, vm0, $0xb8;
	[tilespmem:$0x12080] =	vst v63  }
0x32: {  	_ = 	snop  }
0x33: {  	[hbm4b:s6+s2] =	stream.indirect_vreg.scatter [tilespmem:s30], [sflag:$0x1], $0x80, v3, vm0, $0xb8;
	[tilespmem:$0x12080] =	vst v63  }
0x34: {  	_ = 	snop  }
0x35: {  	[hbm4b:s7+s2] =	stream.indirect_vreg.scatter [tilespmem:s31], [sflag:$0x1], $0x80, v3, vm0, $0xb8;
	[tilespmem:$0x12080] =	vst v63  }
0x36: {  	v3 =	vld [tilespmem:$0x10];
	_ =	sdelay $0x4  }
0x37: {  	v57 =	vshll.u32 v3, $0x3  }
0x38: {  	v3 =	vand.u32 $0x7, v3;
	v4 =	vand.u32 $0xFFFFFFC0, v57  }
0x39: {  	v3 =	vor.u32 v3, v4  }
0x3a: {  	v4 =	vperm.xlane v3, v0;
	_ =	sdelay $0x1  }
0x3b: {  	v4 =	vadd.s32 v1, v4;
	_ =	sdelay $0x3  }
0x3c: {  	s0 =	simm.s32 $0x4080  }
0x3d: {  	[hbm4b:s3+s2] =	stream.indirect_vreg.scatter [tilespmem:s0], [sflag:$0x1], $0x80, v4, vm0, $0xb8;
	[tilespmem:$0x12080] =	vst v63  }
0x3e: {  	s1 =	simm.s32 $0x4880;
	v3 =	vperm.xlane v3, v2  }
0x3f: {  	[hbm4b:s5+s2] =	stream.indirect_vreg.scatter [tilespmem:s1], [sflag:$0x1], $0x80, v4, vm0, $0xb8;
	[tilespmem:$0x12080] =	vst v63  }
0x40: {  	v3 =	vadd.s32 v1, v3  }
0x41: {  	[hbm4b:s6+s2] =	stream.indirect_vreg.scatter [tilespmem:s11], [sflag:$0x1], $0x80, v4, vm0, $0xb8;
	[tilespmem:$0x12080] =	vst v63  }
0x42: {  	_ = 	snop  }
0x43: {  	[hbm4b:s7+s2] =	stream.indirect_vreg.scatter [tilespmem:s12], [sflag:$0x1], $0x80, v4, vm0, $0xb8;
	[tilespmem:$0x12080] =	vst v63  }
0x44: {  	_ = 	snop  }
0x45: {  	[hbm4b:s3+s2] =	stream.indirect_vreg.scatter [tilespmem:s13], [sflag:$0x1], $0x80, v3, vm0, $0xb8;
	[tilespmem:$0x12080] =	vst v63  }
0x46: {  	_ = 	snop  }
0x47: {  	[hbm4b:s5+s2] =	stream.indirect_vreg.scatter [tilespmem:s14], [sflag:$0x1], $0x80, v3, vm0, $0xb8;
	[tilespmem:$0x12080] =	vst v63  }
0x48: {  	_ = 	snop  }
0x49: {  	[hbm4b:s6+s2] =	stream.indirect_vreg.scatter [tilespmem:s15], [sflag:$0x1], $0x80, v3, vm0, $0xb8;
	[tilespmem:$0x12080] =	vst v63  }
0x4a: {  	_ = 	snop  }
0x4b: {  	[hbm4b:s7+s2] =	stream.indirect_vreg.scatter [tilespmem:s16], [sflag:$0x1], $0x80, v3, vm0, $0xb8;
	[tilespmem:$0x12080] =	vst v63  }
0x4c: {  	v3 =	vld [tilespmem:$0x20];
	_ =	sdelay $0x4  }
0x4d: {  	v58 =	vshll.u32 v3, $0x3  }
0x4e: {  	v3 =	vand.u32 $0x7, v3;
	v4 =	vand.u32 $0xFFFFFFC0, v58  }
0x4f: {  	v3 =	vor.u32 v3, v4  }
0x50: {  	v4 =	vperm.xlane v3, v0;
	_ =	sdelay $0x1  }
0x51: {  	v4 =	vadd.s32 v1, v4;
	_ =	sdelay $0x4  }
0x52: {  	[hbm4b:s3+s2] =	stream.indirect_vreg.scatter [tilespmem:s17], [sflag:$0x1], $0x80, v4, vm0, $0xb8;
	[tilespmem:$0x12080] =	vst v63  }
0x53: {  	v3 =	vperm.xlane v3, v2  }
0x54: {  	[hbm4b:s5+s2] =	stream.indirect_vreg.scatter [tilespmem:s18], [sflag:$0x1], $0x80, v4, vm0, $0xb8;
	[tilespmem:$0x12080] =	vst v63  }
0x55: {  	v3 =	vadd.s32 v1, v3  }
0x56: {  	[hbm4b:s6+s2] =	stream.indirect_vreg.scatter [tilespmem:s19], [sflag:$0x1], $0x80, v4, vm0, $0xb8;
	[tilespmem:$0x12080] =	vst v63  }
0x57: {  	_ = 	snop  }
0x58: {  	[hbm4b:s7+s2] =	stream.indirect_vreg.scatter [tilespmem:s22], [sflag:$0x1], $0x80, v4, vm0, $0xb8;
	[tilespmem:$0x12080] =	vst v63  }
0x59: {  	_ = 	snop  }
0x5a: {  	[hbm4b:s3+s2] =	stream.indirect_vreg.scatter [tilespmem:s4], [sflag:$0x1], $0x80, v3, vm0, $0xb8;
	[tilespmem:$0x12080] =	vst v63  }
0x5b: {  	s23 =	simm.s32 $0xA880  }
0x5c: {  	[hbm4b:s5+s2] =	stream.indirect_vreg.scatter [tilespmem:s23], [sflag:$0x1], $0x80, v3, vm0, $0xb8;
	[tilespmem:$0x12080] =	vst v63  }
0x5d: {  	s10 =	simm.s32 $0xB080  }
0x5e: {  	[hbm4b:s6+s2] =	stream.indirect_vreg.scatter [tilespmem:s10], [sflag:$0x1], $0x80, v3, vm0, $0xb8;
	[tilespmem:$0x12080] =	vst v63  }
0x5f: {  	s23 =	simm.s32 $0xB880  }
0x60: {  	[hbm4b:s7+s2] =	stream.indirect_vreg.scatter [tilespmem:s23], [sflag:$0x1], $0x80, v3, vm0, $0xb8;
	[tilespmem:$0x12080] =	vst v63  }
0x61: {  	v3 =	vld [tilespmem:$0x30];
	_ =	sdelay $0x4  }
0x62: {  	v59 =	vshll.u32 v3, $0x3  }
0x63: {  	v3 =	vand.u32 $0x7, v3;
	v4 =	vand.u32 $0xFFFFFFC0, v59  }
0x64: {  	v3 =	vor.u32 v3, v4  }
0x65: {  	v4 =	vperm.xlane v3, v0;
	_ =	sdelay $0x1  }
0x66: {  	v4 =	vadd.s32 v1, v4;
	_ =	sdelay $0x3  }
0x67: {  	s10 =	simm.s32 $0xC080  }
0x68: {  	[hbm4b:s3+s2] =	stream.indirect_vreg.scatter [tilespmem:s10], [sflag:$0x1], $0x80, v4, vm0, $0xb8;
	[tilespmem:$0x12080] =	vst v63  }
0x69: {  	s23 =	simm.s32 $0xC880;
	v3 =	vperm.xlane v3, v2  }
0x6a: {  	[hbm4b:s5+s2] =	stream.indirect_vreg.scatter [tilespmem:s23], [sflag:$0x1], $0x80, v4, vm0, $0xb8;
	[tilespmem:$0x12080] =	vst v63  }
0x6b: {  	v3 =	vadd.s32 v1, v3;
	s10 =	simm.s32 $0xD080  }
0x6c: {  	[hbm4b:s6+s2] =	stream.indirect_vreg.scatter [tilespmem:s10], [sflag:$0x1], $0x80, v4, vm0, $0xb8;
	[tilespmem:$0x12080] =	vst v63  }
0x6d: {  	s23 =	simm.s32 $0xD880  }
0x6e: {  	[hbm4b:s7+s2] =	stream.indirect_vreg.scatter [tilespmem:s23], [sflag:$0x1], $0x80, v4, vm0, $0xb8;
	[tilespmem:$0x12080] =	vst v63  }
0x6f: {  	s10 =	simm.s32 $0xE080  }
0x70: {  	[hbm4b:s3+s2] =	stream.indirect_vreg.scatter [tilespmem:s10], [sflag:$0x1], $0x80, v3, vm0, $0xb8;
	[tilespmem:$0x12080] =	vst v63  }
0x71: {  	s23 =	simm.s32 $0xE880  }
0x72: {  	[hbm4b:s5+s2] =	stream.indirect_vreg.scatter [tilespmem:s23], [sflag:$0x1], $0x80, v3, vm0, $0xb8;
	[tilespmem:$0x12080] =	vst v63  }
0x73: {  	s10 =	simm.s32 $0xF080  }
0x74: {  	[hbm4b:s6+s2] =	stream.indirect_vreg.scatter [tilespmem:s10], [sflag:$0x1], $0x80, v3, vm0, $0xb8;
	[tilespmem:$0x12080] =	vst v63  }
0x75: {  	s23 =	simm.s32 $0xF880  }
0x76: {  	[hbm4b:s7+s2] =	stream.indirect_vreg.scatter [tilespmem:s23], [sflag:$0x1], $0x80, v3, vm0, $0xb8;
	[tilespmem:$0x12080] =	vst v63  }
0x77: {  	_ =	swait.ge [sflag:s20], $0x10000  }
0x78: {  	[sflag:s20] =	ssyncset.done $0x0  }
0x79: {  	s0 =	simm.s32 $0x10080;
	s10 =	rddreg [dreg:$0x5];
	[sflag:s20] =	ssyncadd.s32 $0xFFFF0000  }
0x7a: {  	[tilespmem:s0], [sflag:$0x2] =	stream.linear.gather [hbm4b:s10+s2], $0x2000, $0x38;
	[tilespmem:$0x12080] =	vst v63  }
0x7b: {  	_ =	swait.ge [sflag:s9], $0x2000  }
0x7c: {  	[sflag:s9] =	ssyncset.done $0x0  }
0x7d: {  	s23 =	simm.s32 $0x40;
	s10 =	rddreg [dreg:$0x9];
	[sflag:s9] =	ssyncadd.s32 $0xFFFFE000  }
0x7e: {  	[hbm4b:s10+s23] =	stream.indirect.scatter [tilespmem:s0], [sflag:$0x1], $0x80, s2, s23, $0xb8;
	[tilespmem:$0x12080] =	vst v63  }
0x7f: {  	_ =	swait.ge [sflag:s20], $0x2000  }
0x80: {  	[sflag:s20] =	ssyncset.done $0x0  }
0x81: {  	s23 =	rddreg [dreg:$0x6];
	[sflag:s20] =	ssyncadd.s32 $0xFFFFE000  }
0x82: {  	[tilespmem:s2], [sflag:$0x2] =	stream.linear.gather [hbm4b:s23+s2], $0x40, $0x38;
	[tilespmem:$0x12080] =	vst v63  }
0x83: {  	_ =	swait.ge [sflag:s9], $0x40  }
0x84: {  	[sflag:s9] =	ssyncset.done $0x0  }
0x85: {  	s23 =	rddreg [dreg:$0x7];
	[sflag:s9] =	ssyncadd.s32 $0xFFFFFFC0  }
0x86: {  	[tilespmem:s21], [sflag:$0x2] =	stream.linear.gather [hbm4b:s23+s2], $0x10000, $0x38;
	[tilespmem:$0x12080] =	vst v63  }
0x87: {  	_ =	swait.ge [sflag:s9], $0x10000  }
0x88: {  	[sflag:s9] =	ssyncset.done $0x0  }
0x89: {  	[sflag:s9] =	ssyncadd.s32 $0xFFFF0000  }
0x8a: {  	v3 =	vld [tilespmem:$0x0];
	_ =	sdelay $0x4  }
0x8b: {  	v60 =	vshll.u32 v3, $0x3  }
0x8c: {  	v3 =	vand.u32 $0x7, v3;
	v4 =	vand.u32 $0xFFFFFFC0, v60  }
0x8d: {  	v3 =	vor.u32 v3, v4  }
0x8e: {  	v4 =	vperm.xlane v3, v0;
	_ =	sdelay $0x1  }
0x8f: {  	v4 =	vadd.s32 v1, v4;
	_ =	sdelay $0x4  }
0x90: {  	[hbm4b:s3+s2] =	stream.indirect_vreg.scatter [tilespmem:s21], [sflag:$0x1], $0x80, v4, vm0, $0xb8;
	[tilespmem:$0x12080] =	vst v63  }
0x91: {  	v3 =	vperm.xlane v3, v2  }
0x92: {  	[hbm4b:s5+s2] =	stream.indirect_vreg.scatter [tilespmem:s24], [sflag:$0x1], $0x80, v4, vm0, $0xb8;
	[tilespmem:$0x12080] =	vst v63  }
0x93: {  	v3 =	vadd.s32 v1, v3  }
0x94: {  	[hbm4b:s6+s2] =	stream.indirect_vreg.scatter [tilespmem:s25], [sflag:$0x1], $0x80, v4, vm0, $0xb8;
	[tilespmem:$0x12080] =	vst v63  }
0x95: {  	_ = 	snop  }
0x96: {  	[hbm4b:s7+s2] =	stream.indirect_vreg.scatter [tilespmem:s26], [sflag:$0x1], $0x80, v4, vm0, $0xb8;
	[tilespmem:$0x12080] =	vst v63  }
0x97: {  	_ = 	snop  }
0x98: {  	[hbm4b:s3+s2] =	stream.indirect_vreg.scatter [tilespmem:s28], [sflag:$0x1], $0x80, v3, vm0, $0xb8;
	[tilespmem:$0x12080] =	vst v63  }
0x99: {  	_ = 	snop  }
0x9a: {  	[hbm4b:s5+s2] =	stream.indirect_vreg.scatter [tilespmem:s29], [sflag:$0x1], $0x80, v3, vm0, $0xb8;
	[tilespmem:$0x12080] =	vst v63  }
0x9b: {  	_ = 	snop  }
0x9c: {  	[hbm4b:s6+s2] =	stream.indirect_vreg.scatter [tilespmem:s30], [sflag:$0x1], $0x80, v3, vm0, $0xb8;
	[tilespmem:$0x12080] =	vst v63  }
0x9d: {  	_ = 	snop  }
0x9e: {  	[hbm4b:s7+s2] =	stream.indirect_vreg.scatter [tilespmem:s31], [sflag:$0x1], $0x80, v3, vm0, $0xb8;
	[tilespmem:$0x12080] =	vst v63  }
0x9f: {  	v3 =	vld [tilespmem:$0x10];
	_ =	sdelay $0x4  }
0xa0: {  	v61 =	vshll.u32 v3, $0x3  }
0xa1: {  	v3 =	vand.u32 $0x7, v3;
	v4 =	vand.u32 $0xFFFFFFC0, v61  }
0xa2: {  	v3 =	vor.u32 v3, v4  }
0xa3: {  	v4 =	vperm.xlane v3, v0;
	_ =	sdelay $0x1  }
0xa4: {  	v4 =	vadd.s32 v1, v4;
	_ =	sdelay $0x3  }
0xa5: {  	s23 =	simm.s32 $0x4080  }
0xa6: {  	[hbm4b:s3+s2] =	stream.indirect_vreg.scatter [tilespmem:s23], [sflag:$0x1], $0x80, v4, vm0, $0xb8;
	[tilespmem:$0x12080] =	vst v63  }
0xa7: {  	v3 =	vperm.xlane v3, v2  }
0xa8: {  	[hbm4b:s5+s2] =	stream.indirect_vreg.scatter [tilespmem:s1], [sflag:$0x1], $0x80, v4, vm0, $0xb8;
	[tilespmem:$0x12080] =	vst v63  }
0xa9: {  	v3 =	vadd.s32 v1, v3  }
0xaa: {  	[hbm4b:s6+s2] =	stream.indirect_vreg.scatter [tilespmem:s11], [sflag:$0x1], $0x80, v4, vm0, $0xb8;
	[tilespmem:$0x12080] =	vst v63  }
0xab: {  	_ = 	snop  }
0xac: {  	[hbm4b:s7+s2] =	stream.indirect_vreg.scatter [tilespmem:s12], [sflag:$0x1], $0x80, v4, vm0, $0xb8;
	[tilespmem:$0x12080] =	vst v63  }
0xad: {  	_ = 	snop  }
0xae: {  	[hbm4b:s3+s2] =	stream.indirect_vreg.scatter [tilespmem:s13], [sflag:$0x1], $0x80, v3, vm0, $0xb8;
	[tilespmem:$0x12080] =	vst v63  }
0xaf: {  	_ = 	snop  }
0xb0: {  	[hbm4b:s5+s2] =	stream.indirect_vreg.scatter [tilespmem:s14], [sflag:$0x1], $0x80, v3, vm0, $0xb8;
	[tilespmem:$0x12080] =	vst v63  }
0xb1: {  	_ = 	snop  }
0xb2: {  	[hbm4b:s6+s2] =	stream.indirect_vreg.scatter [tilespmem:s15], [sflag:$0x1], $0x80, v3, vm0, $0xb8;
	[tilespmem:$0x12080] =	vst v63  }
0xb3: {  	_ = 	snop  }
0xb4: {  	[hbm4b:s7+s2] =	stream.indirect_vreg.scatter [tilespmem:s16], [sflag:$0x1], $0x80, v3, vm0, $0xb8;
	[tilespmem:$0x12080] =	vst v63  }
0xb5: {  	v3 =	vld [tilespmem:$0x20];
	_ =	sdelay $0x4  }
0xb6: {  	v62 =	vshll.u32 v3, $0x3  }
0xb7: {  	v3 =	vand.u32 $0x7, v3;
	v4 =	vand.u32 $0xFFFFFFC0, v62  }
0xb8: {  	v3 =	vor.u32 v3, v4  }
0xb9: {  	v4 =	vperm.xlane v3, v0;
	_ =	sdelay $0x1  }
0xba: {  	v4 =	vadd.s32 v1, v4;
	_ =	sdelay $0x4  }
0xbb: {  	[hbm4b:s3+s2] =	stream.indirect_vreg.scatter [tilespmem:s17], [sflag:$0x1], $0x80, v4, vm0, $0xb8;
	[tilespmem:$0x12080] =	vst v63  }
0xbc: {  	v3 =	vperm.xlane v3, v2  }
0xbd: {  	[hbm4b:s5+s2] =	stream.indirect_vreg.scatter [tilespmem:s18], [sflag:$0x1], $0x80, v4, vm0, $0xb8;
	[tilespmem:$0x12080] =	vst v63  }
0xbe: {  	v3 =	vadd.s32 v1, v3  }
0xbf: {  	[hbm4b:s6+s2] =	stream.indirect_vreg.scatter [tilespmem:s19], [sflag:$0x1], $0x80, v4, vm0, $0xb8;
	[tilespmem:$0x12080] =	vst v63  }
0xc0: {  	_ = 	snop  }
0xc1: {  	[hbm4b:s7+s2] =	stream.indirect_vreg.scatter [tilespmem:s22], [sflag:$0x1], $0x80, v4, vm0, $0xb8;
	[tilespmem:$0x12080] =	vst v63  }
0xc2: {  	_ = 	snop  }
0xc3: {  	[hbm4b:s3+s2] =	stream.indirect_vreg.scatter [tilespmem:s4], [sflag:$0x1], $0x80, v3, vm0, $0xb8;
	[tilespmem:$0x12080] =	vst v63  }
0xc4: {  	s23 =	simm.s32 $0xA880  }
0xc5: {  	[hbm4b:s5+s2] =	stream.indirect_vreg.scatter [tilespmem:s23], [sflag:$0x1], $0x80, v3, vm0, $0xb8;
	[tilespmem:$0x12080] =	vst v63  }
0xc6: {  	s21 =	simm.s32 $0xB080  }
0xc7: {  	[hbm4b:s6+s2] =	stream.indirect_vreg.scatter [tilespmem:s21], [sflag:$0x1], $0x80, v3, vm0, $0xb8;
	[tilespmem:$0x12080] =	vst v63  }
0xc8: {  	s23 =	simm.s32 $0xB880  }
0xc9: {  	[hbm4b:s7+s2] =	stream.indirect_vreg.scatter [tilespmem:s23], [sflag:$0x1], $0x80, v3, vm0, $0xb8;
	[tilespmem:$0x12080] =	vst v63  }
0xca: {  	v3 =	vld [tilespmem:$0x30];
	_ =	sdelay $0x4  }
0xcb: {  	v63 =	vshll.u32 v3, $0x3  }
0xcc: {  	v3 =	vand.u32 $0x7, v3;
	v4 =	vand.u32 $0xFFFFFFC0, v63  }
0xcd: {  	v3 =	vor.u32 v3, v4  }
0xce: {  	v4 =	vperm.xlane v3, v0;
	_ =	sdelay $0x1  }
0xcf: {  	v4 =	vadd.s32 v1, v4;
	_ =	sdelay $0x3  }
0xd0: {  	s21 =	simm.s32 $0xC080  }
0xd1: {  	[hbm4b:s3+s2] =	stream.indirect_vreg.scatter [tilespmem:s21], [sflag:$0x1], $0x80, v4, vm0, $0xb8;
	[tilespmem:$0x12080] =	vst v63  }
0xd2: {  	s23 =	simm.s32 $0xC880;
	v3 =	vperm.xlane v3, v2  }
0xd3: {  	[hbm4b:s5+s2] =	stream.indirect_vreg.scatter [tilespmem:s23], [sflag:$0x1], $0x80, v4, vm0, $0xb8;
	[tilespmem:$0x12080] =	vst v63  }
0xd4: {  	v3 =	vadd.s32 v1, v3;
	s21 =	simm.s32 $0xD080  }
0xd5: {  	[hbm4b:s6+s2] =	stream.indirect_vreg.scatter [tilespmem:s21], [sflag:$0x1], $0x80, v4, vm0, $0xb8;
	[tilespmem:$0x12080] =	vst v63  }
0xd6: {  	s23 =	simm.s32 $0xD880  }
0xd7: {  	[hbm4b:s7+s2] =	stream.indirect_vreg.scatter [tilespmem:s23], [sflag:$0x1], $0x80, v4, vm0, $0xb8;
	[tilespmem:$0x12080] =	vst v63  }
0xd8: {  	s21 =	simm.s32 $0xE080  }
0xd9: {  	[hbm4b:s3+s2] =	stream.indirect_vreg.scatter [tilespmem:s21], [sflag:$0x1], $0x80, v3, vm0, $0xb8;
	[tilespmem:$0x12080] =	vst v63  }
0xda: {  	s23 =	simm.s32 $0xE880  }
0xdb: {  	[hbm4b:s5+s2] =	stream.indirect_vreg.scatter [tilespmem:s23], [sflag:$0x1], $0x80, v3, vm0, $0xb8;
	[tilespmem:$0x12080] =	vst v63  }
0xdc: {  	s21 =	simm.s32 $0xF080  }
0xdd: {  	[hbm4b:s6+s2] =	stream.indirect_vreg.scatter [tilespmem:s21], [sflag:$0x1], $0x80, v3, vm0, $0xb8;
	[tilespmem:$0x12080] =	vst v63  }
0xde: {  	s23 =	simm.s32 $0xF880  }
0xdf: {  	[hbm4b:s7+s2] =	stream.indirect_vreg.scatter [tilespmem:s23], [sflag:$0x1], $0x80, v3, vm0, $0xb8;
	[tilespmem:$0x12080] =	vst v63  }
0xe0: {  	_ =	swait.ge [sflag:s20], $0x10000  }
0xe1: {  	[sflag:s20] =	ssyncset.done $0x0  }
0xe2: {  	s21 =	rddreg [dreg:$0x8];
	[sflag:s20] =	ssyncadd.s32 $0xFFFF0000  }
0xe3: {  	[tilespmem:s0], [sflag:$0x2] =	stream.linear.gather [hbm4b:s21+s2], $0x2000, $0x38;
	[tilespmem:$0x12080] =	vst v63  }
0xe4: {  	_ =	swait.ge [sflag:s9], $0x2000  }
0xe5: {  	p0 =	sne.s32 s8, $0x1;
	[sflag:s9] =	ssyncset.done $0x0  }
.Ltmp0:
0xe6: {  	s23 =	simm.s32 $0x40;
	[sflag:s9] =	ssyncadd.s32 $0xFFFFE000;
	(pc) =	sbr.rel @p0 .LBB2_1-.Ltmp0, $4  }
0xe7: {  	[hbm4b:s10+s23] =	stream.indirect.scatter [tilespmem:s0], [sflag:$0x1], $0x80, s2, s23, $0xb8;
	[tilespmem:$0x12080] =	vst v63  }
0xe8: {  	_ =	swait.ge [sflag:s20], $0x2000  }
0xe9: {  	[sflag:s20] =	ssyncset.done $0x0  }
0xea: {  	s8 =	sadd.s32 $0xFFFFFFFF, s8;
	[sflag:s20] =	ssyncadd.s32 $0xFFFFE000  }
0xeb: {  	_ =	sfence.sel $0x180000  }
0xec: {  	[bflag:$0x0] =	sbarrier.arrive $0xFFFF  }
0xed: {  	_ =	strace $0x90000047  }
0xee: {  	s0 =	stileid.u32;
	[bflag:$0x2] =	sbarrier.arrive $0xFFFF  }
0xef: {  	p0 =	sne.s32 s0, $0x0;
	s0 =	rddreg [dreg:$0x2]  }
0xf0: {  	s0 =	sadd.s32 @!p0 $0x100000, s0  }
0xf1: {  	[sflag:s0] =	ssyncadd.tile.s32 @!p0 $0x1;
	_ =	shalt  }
.Lfunc_end2:
_tile_overlayer_lowered:
.L_overlay_start_2:
0xf2: {  	(tag) =	ssettag $0x2  }
0xf3: {  	s0 =	rddreg [dreg:$0x0];
	s2 =	stileid.u32  }
0xf4: {  	s1 =	rddreg [dreg:$0x1];
	p0 =	sne.s32 s2, $0x0  }
0xf5: {  	s3 =	rddreg [dreg:$0x2];
	[bflag:$0x3] =	sbarrier.arrive $0xFFFF;
	s2 =	simm.s32 @!p0 $0x1C02  }
0xf6: {  	[timem:s3], [sflag:s2] =	dma.local @!p0 [hbm:s0], s1  }
0xf7: {  	s0 =	simm.s32 @!p0 $0x2  }
0xf8: {  	_ =	swait.ge @!p0 [sflag:s0], s1  }
0xf9: {  	s1 =	ssub.s32 @!p0 $0x0, s1;
	[sflag:s0] =	ssyncset.done @!p0 $0x0  }
0xfa: {  	[sflag:s0] =	ssyncadd.s32 @!p0 s1  }
0xfb: {  	[bflag:$0x3] =	sbarrier.arrive $0xFFFF  }
0xfc: {  	_ =	shalt  }

// kernel: kernel.16.cloned.1.call-start
scs
__scs_entry_jumppad:
0x0: {  	(pc) =	sbr.rel $0x88, $3  }
0x1: {  	(tag) =	ssettag $0x0;
	lr =	simm.s32 $0x1  }
0x2: {  	[smem:$0x3F8D] =	sst lr;
	_ =	strace $0xD0000000  }
0x3: {  	_ = 	snop  }
0x4: {  	_ = 	snop  }
0x5: {  	_ = 	snop  }
0x6: {  	_ = 	snop  }
0x7: {  	_ = 	snop  }
__scs_overlays_trampoline_lowered:
0x8: {  	[smem:$0x3F9C] =	sst s0  }
0x9: {  	[smem:$0x3F9D] =	sst s1  }
0xa: {  	[smem:$0x3F9E] =	sst s2  }
0xb: {  	[smem:$0x3F9F] =	sst s3  }
0xc: {  	[smem:$0x3FA0] =	sst s4  }
0xd: {  	[smem:$0x3FA1] =	sst s5  }
0xe: {  	[smem:$0x3FA2] =	sst s6  }
0xf: {  	[smem:$0x3FA3] =	sst s7  }
0x10: {  	[smem:$0x3FA4] =	sst s8  }
0x11: {  	[smem:$0x3FA5] =	sst s9;
	s0 =	simm.s32 @!p0 $0x0  }
0x12: {  	s1 =	sld [smem:$0x3F8B];
	s0 =	simm.s32 @p0 $0x1  }
0x13: {  	[smem:$0x3FA6] =	sst s0;
	s0 =	simm.s32 @!p1 $0x0  }
0x14: {  	s2 =	sld [smem:$0x3F8A];
	s0 =	simm.s32 @p1 $0x1  }
0x15: {  	[smem:$0x3FA7] =	sst s0;
	s0 =	simm.s32 @!p2 $0x0  }
0x16: {  	s3 =	sld [smem:$0x3FDB];
	s0 =	simm.s32 @p2 $0x1  }
0x17: {  	s4 =	simm.s32 $0x1BF5;
	[smem:$0x3FA9] =	sst s0  }
0x18: {  	s0 =	sld [smem:$0x3F8C];
	_ =	swait.ge [sflag:s4], $0x0  }
0x19: {  	s7 =	sld [smem:$0x3F8D]  }
0x1a: {  	s8 =	sadd.s32 $0xFFFFE003, lr  }
0x1b: {  	s9 =	sadd.s32 $0xFFFFFEF7, lr;
	s5 =	simm.s32 $0xFFFFFFFF;
	p2 =	slt.u32 s8, $0xFFFFF086  }
0x1c: {  	p1 =	slt.u32 s9, $0xF7A;
	s5 =	simm.s32 @!p2 $0x0  }
0x1d: {  	s5 =	simm.s32 @p1 $0x1;
	p0 =	seq.s32 s7, s2  }
0x1e: {  	s7 =	smul.u32 @!p0 $0xF7A, s2;
	p2 =	seq.s32 @!p0 s5, $0x0  }
0x1f: {  	s9 =	smul.u32 $0xF7A, s1;
	s8 =	simm.s32 @!p0 $0x1BF5;
	p2 =	por !p2, p0  }
0x20: {  	[sflag:s8] =	ssyncset.s32 @!p0 $0xFFFFF086;
	s6 =	sadd.s32 @!p0 s3, s7;
	s7 =	simm.s32 @!p0 $0x108  }
0x21: {  	s3 =	sadd.s32 s3, s9;
	s6 =	sadd.s32 @!p0 $0x88, s6;
	s7 =	simm.s32 @p2 $0x1082  }
0x22: {  	[simem:s7], [sflag:s8] =	dma.local @!p0 [hbm:s6], $0xF7A  }
0x23: {  	s9 =	sor.u32 $0xD0000000, s2;
	s6 =	simm.s32 $0x108;
	_ =	swait.ge @!p0 [sflag:s8], $0x0  }
0x24: {  	s3 =	sadd.s32 $0x88, s3;
	s6 =	simm.s32 @!p1 $0x1082;
	[sflag:s4] =	ssyncset.s32 $0xFFFFF086  }
0x25: {  	[simem:s6], [sflag:s4] =	dma.local [hbm:s3], $0xF7A  }
0x26: {  	[smem:$0x3F8D] =	sst s1;
	(tag) =	ssettag s2;
	_ =	strace s9  }
0x27: {  	s1 =	sld [smem:$0x3F9D]  }
0x28: {  	s2 =	sld [smem:$0x3F9E]  }
0x29: {  	s4 =	sld [smem:$0x3FA0]  }
0x2a: {  	p0 =	seq.s32 s5, $0x0;
	s5 =	sld [smem:$0x3FA1]  }
0x2b: {  	s6 =	sld [smem:$0x3FA2]  }
0x2c: {  	s7 =	sld [smem:$0x3FA3]  }
0x2d: {  	s3 =	simm.s32 $0x108;
	s8 =	sld [smem:$0x3FA4]  }
0x2e: {  	s3 =	simm.s32 @!p0 $0x1082;
	s9 =	sld [smem:$0x3FA5]  }
0x2f: {  	lr =	sadd.s32 s0, s3;
	s0 =	sld [smem:$0x3F9C]  }
0x30: {  	s3 =	sld [smem:$0x3F9F]  }
0x31: {  	[smem:$0x3FA8] =	sst s10  }
0x32: {  	s10 =	sld [smem:$0x3FA6];
	_ =	sdelay $0x3  }
0x33: {  	p0 =	seq.s32 s10, $0x1;
	s10 =	sld [smem:$0x3FA8];
	_ =	sdelay $0x3  }
0x34: {  	[smem:$0x3FA8] =	sst s10  }
0x35: {  	s10 =	sld [smem:$0x3FA7];
	_ =	sdelay $0x3  }
0x36: {  	p1 =	seq.s32 s10, $0x1;
	s10 =	sld [smem:$0x3FA8];
	_ =	sdelay $0x3  }
0x37: {  	[smem:$0x3FA8] =	sst s10  }
0x38: {  	s10 =	sld [smem:$0x3FA9]  }
0x39: {  	_ = 	snop;
	(pc) =	sbr.ind lr, $3  }
0x3a: {  	_ = 	snop  }
0x3b: {  	_ = 	snop  }
0x3c: {  	p2 =	seq.s32 s10, $0x1;
	s10 =	sld [smem:$0x3FA8]  }
0x3d: {  	_ =	shalt  }
0x3e: {  	_ =	shalt  }
0x3f: {  	_ =	shalt  }
0x40: {  	_ =	shalt  }
0x41: {  	_ =	shalt  }
0x42: {  	_ =	shalt  }
0x43: {  	_ =	shalt  }
0x44: {  	_ =	shalt  }
0x45: {  	_ =	shalt  }
0x46: {  	_ =	shalt  }
0x47: {  	_ =	shalt  }
0x48: {  	_ =	shalt  }
0x49: {  	_ =	shalt  }
0x4a: {  	_ =	shalt  }
0x4b: {  	_ =	shalt  }
0x4c: {  	_ =	shalt  }
0x4d: {  	_ =	shalt  }
0x4e: {  	_ =	shalt  }
0x4f: {  	_ =	shalt  }
0x50: {  	_ =	shalt  }
0x51: {  	_ =	shalt  }
0x52: {  	_ =	shalt  }
0x53: {  	_ =	shalt  }
0x54: {  	_ =	shalt  }
0x55: {  	_ =	shalt  }
0x56: {  	_ =	shalt  }
0x57: {  	_ =	shalt  }
0x58: {  	_ =	shalt  }
0x59: {  	_ =	shalt  }
0x5a: {  	_ =	shalt  }
0x5b: {  	_ =	shalt  }
0x5c: {  	_ =	shalt  }
0x5d: {  	_ =	shalt  }
0x5e: {  	_ =	shalt  }
0x5f: {  	_ =	shalt  }
0x60: {  	_ =	shalt  }
0x61: {  	_ =	shalt  }
0x62: {  	_ =	shalt  }
0x63: {  	_ =	shalt  }
0x64: {  	_ =	shalt  }
0x65: {  	_ =	shalt  }
0x66: {  	_ =	shalt  }
0x67: {  	_ =	shalt  }
0x68: {  	_ =	shalt  }
0x69: {  	_ =	shalt  }
0x6a: {  	_ =	shalt  }
0x6b: {  	_ =	shalt  }
0x6c: {  	_ =	shalt  }
0x6d: {  	_ =	shalt  }
0x6e: {  	_ =	shalt  }
0x6f: {  	_ =	shalt  }
0x70: {  	_ =	shalt  }
0x71: {  	_ =	shalt  }
0x72: {  	_ =	shalt  }
0x73: {  	_ =	shalt  }
0x74: {  	_ =	shalt  }
0x75: {  	_ =	shalt  }
0x76: {  	_ =	shalt  }
0x77: {  	_ =	shalt  }
0x78: {  	_ =	shalt  }
0x79: {  	_ =	shalt  }
0x7a: {  	_ =	shalt  }
0x7b: {  	_ =	shalt  }
0x7c: {  	_ =	shalt  }
0x7d: {  	_ =	shalt  }
0x7e: {  	_ =	shalt  }
0x7f: {  	_ =	shalt  }
0x80: {  	_ =	shalt  }
0x81: {  	_ =	shalt  }
0x82: {  	_ =	shalt  }
0x83: {  	_ =	shalt  }
0x84: {  	_ =	shalt  }
0x85: {  	_ =	shalt  }
0x86: {  	_ =	shalt  }
0x87: {  	_ =	shalt  }
.Lfunc_end0:
.L_simem_size_0:
called_computation.1_lowered:
.L_overlay_start_0:
0x88: {  	s2 =	sld [smem:$0x3FD9]  }
0x89: {  	s3 =	sld [smem:$0x3FFE];
	_ =	sdelay $0x1  }
0x8a: {  	s1 =	srdreg.scid  }
0x8b: {  	s0 =	sand.u32 $0x1, s1  }
0x8c: {  	s16 =	sshll.u32 s0, $0xA;
	s2 =	sadd.s32 s3, s2  }
0x8d: {  	s2 =	sadd.s32 s2, s16  }
0x8e: {  	[smem:$0x3FB4] =	sst s2  }
0x8f: {  	_ = 	snop  }
0x90: {  	(tm) =	ssettm $0x1  }
0x91: {  	s17 =	sld [smem:$0x3FFB];
	_ =	sdelay $0x3  }
0x92: {  	_ =	strace s17  }
0x93: {  	s2 =	sld [smem:$0x3FFC];
	_ =	sdelay $0x3  }
0x94: {  	_ =	strace s2  }
0x95: {  	s2 =	sld [smem:$0x3FFD];
	_ =	sdelay $0x3  }
0x96: {  	_ =	strace s2  }
0x97: {  	_ =	strace $0x8FFFFFFF  }
0x98: {  	s18 =	sld [smem:$0x3FDB];
	_ =	sdelay $0x1  }
0x99: {  	s19 =	simm.s32 $_scs_section_size  }
0x9a: {  	s4 =	simm.s32 $_size__tile_overlayer_lowered;
	s5 =	simm.s32 $_tile_overlayer_lowered  }
0x9b: {  	s22 =	simm.s32 $0x1BFF;
	s21 =	sshll.u32 s5, $0x1;
	s2 =	sadd.s32 s19, s18  }
0x9c: {  	s6 =	simm.s32 $0x0;
	s20 =	sshll.u32 s4, $0x1;
	s4 =	sadd.s32 s21, s2  }
0x9d: {  	[timem:s6], [sflag:s22] =	dma.local [hbm:s4], s20  }
0x9e: {  	_ =	swait.ge [sflag:s22], s20  }
0x9f: {  	s3 =	ssub.s32 $0x0, s20;
	[sflag:s22] =	ssyncset.done $0x0  }
0xa0: {  	[sflag:s22] =	ssyncadd.s32 s3;
	_ =	sdelay $0x1  }
0xa1: {  	s23 =	simm.s32 $0x1B8B  }
0xa2: {  	_ =	swait.ge [sflag:s23], $0x1  }
0xa3: {  	[sflag:s23] =	ssyncset.done $0x0  }
0xa4: {  	s25 =	simm.s32 $0x1B8E;
	s24 =	sld [smem:$0x3FFE];
	[sflag:s23] =	ssyncadd.s32 $0xFFFFFFFF  }
0xa5: {  	s26 =	simm.s32 $execute0_lowered;
	[smem:$0x3FD2] =	sst s25  }
0xa6: {  	s4 =	sshll.u32 s26, $0x1;
	_ =	strace $0x80000049;
	[dreg:$0x1] =	wrdreg $0xFFFFFFFF  }
0xa7: {  	s28 =	simm.s32 $_size_execute0_lowered;
	s2 =	sadd.s32 s2, s4;
	[dreg:$0x0] =	wrdreg $0x0  }
0xa8: {  	s4 =	sshll.u32 s28, $0x1;
	[dreg:$0x2] =	wrdreg s2  }
0xa9: {  	[dreg:$0x3] =	wrdreg s4  }
0xaa: {  	[dreg:$0x4] =	wrdreg $0xC0  }
0xab: {  	_ =	task [dreg:s6], $0x5FFFF  }
0xac: {  	[dreg:$0x1] =	wrdreg $0xFFFFFFFF  }
0xad: {  	[dreg:$0x0] =	wrdreg $0x60  }
0xae: {  	[dreg:$0x2] =	wrdreg s24  }
0xaf: {  	[dreg:$0x3] =	wrdreg $0x9  }
0xb0: {  	_ =	task.clear_ibuf [dreg:s6], $0x4FFFF;
	_ =	strace $0x90000049  }
0xb1: {  	s29 =	simm.s32 $0x9;
	_ =	strace $0x8000004B  }
0xb2: {  	_ =	swait.ge [sflag:s29], $0x1  }
0xb3: {  	[sflag:s29] =	ssyncadd.s32 $0xFFFFFFFF  }
0xb4: {  	_ =	strace $0x9000004B  }
0xb5: {  	_ =	sfence  }
0xb6: {  	s30 =	sld [smem:$0x0];
	_ =	sdelay $0x2  }
0xb7: {  	s31 =	sshll.u32 s1, $0xD;
	s1 =	sshrl.u32 s1, $0x2  }
0xb8: {  	s3 =	sand.u32 $0x4000, s31;
	s1 =	sadd.s32 s1, s30  }
0xb9: {  	s0 =	sor.u32 s3, s0;
	s1 =	sshll.u32 s1, $0x11  }
0xba: {  	s0 =	sor.u32 s1, s0  }
0xbb: {  	s0 =	sadd.s32 $0x8F2B, s0  }
0xbc: {  	[sflag:s0] =	ssyncadd.remote.s32 $0x1  }
0xbd: {  	_ =	sfence.sel $0xFFFF  }
0xbe: {  	[dreg:$0x0] =	wrdreg $0xFFFFFFFF;
	(pc) =	sbr.abs _section_cstart, $3  }
0xbf: {  	[dreg:$0x1] =	wrdreg $0xFFFFFFFF  }
0xc0: {  	_ =	task.clear_ibuf [dreg:s6], $0x2FFFF;
	_ =	strace $0x9FFFFFFF  }
0xc1: {  	(tm) =	ssettm $0x7FFFFFFF  }
tec
execute0_lowered:
.L_overlay_start_1:
0x0: {  	(tag) =	ssettag $0x1  }
0x1: {  	s0 =	rddreg [dreg:$0x0];
	s1 =	srdreg.scid  }
0x2: {  	s2 =	simm.s32 $0x0;
	s3 =	stileid.u32;
	s18 =	simm.s32 $0x1  }
0x3: {  	s20 =	simm.s32 $0x880;
	s21 =	simm.s32 $0x1080;
	s22 =	simm.s32 $0x1880  }
0x4: {  	s23 =	simm.s32 $0x2080;
	s28 =	simm.s32 $0x4080;
	s29 =	simm.s32 $0x4880  }
0x5: {  	s30 =	simm.s32 $0x5080;
	s31 =	simm.s32 $0x5880;
	s11 =	simm.s32 $0x7880  }
0x6: {  	s12 =	simm.s32 $0x8080;
	s13 =	simm.s32 $0x8880;
	s14 =	simm.s32 $0x9080  }
0x7: {  	s15 =	simm.s32 $0x9880;
	s16 =	simm.s32 $0xA080;
	s17 =	simm.s32 $0xA880  }
0x8: {  	s1 =	sand.u32 $0x1, s1;
	[smem:$0x7FF] =	sst s2;
	s3 =	sshll.u32 s3, $0x8  }
0x9: {  	s6 =	sadd.s32 $0x45600, s0;
	s8 =	sadd.s32 $0x45800, s0;
	s4 =	sshll.u32 s1, $0x7  }
0xa: {  	_ =	strace $0x8000004A;
	s1 =	ssub.s32 $0x2, s1;
	s5 =	sor.u32 s4, s3  }
0xb: {  	s3 =	sadd.s32 $0x12E400, s0;
	s7 =	sshrl.u32 s1, $0x1;
	s4 =	sshrl.u32 s5, $0x3  }
0xc: {  	s1 =	ssub.s32 s1, s7;
	s24 =	sshll.u32 s5, $0x7;
	s9 =	sor.u32 $0x40, s5  }
0xd: {  	s5 =	sadd.s32 $0x12E600, s0;
	s4 =	sadd.s32 s6, s4;
	s7 =	sadd.s32 s8, s24  }
0xe: {  	s10 =	sshrl.u32 s9, $0x3;
	s9 =	sshll.u32 s9, $0x7;
	[dreg:$0x2] =	wrdreg s4  }
0xf: {  	s24 =	simm.s32 $0x2880;
	s4 =	sadd.s32 $0x12E500, s0;
	[dreg:$0x3] =	wrdreg s7  }
0x10: {  	s25 =	sadd.s32 s6, s10;
	s6 =	sadd.s32 $0x12E700, s0;
	s26 =	sadd.s32 s8, s9  }
0x11: {  	v2 =	vlaneseq.u32;
	s7 =	smax.u32 s1, $0x1;
	s8 =	simm.s32 $0x2;
	s0 =	simm.s32 $0x80  }
0x12: {  	vm0 =	vmmov $0xffff;
	v1 =	vshrl.u32 v2, $0x3;
	s10 =	simm.s32 $0x7080;
	s9 =	simm.s32 $0xB080;
	[dreg:$0x4] =	wrdreg s25  }
0x13: {  	v0 =	vand.u32 $0x7, v2;
	v2 =	vor.u32 $0x8, v2;
	v1 =	vmul.u32 $0x8, v1;
	[dreg:$0x5] =	wrdreg s26;
	s25 =	simm.s32 $0x3080;
	s26 =	simm.s32 $0x3880  }
.LBB2_1:
0x14: {  	s19 =	rddreg [dreg:$0x2]  }
0x15: {  	[tilespmem:s2], [sflag:$0x2] =	stream.linear.gather [hbm4b:s19+s2], $0x40, $0x38;
	[tilespmem:$0x10080] =	vst v63  }
0x16: {  	_ =	swait.ge [sflag:s8], $0x40  }
0x17: {  	[sflag:s8] =	ssyncset.done $0x0  }
0x18: {  	[sflag:s8] =	ssyncadd.s32 $0xFFFFFFC0  }
0x19: {  	v3 =	vld [tilespmem:$0x0];
	_ =	sdelay $0x4  }
0x1a: {  	v4 =	vshll.u32 v3, $0x3  }
0x1b: {  	v3 =	vand.u32 $0x7, v3;
	v4 =	vand.u32 $0xFFFFFFC0, v4  }
0x1c: {  	v3 =	vor.u32 v3, v4  }
0x1d: {  	v4 =	vperm.xlane v3, v0;
	_ =	sdelay $0x1  }
0x1e: {  	v4 =	vadd.s32 v1, v4;
	_ =	sdelay $0x4  }
0x1f: {  	[tilespmem:s0], [sflag:$0x1] =	stream.indirect_vreg.gather [hbm4b:s3+s2], $0x80, v4, vm0, $0xb8;
	[tilespmem:$0x10080] =	vst v63  }
0x20: {  	v3 =	vperm.xlane v3, v2  }
0x21: {  	[tilespmem:s20], [sflag:$0x1] =	stream.indirect_vreg.gather [hbm4b:s4+s2], $0x80, v4, vm0, $0xb8;
	[tilespmem:$0x10080] =	vst v63  }
0x22: {  	v3 =	vadd.s32 v1, v3  }
0x23: {  	[tilespmem:s21], [sflag:$0x1] =	stream.indirect_vreg.gather [hbm4b:s5+s2], $0x80, v4, vm0, $0xb8;
	[tilespmem:$0x10080] =	vst v63  }
0x24: {  	_ = 	snop  }
0x25: {  	[tilespmem:s22], [sflag:$0x1] =	stream.indirect_vreg.gather [hbm4b:s6+s2], $0x80, v4, vm0, $0xb8;
	[tilespmem:$0x10080] =	vst v63  }
0x26: {  	_ = 	snop  }
0x27: {  	[tilespmem:s23], [sflag:$0x1] =	stream.indirect_vreg.gather [hbm4b:s3+s2], $0x80, v3, vm0, $0xb8;
	[tilespmem:$0x10080] =	vst v63  }
0x28: {  	_ = 	snop  }
0x29: {  	[tilespmem:s24], [sflag:$0x1] =	stream.indirect_vreg.gather [hbm4b:s4+s2], $0x80, v3, vm0, $0xb8;
	[tilespmem:$0x10080] =	vst v63  }
0x2a: {  	_ = 	snop  }
0x2b: {  	[tilespmem:s25], [sflag:$0x1] =	stream.indirect_vreg.gather [hbm4b:s5+s2], $0x80, v3, vm0, $0xb8;
	[tilespmem:$0x10080] =	vst v63  }
0x2c: {  	_ = 	snop  }
0x2d: {  	[tilespmem:s26], [sflag:$0x1] =	stream.indirect_vreg.gather [hbm4b:s6+s2], $0x80, v3, vm0, $0xb8;
	[tilespmem:$0x10080] =	vst v63  }
0x2e: {  	v3 =	vld [tilespmem:$0x10];
	_ =	sdelay $0x4  }
0x2f: {  	v57 =	vshll.u32 v3, $0x3  }
0x30: {  	v3 =	vand.u32 $0x7, v3;
	v4 =	vand.u32 $0xFFFFFFC0, v57  }
0x31: {  	v3 =	vor.u32 v3, v4  }
0x32: {  	v4 =	vperm.xlane v3, v0;
	_ =	sdelay $0x1  }
0x33: {  	v4 =	vadd.s32 v1, v4;
	_ =	sdelay $0x4  }
0x34: {  	[tilespmem:s28], [sflag:$0x1] =	stream.indirect_vreg.gather [hbm4b:s3+s2], $0x80, v4, vm0, $0xb8;
	[tilespmem:$0x10080] =	vst v63  }
0x35: {  	v3 =	vperm.xlane v3, v2  }
0x36: {  	[tilespmem:s29], [sflag:$0x1] =	stream.indirect_vreg.gather [hbm4b:s4+s2], $0x80, v4, vm0, $0xb8;
	[tilespmem:$0x10080] =	vst v63  }
0x37: {  	v3 =	vadd.s32 v1, v3  }
0x38: {  	[tilespmem:s30], [sflag:$0x1] =	stream.indirect_vreg.gather [hbm4b:s5+s2], $0x80, v4, vm0, $0xb8;
	[tilespmem:$0x10080] =	vst v63  }
0x39: {  	_ = 	snop  }
0x3a: {  	[tilespmem:s31], [sflag:$0x1] =	stream.indirect_vreg.gather [hbm4b:s6+s2], $0x80, v4, vm0, $0xb8;
	[tilespmem:$0x10080] =	vst v63  }
0x3b: {  	s1 =	simm.s32 $0x6080  }
0x3c: {  	[tilespmem:s1], [sflag:$0x1] =	stream.indirect_vreg.gather [hbm4b:s3+s2], $0x80, v3, vm0, $0xb8;
	[tilespmem:$0x10080] =	vst v63  }
0x3d: {  	s1 =	simm.s32 $0x6880  }
0x3e: {  	[tilespmem:s1], [sflag:$0x1] =	stream.indirect_vreg.gather [hbm4b:s4+s2], $0x80, v3, vm0, $0xb8;
	[tilespmem:$0x10080] =	vst v63  }
0x3f: {  	_ = 	snop  }
0x40: {  	[tilespmem:s10], [sflag:$0x1] =	stream.indirect_vreg.gather [hbm4b:s5+s2], $0x80, v3, vm0, $0xb8;
	[tilespmem:$0x10080] =	vst v63  }
0x41: {  	_ = 	snop  }
0x42: {  	[tilespmem:s11], [sflag:$0x1] =	stream.indirect_vreg.gather [hbm4b:s6+s2], $0x80, v3, vm0, $0xb8;
	[tilespmem:$0x10080] =	vst v63  }
0x43: {  	v3 =	vld [tilespmem:$0x20];
	_ =	sdelay $0x4  }
0x44: {  	v58 =	vshll.u32 v3, $0x3  }
0x45: {  	v3 =	vand.u32 $0x7, v3;
	v4 =	vand.u32 $0xFFFFFFC0, v58  }
0x46: {  	v3 =	vor.u32 v3, v4  }
0x47: {  	v4 =	vperm.xlane v3, v0;
	_ =	sdelay $0x1  }
0x48: {  	v4 =	vadd.s32 v1, v4;
	_ =	sdelay $0x4  }
0x49: {  	[tilespmem:s12], [sflag:$0x1] =	stream.indirect_vreg.gather [hbm4b:s3+s2], $0x80, v4, vm0, $0xb8;
	[tilespmem:$0x10080] =	vst v63  }
0x4a: {  	v3 =	vperm.xlane v3, v2  }
0x4b: {  	[tilespmem:s13], [sflag:$0x1] =	stream.indirect_vreg.gather [hbm4b:s4+s2], $0x80, v4, vm0, $0xb8;
	[tilespmem:$0x10080] =	vst v63  }
0x4c: {  	v3 =	vadd.s32 v1, v3  }
0x4d: {  	[tilespmem:s14], [sflag:$0x1] =	stream.indirect_vreg.gather [hbm4b:s5+s2], $0x80, v4, vm0, $0xb8;
	[tilespmem:$0x10080] =	vst v63  }
0x4e: {  	_ = 	snop  }
0x4f: {  	[tilespmem:s15], [sflag:$0x1] =	stream.indirect_vreg.gather [hbm4b:s6+s2], $0x80, v4, vm0, $0xb8;
	[tilespmem:$0x10080] =	vst v63  }
0x50: {  	_ = 	snop  }
0x51: {  	[tilespmem:s16], [sflag:$0x1] =	stream.indirect_vreg.gather [hbm4b:s3+s2], $0x80, v3, vm0, $0xb8;
	[tilespmem:$0x10080] =	vst v63  }
0x52: {  	_ = 	snop  }
0x53: {  	[tilespmem:s17], [sflag:$0x1] =	stream.indirect_vreg.gather [hbm4b:s4+s2], $0x80, v3, vm0, $0xb8;
	[tilespmem:$0x10080] =	vst v63  }
0x54: {  	_ = 	snop  }
0x55: {  	[tilespmem:s9], [sflag:$0x1] =	stream.indirect_vreg.gather [hbm4b:s5+s2], $0x80, v3, vm0, $0xb8;
	[tilespmem:$0x10080] =	vst v63  }
0x56: {  	s19 =	simm.s32 $0xB880  }
0x57: {  	[tilespmem:s19], [sflag:$0x1] =	stream.indirect_vreg.gather [hbm4b:s6+s2], $0x80, v3, vm0, $0xb8;
	[tilespmem:$0x10080] =	vst v63  }
0x58: {  	v3 =	vld [tilespmem:$0x30];
	_ =	sdelay $0x4  }
0x59: {  	v59 =	vshll.u32 v3, $0x3  }
0x5a: {  	v3 =	vand.u32 $0x7, v3;
	v4 =	vand.u32 $0xFFFFFFC0, v59  }
0x5b: {  	v3 =	vor.u32 v3, v4  }
0x5c: {  	v4 =	vperm.xlane v3, v0;
	_ =	sdelay $0x1  }
0x5d: {  	v4 =	vadd.s32 v1, v4;
	_ =	sdelay $0x3  }
0x5e: {  	s19 =	simm.s32 $0xC080  }
0x5f: {  	[tilespmem:s19], [sflag:$0x1] =	stream.indirect_vreg.gather [hbm4b:s3+s2], $0x80, v4, vm0, $0xb8;
	[tilespmem:$0x10080] =	vst v63  }
0x60: {  	v3 =	vperm.xlane v3, v2;
	s19 =	simm.s32 $0xC880  }
0x61: {  	[tilespmem:s19], [sflag:$0x1] =	stream.indirect_vreg.gather [hbm4b:s4+s2], $0x80, v4, vm0, $0xb8;
	[tilespmem:$0x10080] =	vst v63  }
0x62: {  	v3 =	vadd.s32 v1, v3;
	s19 =	simm.s32 $0xD080  }
0x63: {  	[tilespmem:s19], [sflag:$0x1] =	stream.indirect_vreg.gather [hbm4b:s5+s2], $0x80, v4, vm0, $0xb8;
	[tilespmem:$0x10080] =	vst v63  }
0x64: {  	s19 =	simm.s32 $0xD880  }
0x65: {  	[tilespmem:s19], [sflag:$0x1] =	stream.indirect_vreg.gather [hbm4b:s6+s2], $0x80, v4, vm0, $0xb8;
	[tilespmem:$0x10080] =	vst v63  }
0x66: {  	s19 =	simm.s32 $0xE080  }
0x67: {  	[tilespmem:s19], [sflag:$0x1] =	stream.indirect_vreg.gather [hbm4b:s3+s2], $0x80, v3, vm0, $0xb8;
	[tilespmem:$0x10080] =	vst v63  }
0x68: {  	s19 =	simm.s32 $0xE880  }
0x69: {  	[tilespmem:s19], [sflag:$0x1] =	stream.indirect_vreg.gather [hbm4b:s4+s2], $0x80, v3, vm0, $0xb8;
	[tilespmem:$0x10080] =	vst v63  }
0x6a: {  	s19 =	simm.s32 $0xF080  }
0x6b: {  	[tilespmem:s19], [sflag:$0x1] =	stream.indirect_vreg.gather [hbm4b:s5+s2], $0x80, v3, vm0, $0xb8;
	[tilespmem:$0x10080] =	vst v63  }
0x6c: {  	s19 =	simm.s32 $0xF880  }
0x6d: {  	[tilespmem:s19], [sflag:$0x1] =	stream.indirect_vreg.gather [hbm4b:s6+s2], $0x80, v3, vm0, $0xb8;
	[tilespmem:$0x10080] =	vst v63  }
0x6e: {  	_ =	swait.ge [sflag:s18], $0x10000  }
0x6f: {  	[sflag:s18] =	ssyncset.done $0x0  }
0x70: {  	s19 =	rddreg [dreg:$0x3];
	[sflag:s18] =	ssyncadd.s32 $0xFFFF0000  }
0x71: {  	[hbm4b:s19+s2] =	stream.linear.scatter [tilespmem:s0], [sflag:$0x2], $0x10000, $0x38;
	[tilespmem:$0x10080] =	vst v63  }
0x72: {  	_ =	swait.ge [sflag:s8], $0x10000  }
0x73: {  	[sflag:s8] =	ssyncset.done $0x0  }
0x74: {  	s19 =	rddreg [dreg:$0x4];
	[sflag:s8] =	ssyncadd.s32 $0xFFFF0000  }
0x75: {  	[tilespmem:s2], [sflag:$0x2] =	stream.linear.gather [hbm4b:s19+s2], $0x40, $0x38;
	[tilespmem:$0x10080] =	vst v63  }
0x76: {  	_ =	swait.ge [sflag:s8], $0x40  }
0x77: {  	[sflag:s8] =	ssyncset.done $0x0  }
0x78: {  	[sflag:s8] =	ssyncadd.s32 $0xFFFFFFC0  }
0x79: {  	v3 =	vld [tilespmem:$0x0];
	_ =	sdelay $0x4  }
0x7a: {  	v60 =	vshll.u32 v3, $0x3  }
0x7b: {  	v3 =	vand.u32 $0x7, v3;
	v4 =	vand.u32 $0xFFFFFFC0, v60  }
0x7c: {  	v3 =	vor.u32 v3, v4  }
0x7d: {  	v4 =	vperm.xlane v3, v0;
	_ =	sdelay $0x1  }
0x7e: {  	v4 =	vadd.s32 v1, v4;
	_ =	sdelay $0x4  }
0x7f: {  	[tilespmem:s0], [sflag:$0x1] =	stream.indirect_vreg.gather [hbm4b:s3+s2], $0x80, v4, vm0, $0xb8;
	[tilespmem:$0x10080] =	vst v63  }
0x80: {  	v3 =	vperm.xlane v3, v2  }
0x81: {  	[tilespmem:s20], [sflag:$0x1] =	stream.indirect_vreg.gather [hbm4b:s4+s2], $0x80, v4, vm0, $0xb8;
	[tilespmem:$0x10080] =	vst v63  }
0x82: {  	v3 =	vadd.s32 v1, v3  }
0x83: {  	[tilespmem:s21], [sflag:$0x1] =	stream.indirect_vreg.gather [hbm4b:s5+s2], $0x80, v4, vm0, $0xb8;
	[tilespmem:$0x10080] =	vst v63  }
0x84: {  	_ = 	snop  }
0x85: {  	[tilespmem:s22], [sflag:$0x1] =	stream.indirect_vreg.gather [hbm4b:s6+s2], $0x80, v4, vm0, $0xb8;
	[tilespmem:$0x10080] =	vst v63  }
0x86: {  	_ = 	snop  }
0x87: {  	[tilespmem:s23], [sflag:$0x1] =	stream.indirect_vreg.gather [hbm4b:s3+s2], $0x80, v3, vm0, $0xb8;
	[tilespmem:$0x10080] =	vst v63  }
0x88: {  	_ = 	snop  }
0x89: {  	[tilespmem:s24], [sflag:$0x1] =	stream.indirect_vreg.gather [hbm4b:s4+s2], $0x80, v3, vm0, $0xb8;
	[tilespmem:$0x10080] =	vst v63  }
0x8a: {  	_ = 	snop  }
0x8b: {  	[tilespmem:s25], [sflag:$0x1] =	stream.indirect_vreg.gather [hbm4b:s5+s2], $0x80, v3, vm0, $0xb8;
	[tilespmem:$0x10080] =	vst v63  }
0x8c: {  	_ = 	snop  }
0x8d: {  	[tilespmem:s26], [sflag:$0x1] =	stream.indirect_vreg.gather [hbm4b:s6+s2], $0x80, v3, vm0, $0xb8;
	[tilespmem:$0x10080] =	vst v63  }
0x8e: {  	v3 =	vld [tilespmem:$0x10];
	_ =	sdelay $0x4  }
0x8f: {  	v61 =	vshll.u32 v3, $0x3  }
0x90: {  	v3 =	vand.u32 $0x7, v3;
	v4 =	vand.u32 $0xFFFFFFC0, v61  }
0x91: {  	v3 =	vor.u32 v3, v4  }
0x92: {  	v4 =	vperm.xlane v3, v0;
	_ =	sdelay $0x1  }
0x93: {  	v4 =	vadd.s32 v1, v4;
	_ =	sdelay $0x4  }
0x94: {  	[tilespmem:s28], [sflag:$0x1] =	stream.indirect_vreg.gather [hbm4b:s3+s2], $0x80, v4, vm0, $0xb8;
	[tilespmem:$0x10080] =	vst v63  }
0x95: {  	v3 =	vperm.xlane v3, v2  }
0x96: {  	[tilespmem:s29], [sflag:$0x1] =	stream.indirect_vreg.gather [hbm4b:s4+s2], $0x80, v4, vm0, $0xb8;
	[tilespmem:$0x10080] =	vst v63  }
0x97: {  	v3 =	vadd.s32 v1, v3  }
0x98: {  	[tilespmem:s30], [sflag:$0x1] =	stream.indirect_vreg.gather [hbm4b:s5+s2], $0x80, v4, vm0, $0xb8;
	[tilespmem:$0x10080] =	vst v63  }
0x99: {  	_ = 	snop  }
0x9a: {  	[tilespmem:s31], [sflag:$0x1] =	stream.indirect_vreg.gather [hbm4b:s6+s2], $0x80, v4, vm0, $0xb8;
	[tilespmem:$0x10080] =	vst v63  }
0x9b: {  	s19 =	simm.s32 $0x6080  }
0x9c: {  	[tilespmem:s19], [sflag:$0x1] =	stream.indirect_vreg.gather [hbm4b:s3+s2], $0x80, v3, vm0, $0xb8;
	[tilespmem:$0x10080] =	vst v63  }
0x9d: {  	_ = 	snop  }
0x9e: {  	[tilespmem:s1], [sflag:$0x1] =	stream.indirect_vreg.gather [hbm4b:s4+s2], $0x80, v3, vm0, $0xb8;
	[tilespmem:$0x10080] =	vst v63  }
0x9f: {  	_ = 	snop  }
0xa0: {  	[tilespmem:s10], [sflag:$0x1] =	stream.indirect_vreg.gather [hbm4b:s5+s2], $0x80, v3, vm0, $0xb8;
	[tilespmem:$0x10080] =	vst v63  }
0xa1: {  	_ = 	snop  }
0xa2: {  	[tilespmem:s11], [sflag:$0x1] =	stream.indirect_vreg.gather [hbm4b:s6+s2], $0x80, v3, vm0, $0xb8;
	[tilespmem:$0x10080] =	vst v63  }
0xa3: {  	v3 =	vld [tilespmem:$0x20];
	_ =	sdelay $0x4  }
0xa4: {  	v62 =	vshll.u32 v3, $0x3  }
0xa5: {  	v3 =	vand.u32 $0x7, v3;
	v4 =	vand.u32 $0xFFFFFFC0, v62  }
0xa6: {  	v3 =	vor.u32 v3, v4  }
0xa7: {  	v4 =	vperm.xlane v3, v0;
	_ =	sdelay $0x1  }
0xa8: {  	v4 =	vadd.s32 v1, v4;
	_ =	sdelay $0x4  }
0xa9: {  	[tilespmem:s12], [sflag:$0x1] =	stream.indirect_vreg.gather [hbm4b:s3+s2], $0x80, v4, vm0, $0xb8;
	[tilespmem:$0x10080] =	vst v63  }
0xaa: {  	v3 =	vperm.xlane v3, v2  }
0xab: {  	[tilespmem:s13], [sflag:$0x1] =	stream.indirect_vreg.gather [hbm4b:s4+s2], $0x80, v4, vm0, $0xb8;
	[tilespmem:$0x10080] =	vst v63  }
0xac: {  	v3 =	vadd.s32 v1, v3  }
0xad: {  	[tilespmem:s14], [sflag:$0x1] =	stream.indirect_vreg.gather [hbm4b:s5+s2], $0x80, v4, vm0, $0xb8;
	[tilespmem:$0x10080] =	vst v63  }
0xae: {  	_ = 	snop  }
0xaf: {  	[tilespmem:s15], [sflag:$0x1] =	stream.indirect_vreg.gather [hbm4b:s6+s2], $0x80, v4, vm0, $0xb8;
	[tilespmem:$0x10080] =	vst v63  }
0xb0: {  	_ = 	snop  }
0xb1: {  	[tilespmem:s16], [sflag:$0x1] =	stream.indirect_vreg.gather [hbm4b:s3+s2], $0x80, v3, vm0, $0xb8;
	[tilespmem:$0x10080] =	vst v63  }
0xb2: {  	_ = 	snop  }
0xb3: {  	[tilespmem:s17], [sflag:$0x1] =	stream.indirect_vreg.gather [hbm4b:s4+s2], $0x80, v3, vm0, $0xb8;
	[tilespmem:$0x10080] =	vst v63  }
0xb4: {  	_ = 	snop  }
0xb5: {  	[tilespmem:s9], [sflag:$0x1] =	stream.indirect_vreg.gather [hbm4b:s5+s2], $0x80, v3, vm0, $0xb8;
	[tilespmem:$0x10080] =	vst v63  }
0xb6: {  	s19 =	simm.s32 $0xB880  }
0xb7: {  	[tilespmem:s19], [sflag:$0x1] =	stream.indirect_vreg.gather [hbm4b:s6+s2], $0x80, v3, vm0, $0xb8;
	[tilespmem:$0x10080] =	vst v63  }
0xb8: {  	v3 =	vld [tilespmem:$0x30];
	_ =	sdelay $0x4  }
0xb9: {  	v63 =	vshll.u32 v3, $0x3  }
0xba: {  	v3 =	vand.u32 $0x7, v3;
	v4 =	vand.u32 $0xFFFFFFC0, v63  }
0xbb: {  	v3 =	vor.u32 v3, v4  }
0xbc: {  	v4 =	vperm.xlane v3, v0;
	_ =	sdelay $0x1  }
0xbd: {  	v4 =	vadd.s32 v1, v4;
	_ =	sdelay $0x3  }
0xbe: {  	s19 =	simm.s32 $0xC080  }
0xbf: {  	[tilespmem:s19], [sflag:$0x1] =	stream.indirect_vreg.gather [hbm4b:s3+s2], $0x80, v4, vm0, $0xb8;
	[tilespmem:$0x10080] =	vst v63  }
0xc0: {  	v3 =	vperm.xlane v3, v2;
	s19 =	simm.s32 $0xC880  }
0xc1: {  	[tilespmem:s19], [sflag:$0x1] =	stream.indirect_vreg.gather [hbm4b:s4+s2], $0x80, v4, vm0, $0xb8;
	[tilespmem:$0x10080] =	vst v63  }
0xc2: {  	v3 =	vadd.s32 v1, v3;
	s19 =	simm.s32 $0xD080  }
0xc3: {  	[tilespmem:s19], [sflag:$0x1] =	stream.indirect_vreg.gather [hbm4b:s5+s2], $0x80, v4, vm0, $0xb8;
	[tilespmem:$0x10080] =	vst v63  }
0xc4: {  	s19 =	simm.s32 $0xD880  }
0xc5: {  	[tilespmem:s19], [sflag:$0x1] =	stream.indirect_vreg.gather [hbm4b:s6+s2], $0x80, v4, vm0, $0xb8;
	[tilespmem:$0x10080] =	vst v63  }
0xc6: {  	s19 =	simm.s32 $0xE080  }
0xc7: {  	[tilespmem:s19], [sflag:$0x1] =	stream.indirect_vreg.gather [hbm4b:s3+s2], $0x80, v3, vm0, $0xb8;
	[tilespmem:$0x10080] =	vst v63  }
0xc8: {  	s19 =	simm.s32 $0xE880  }
0xc9: {  	[tilespmem:s19], [sflag:$0x1] =	stream.indirect_vreg.gather [hbm4b:s4+s2], $0x80, v3, vm0, $0xb8;
	[tilespmem:$0x10080] =	vst v63  }
0xca: {  	s19 =	simm.s32 $0xF080  }
0xcb: {  	[tilespmem:s19], [sflag:$0x1] =	stream.indirect_vreg.gather [hbm4b:s5+s2], $0x80, v3, vm0, $0xb8;
	[tilespmem:$0x10080] =	vst v63  }
0xcc: {  	s19 =	simm.s32 $0xF880  }
0xcd: {  	[tilespmem:s19], [sflag:$0x1] =	stream.indirect_vreg.gather [hbm4b:s6+s2], $0x80, v3, vm0, $0xb8;
	[tilespmem:$0x10080] =	vst v63  }
0xce: {  	_ =	swait.ge [sflag:s18], $0x10000  }
0xcf: {  	p0 =	sne.s32 s7, $0x1;
	[sflag:s18] =	ssyncset.done $0x0  }
.Ltmp0:
0xd0: {  	s1 =	rddreg [dreg:$0x5];
	[sflag:s18] =	ssyncadd.s32 $0xFFFF0000;
	(pc) =	sbr.rel @p0 .LBB2_1-.Ltmp0, $4  }
0xd1: {  	[hbm4b:s1+s2] =	stream.linear.scatter [tilespmem:s0], [sflag:$0x2], $0x10000, $0x38;
	[tilespmem:$0x10080] =	vst v63  }
0xd2: {  	_ =	swait.ge [sflag:s8], $0x10000  }
0xd3: {  	[sflag:s8] =	ssyncset.done $0x0  }
0xd4: {  	s7 =	sadd.s32 $0xFFFFFFFF, s7;
	[sflag:s8] =	ssyncadd.s32 $0xFFFF0000  }
0xd5: {  	_ =	sfence.sel $0x180000  }
0xd6: {  	[bflag:$0x0] =	sbarrier.arrive $0xFFFF  }
0xd7: {  	_ =	strace $0x9000004A  }
0xd8: {  	s0 =	stileid.u32;
	[bflag:$0x2] =	sbarrier.arrive $0xFFFF  }
0xd9: {  	p0 =	sne.s32 s0, $0x0;
	s0 =	rddreg [dreg:$0x1]  }
0xda: {  	s0 =	sadd.s32 @!p0 $0x100000, s0  }
0xdb: {  	[sflag:s0] =	ssyncadd.tile.s32 @!p0 $0x1;
	_ =	shalt  }
.Lfunc_end2:
_tile_overlayer_lowered:
.L_overlay_start_2:
0xdc: {  	(tag) =	ssettag $0x2  }
0xdd: {  	s0 =	rddreg [dreg:$0x0];
	s2 =	stileid.u32  }
0xde: {  	s1 =	rddreg [dreg:$0x1];
	p0 =	sne.s32 s2, $0x0  }
0xdf: {  	s3 =	rddreg [dreg:$0x2];
	[bflag:$0x3] =	sbarrier.arrive $0xFFFF;
	s2 =	simm.s32 @!p0 $0x1C02  }
0xe0: {  	[timem:s3], [sflag:s2] =	dma.local @!p0 [hbm:s0], s1  }
0xe1: {  	s0 =	simm.s32 @!p0 $0x2  }
0xe2: {  	_ =	swait.ge @!p0 [sflag:s0], s1  }
0xe3: {  	s1 =	ssub.s32 @!p0 $0x0, s1;
	[sflag:s0] =	ssyncset.done @!p0 $0x0  }
0xe4: {  	[sflag:s0] =	ssyncadd.s32 @!p0 s1  }
0xe5: {  	[bflag:$0x3] =	sbarrier.arrive $0xFFFF  }
0xe6: {  	_ =	shalt  }

</sc_bundles>
